<compile_context>
chip_gen: v7x
topology: tpu7x:2x2x1
jax: 0.10.2.dev20260603
libtpu: 0.0.44.dev20260713+nightly
codegen_flags: <defaults>
</compile_context>

<pallas_src>
import functools

import jax
import jax.numpy as jnp
from jax import lax
from jax.experimental import pallas as pl
from jax.experimental.pallas import tpu as pltpu
from jax.experimental.pallas import tpu_sc as plsc

NUM_SEGMENTS = 10000
NCORE = 2
NSUB = 16
SHALF = NUM_SEGMENTS // NCORE

IDS_MINOR = 80
CHUNK = 80
NBUF = 5
SPAD = 5120
WB = 80
DUMMY = SHALF


def _sc_partials(data, ids1d):
    n, d = data.shape
    rows_per = SC_ROWS // NSUB
    nch = rows_per // CHUNK
    sub = CHUNK // IDS_MINOR
    ngrp = (nch + 15) // 16
    s_rows = SPAD // NSUB

    mesh = plsc.VectorSubcoreMesh(core_axis_name="c", subcore_axis_name="s")

    @functools.partial(
        pl.kernel,
        out_type=jax.ShapeDtypeStruct((NCORE, SPAD, d), jnp.float32),
        mesh=mesh,
        scratch_types=[
            [pltpu.VMEM((CHUNK, d), jnp.float32) for _ in range(NBUF)],
            [pltpu.VMEM((sub, IDS_MINOR), jnp.int32) for _ in range(NBUF)],
            pltpu.VMEM((rows_per,), jnp.int32),
            pltpu.VMEM((WB, d), jnp.float32),
            pltpu.VMEM_SHARED((SPAD, d), jnp.float32),
            [pltpu.SemaphoreType.DMA for _ in range(NBUF)],
            [pltpu.SemaphoreType.DMA for _ in range(NBUF)],
            pltpu.SemaphoreType.DMA,
        ],
    )
    def k(data_hbm, ids_hbm, out_hbm, rows_v, idx_v, ids_v, buf_v, acc_sh,
          sem_d, sem_s, sem_i):
        c = lax.axis_index("c")
        s = lax.axis_index("s")
        lo = c * SHALF
        base = SC_BASE + s * rows_per

        ids_copy = pltpu.async_copy(
            ids_hbm.at[pl.ds(base, rows_per)], ids_v, sem_i)

        zeros16 = jnp.zeros((16,), jnp.float32)

        def zrow(r, carry):
            for j in range(d // 16):
                buf_v[r, pl.ds(j * 16, 16)] = zeros16
            return carry

        lax.fori_loop(0, WB, zrow, 0)
        for j in range(s_rows // WB):
            pltpu.sync_copy(buf_v, acc_sh.at[pl.ds(s * s_rows + j * WB, WB)])
        plsc.subcore_barrier()
        ids_copy.wait()

        def scan_chunk(kk, carry):
            nb, na = carry
            first = ids_v[pl.ds(kk * CHUNK, 16)][0]
            last = ids_v[pl.ds(kk * CHUNK + CHUNK - 16, 16)][15]
            nb = nb + jnp.where(last < lo, 1, 0)
            na = na + jnp.where(first >= lo + SHALF, 1, 0)
            return (nb, na)

        n_below, n_above = lax.fori_loop(
            0, nch, scan_chunk, (jnp.int32(0), jnp.int32(0)))
        k_lo = n_below
        k_hi = nch - n_above
        n4 = (k_hi - k_lo + (NBUF - 1)) // NBUF
        ks_raw = k_hi - NBUF * n4
        k_start = jnp.where(ks_raw > 0, ks_raw, 0)

        def start_dma(kk, b):
            kk_eff = jnp.where(kk < nch, kk, nch - 1)
            off = base + kk_eff * CHUNK
            return pltpu.async_copy(
                data_hbm.at[pl.ds(off, CHUNK)], rows_v[b], sem_d[b])

        def wait_dma(b):
            pltpu.make_async_copy(
                data_hbm.at[pl.ds(0, CHUNK)], rows_v[b], sem_d[b]).wait()

        def drain_scatters(b):
            pltpu.make_async_copy(
                data_hbm.at[pl.ds(0, CHUNK)], rows_v[b], sem_s[b]).wait()

        @pl.when(n4 > 0)
        def _():
            for b in range(NBUF):
                start_dma(k_start + b, b)

        def body(i, carry):
            kbase = k_start + i * NBUF
            for b in range(NBUF):
                kk = kbase + b
                kk_eff = jnp.where(kk < nch, kk, nch - 1)
                oob_off = jnp.where(kk < nch, 0, 1 << 20)
                for j in range(sub):
                    for g in range(IDS_MINOR // 16):
                        ids16 = ids_v[
                            pl.ds(kk_eff * CHUNK + j * IDS_MINOR + g * 16, 16)]
                        rel = (ids16 - lo) + oob_off
                        ok = jnp.logical_and(rel >= 0, rel < SHALF)
                        idx_v[b][j, pl.ds(g * 16, 16)] = jnp.where(
                            ok, rel, DUMMY)
            for b in range(NBUF):
                wait_dma(b)
                for j in range(sub):
                    pltpu.async_copy(
                        rows_v[b].at[pl.ds(j * IDS_MINOR, IDS_MINOR)],
                        acc_sh.at[idx_v[b].at[j]],
                        sem_s[b],
                        add=True,
                    )
            for b in range(NBUF):
                drain_scatters(b)

                @pl.when(i < n4 - 1)
                def _():
                    start_dma(kbase + NBUF + b, b)

            return carry

        lax.fori_loop(0, n4, body, 0)
        plsc.subcore_barrier()

        for j in range(s_rows // WB):
            r0 = s * s_rows + j * WB
            pltpu.sync_copy(acc_sh.at[pl.ds(r0, WB)], buf_v)
            pltpu.sync_copy(buf_v, out_hbm.at[c, pl.ds(r0, WB)])

    return k(data, ids1d)


TCW = 128
TCB = 3200
SC_ROWS = 128000
SC_BASE = 96000
SPAD_TC = NUM_SEGMENTS + 2 * TCW


def _tc_partial(data3, ids3, blk0, nblk):
    d = data3.shape[-1]

    def body(data_ref, ids_ref, o_ref):
        b = pl.program_id(0)

        @pl.when(b == 0)
        def _():
            o_ref[...] = jnp.zeros((SPAD_TC, d), jnp.float32)

        idv = ids_ref[0, 0, :]
        mn = jnp.min(idv)
        mx = jnp.max(idv)
        block = data_ref[0]
        nw = (mx - mn) // TCW + 1

        def window(w, carry):
            base = mn + w * TCW
            cols = base + lax.broadcasted_iota(jnp.int32, (TCB, TCW), 1)
            onehot = (idv[:, None] == cols).astype(jnp.float32)
            partial = lax.dot_general(
                onehot, block,
                dimension_numbers=(((0,), (0,)), ((), ())),
                preferred_element_type=jnp.float32)
            o_ref[pl.ds(base, TCW), :] += partial
            return carry

        lax.fori_loop(0, nw, window, 0)

    def bmap(b):
        return jnp.where(b < SC_BASE // TCB, b, b + SC_ROWS // TCB)

    return pl.pallas_call(
        body,
        grid=(nblk,),
        in_specs=[
            pl.BlockSpec((1, TCB, d), lambda b: (bmap(b), 0, 0)),
            pl.BlockSpec((1, 1, TCB), lambda b: (bmap(b), 0, 0)),
        ],
        out_specs=pl.BlockSpec((SPAD_TC, d), lambda b: (0, 0)),
        out_shape=jax.ShapeDtypeStruct((SPAD_TC, d), jnp.float32),
    )(data3, ids3)


def _combine(partials, tc_out):
    def body(p_ref, t_ref, o_ref):
        o_ref[:SHALF] = p_ref[0, :SHALF] + t_ref[:SHALF]
        o_ref[SHALF:] = p_ref[1, :SHALF] + t_ref[SHALF:NUM_SEGMENTS]

    d = partials.shape[-1]
    return pl.pallas_call(
        body,
        out_shape=jax.ShapeDtypeStruct((NUM_SEGMENTS, d), jnp.float32),
    )(partials, tc_out)


def kernel(data, segment_ids):
    n, d = data.shape
    data3 = data.reshape(n // TCB, TCB, d)
    ids3 = segment_ids.reshape(n // TCB, 1, TCB)
    partials = _sc_partials(data, segment_ids)
    tc_out = _tc_partial(data3, ids3, 0, n // TCB - SC_ROWS // TCB)
    return _combine(partials, tc_out)

# --- scband reference (transcript-rebuilt; emitter-appended) ---
"""Pipeline reference for scband-chunk-sum-12996571037983 (READ-ONLY COPY).

The authoritative reference and input builder live on the scoring server;
editing this copy changes nothing except your own understanding.
"""

import jax, jax.numpy as jnp
import numpy as np

NUM_SEGMENTS = 10000
N = 320000
D = 128

def setup_inputs(seed: int = 0) -> dict:
    key = jax.random.key(seed)
    k1, k2 = jax.random.split(key)
    data = jax.random.normal(k1, (N, D), dtype=jnp.float32)
    segment_ids = jnp.sort(jax.random.randint(k2, (N,), 0, NUM_SEGMENTS, dtype=jnp.int32))
    return {"data": data, "segment_ids": segment_ids}

def reference(data, segment_ids):
    # ChunkSum: chunkify assigns each element a chunk (segment) id derived from its
    # coordinates floor-divided by chunk_shape; accumulate sums values landing in the
    # same chunk. With precomputed per-element chunk ids this is exactly a segment sum
    # (scatter-add) over NUM_SEGMENTS unique chunks.
    out = jax.ops.segment_sum(data, segment_ids, num_segments=NUM_SEGMENTS)
    return out

if __name__ == "__main__":
    import jax
    _d = setup_inputs()
    print(jax.jit(kernel)(*tuple(_d.values())))

</pallas_src>

<mosaic_0001>
#map = affine_map<(d0, d1) -> (0, 0)>
#map1 = affine_map<(d0, d1) -> (0)>
#map2 = affine_map<(d0, d1) -> (0, 0, 0)>
module attributes {stable_mosaic.version = 14 : i64} {
  func.func @k(%arg0: i32, %arg1: i32, %arg2: memref<320000x128xf32, #tpu.memory_space<hbm>>, %arg3: memref<320000xi32, #tpu.memory_space<hbm>>, %arg4: memref<2x5120x128xf32, #tpu.memory_space<hbm>>, %arg5: memref<80x128xf32, #tpu.memory_space<vmem>>, %arg6: memref<80x128xf32, #tpu.memory_space<vmem>>, %arg7: memref<80x128xf32, #tpu.memory_space<vmem>>, %arg8: memref<80x128xf32, #tpu.memory_space<vmem>>, %arg9: memref<80x128xf32, #tpu.memory_space<vmem>>, %arg10: memref<1x80xi32, #tpu.memory_space<vmem>>, %arg11: memref<1x80xi32, #tpu.memory_space<vmem>>, %arg12: memref<1x80xi32, #tpu.memory_space<vmem>>, %arg13: memref<1x80xi32, #tpu.memory_space<vmem>>, %arg14: memref<1x80xi32, #tpu.memory_space<vmem>>, %arg15: memref<8000xi32, #tpu.memory_space<vmem>>, %arg16: memref<80x128xf32, #tpu.memory_space<vmem>>, %arg17: memref<5120x128xf32, #tpu.memory_space<vmem_shared>>, %arg18: memref<!tpu.dma_semaphore, #tpu.memory_space<semaphore_mem>>, %arg19: memref<!tpu.dma_semaphore, #tpu.memory_space<semaphore_mem>>, %arg20: memref<!tpu.dma_semaphore, #tpu.memory_space<semaphore_mem>>, %arg21: memref<!tpu.dma_semaphore, #tpu.memory_space<semaphore_mem>>, %arg22: memref<!tpu.dma_semaphore, #tpu.memory_space<semaphore_mem>>, %arg23: memref<!tpu.dma_semaphore, #tpu.memory_space<semaphore_mem>>, %arg24: memref<!tpu.dma_semaphore, #tpu.memory_space<semaphore_mem>>, %arg25: memref<!tpu.dma_semaphore, #tpu.memory_space<semaphore_mem>>, %arg26: memref<!tpu.dma_semaphore, #tpu.memory_space<semaphore_mem>>, %arg27: memref<!tpu.dma_semaphore, #tpu.memory_space<semaphore_mem>>, %arg28: memref<!tpu.dma_semaphore, #tpu.memory_space<semaphore_mem>>) attributes {dimension_semantics = [#tpu.dimension_semantics<core_parallel>, #tpu.dimension_semantics<subcore_parallel>], iteration_bounds = array<i64: 2, 16>, scalar_prefetch = 0 : i64, scratch_operands = 24 : i64, tpu.core_type = #tpu.core_type<sc_vector_subcore>, window_params = [{transform_indices = #map}, {transform_indices = #map1}, {transform_indices = #map2}]} {
    %mul3A = arith.constant 5000 : i32
    %mul3A_0 = arith.muli %arg0, %mul3A : i32
    %mul3A_1 = arith.constant 8000 : i32
    %mul3A_2 = arith.muli %arg1, %mul3A_1 : i32
    %add3A = arith.constant 96000 : i32
    %add3A_3 = arith.addi %add3A, %mul3A_2 : i32
    %dma_start3A = tpu.memref_slice %arg3[%add3A_3] : memref<320000xi32, #tpu.memory_space<hbm>> -> memref<8000xi32, #tpu.memory_space<hbm>>
    %dma_start3A_4 = tpu.memref_slice %arg3[%add3A_3] : memref<320000xi32, #tpu.memory_space<hbm>> -> memref<8000xi32, #tpu.memory_space<hbm>>
    tpu.enqueue_dma source(%dma_start3A_4 : memref<8000xi32, #tpu.memory_space<hbm>>) target(%arg15 : memref<8000xi32, #tpu.memory_space<vmem>>) target_semaphore(%arg28 : memref<!tpu.dma_semaphore, #tpu.memory_space<semaphore_mem>>)
    %broadcast_in_dim3A = arith.constant 0.000000e+00 : f32
    %broadcast_in_dim3A_5 = vector.broadcast %broadcast_in_dim3A : f32 to vector<16xf32>
    %scan3A = arith.constant 0 : i32
    %scan3A_6 = arith.constant 0 : i32
    %scan3A_7 = arith.constant 80 : i32
    %scan3A_8 = arith.addi %scan3A_6, %scan3A_7 : i32
    %scan3A_9 = arith.constant 1 : i32
    scf.for %scan3A_92 = %scan3A_6 to %scan3A_8 step %scan3A_9  : i32 {
      %swap3A = arith.index_cast %scan3A_92 : i32 to index
      %swap3A_93 = arith.constant 0 : index
      %swap3A_94 = tpu.vector_load %arg16[%swap3A, %swap3A_93] {strides = array<i32>} : memref<80x128xf32, #tpu.memory_space<vmem>>, vector<1x16xf32>,
      %swap3A_95 = vector.shape_cast %swap3A_94 : vector<1x16xf32> to vector<16xf32>
      %swap3A_96 = vector.shape_cast %broadcast_in_dim3A_5 : vector<16xf32> to vector<1x16xf32>
      tpu.vector_store %arg16[%swap3A, %swap3A_93], %swap3A_96 {strides = array<i32>} : memref<80x128xf32, #tpu.memory_space<vmem>>, vector<1x16xf32>,
      %swap3A_97 = arith.index_cast %scan3A_92 : i32 to index
      %swap3A_98 = arith.constant 16 : index
      %swap3A_99 = tpu.vector_load %arg16[%swap3A_97, %swap3A_98] {strides = array<i32>} : memref<80x128xf32, #tpu.memory_space<vmem>>, vector<1x16xf32>,
      %swap3A_100 = vector.shape_cast %swap3A_99 : vector<1x16xf32> to vector<16xf32>
      %swap3A_101 = vector.shape_cast %broadcast_in_dim3A_5 : vector<16xf32> to vector<1x16xf32>
      tpu.vector_store %arg16[%swap3A_97, %swap3A_98], %swap3A_101 {strides = array<i32>} : memref<80x128xf32, #tpu.memory_space<vmem>>, vector<1x16xf32>,
      %swap3A_102 = arith.index_cast %scan3A_92 : i32 to index
      %swap3A_103 = arith.constant 32 : index
      %swap3A_104 = tpu.vector_load %arg16[%swap3A_102, %swap3A_103] {strides = array<i32>} : memref<80x128xf32, #tpu.memory_space<vmem>>, vector<1x16xf32>,
      %swap3A_105 = vector.shape_cast %swap3A_104 : vector<1x16xf32> to vector<16xf32>
      %swap3A_106 = vector.shape_cast %broadcast_in_dim3A_5 : vector<16xf32> to vector<1x16xf32>
      tpu.vector_store %arg16[%swap3A_102, %swap3A_103], %swap3A_106 {strides = array<i32>} : memref<80x128xf32, #tpu.memory_space<vmem>>, vector<1x16xf32>,
      %swap3A_107 = arith.index_cast %scan3A_92 : i32 to index
      %swap3A_108 = arith.constant 48 : index
      %swap3A_109 = tpu.vector_load %arg16[%swap3A_107, %swap3A_108] {strides = array<i32>} : memref<80x128xf32, #tpu.memory_space<vmem>>, vector<1x16xf32>,
      %swap3A_110 = vector.shape_cast %swap3A_109 : vector<1x16xf32> to vector<16xf32>
      %swap3A_111 = vector.shape_cast %broadcast_in_dim3A_5 : vector<16xf32> to vector<1x16xf32>
      tpu.vector_store %arg16[%swap3A_107, %swap3A_108], %swap3A_111 {strides = array<i32>} : memref<80x128xf32, #tpu.memory_space<vmem>>, vector<1x16xf32>,
      %swap3A_112 = arith.index_cast %scan3A_92 : i32 to index
      %swap3A_113 = arith.constant 64 : index
      %swap3A_114 = tpu.vector_load %arg16[%swap3A_112, %swap3A_113] {strides = array<i32>} : memref<80x128xf32, #tpu.memory_space<vmem>>, vector<1x16xf32>,
      %swap3A_115 = vector.shape_cast %swap3A_114 : vector<1x16xf32> to vector<16xf32>
      %swap3A_116 = vector.shape_cast %broadcast_in_dim3A_5 : vector<16xf32> to vector<1x16xf32>
      tpu.vector_store %arg16[%swap3A_112, %swap3A_113], %swap3A_116 {strides = array<i32>} : memref<80x128xf32, #tpu.memory_space<vmem>>, vector<1x16xf32>,
      %swap3A_117 = arith.index_cast %scan3A_92 : i32 to index
      %swap3A_118 = arith.constant 80 : index
      %swap3A_119 = tpu.vector_load %arg16[%swap3A_117, %swap3A_118] {strides = array<i32>} : memref<80x128xf32, #tpu.memory_space<vmem>>, vector<1x16xf32>,
      %swap3A_120 = vector.shape_cast %swap3A_119 : vector<1x16xf32> to vector<16xf32>
      %swap3A_121 = vector.shape_cast %broadcast_in_dim3A_5 : vector<16xf32> to vector<1x16xf32>
      tpu.vector_store %arg16[%swap3A_117, %swap3A_118], %swap3A_121 {strides = array<i32>} : memref<80x128xf32, #tpu.memory_space<vmem>>, vector<1x16xf32>,
      %swap3A_122 = arith.index_cast %scan3A_92 : i32 to index
      %swap3A_123 = arith.constant 96 : index
      %swap3A_124 = tpu.vector_load %arg16[%swap3A_122, %swap3A_123] {strides = array<i32>} : memref<80x128xf32, #tpu.memory_space<vmem>>, vector<1x16xf32>,
      %swap3A_125 = vector.shape_cast %swap3A_124 : vector<1x16xf32> to vector<16xf32>
      %swap3A_126 = vector.shape_cast %broadcast_in_dim3A_5 : vector<16xf32> to vector<1x16xf32>
      tpu.vector_store %arg16[%swap3A_122, %swap3A_123], %swap3A_126 {strides = array<i32>} : memref<80x128xf32, #tpu.memory_space<vmem>>, vector<1x16xf32>,
      %swap3A_127 = arith.index_cast %scan3A_92 : i32 to index
      %swap3A_128 = arith.constant 112 : index
      %swap3A_129 = tpu.vector_load %arg16[%swap3A_127, %swap3A_128] {strides = array<i32>} : memref<80x128xf32, #tpu.memory_space<vmem>>, vector<1x16xf32>,
      %swap3A_130 = vector.shape_cast %swap3A_129 : vector<1x16xf32> to vector<16xf32>
      %swap3A_131 = vector.shape_cast %broadcast_in_dim3A_5 : vector<16xf32> to vector<1x16xf32>
      tpu.vector_store %arg16[%swap3A_127, %swap3A_128], %swap3A_131 {strides = array<i32>} : memref<80x128xf32, #tpu.memory_space<vmem>>, vector<1x16xf32>,
    }
    %scan3A_10 = arith.constant 80 : i32
    %mul3A_11 = arith.constant 320 : i32
    %mul3A_12 = arith.muli %arg1, %mul3A_11 : i32
    %add3A_13 = arith.constant 0 : i32
    %add3A_14 = arith.addi %mul3A_12, %add3A_13 : i32
    "tpu.region"() ({
      %run_scoped3A = tpu.sem_alloc : memref<!tpu.dma_semaphore, #tpu.memory_space<semaphore_mem>>
      %dma_start3A_92 = arith.constant 0 : i32
      %dma_start3A_93 = tpu.memref_slice %arg17[%add3A_14, %dma_start3A_92] : memref<5120x128xf32, #tpu.memory_space<vmem_shared>> -> memref<80x128xf32, #tpu.memory_space<vmem_shared>>
      %dma_start3A_94 = arith.constant 0 : i32
      %dma_start3A_95 = tpu.memref_slice %arg17[%add3A_14, %dma_start3A_94] : memref<5120x128xf32, #tpu.memory_space<vmem_shared>> -> memref<80x128xf32, #tpu.memory_space<vmem_shared>>
      tpu.enqueue_dma source(%arg16 : memref<80x128xf32, #tpu.memory_space<vmem>>) target(%dma_start3A_95 : memref<80x128xf32, #tpu.memory_space<vmem_shared>>) target_semaphore(%run_scoped3A : memref<!tpu.dma_semaphore, #tpu.memory_space<semaphore_mem>>)
      %dma_wait3A_96 = arith.constant 0 : i32
      %dma_wait3A_97 = tpu.memref_slice %arg17[%add3A_14, %dma_wait3A_96] : memref<5120x128xf32, #tpu.memory_space<vmem_shared>> -> memref<80x128xf32, #tpu.memory_space<vmem_shared>>
      %dma_wait3A_98 = arith.constant 0 : i32
      %dma_wait3A_99 = tpu.memref_slice %arg17[%add3A_14, %dma_wait3A_98] : memref<5120x128xf32, #tpu.memory_space<vmem_shared>> -> memref<80x128xf32, #tpu.memory_space<vmem_shared>>
      tpu.wait_dma2 semaphore(%run_scoped3A : memref<!tpu.dma_semaphore, #tpu.memory_space<semaphore_mem>>) src(%arg16 : memref<80x128xf32, #tpu.memory_space<vmem>>) dst(%dma_wait3A_99 : memref<80x128xf32, #tpu.memory_space<vmem_shared>>)
      tpu.yield
    }) : () -> ()
    %mul3A_15 = arith.constant 320 : i32
    %mul3A_16 = arith.muli %arg1, %mul3A_15 : i32
    %add3A_17 = arith.constant 80 : i32
    %add3A_18 = arith.addi %mul3A_16, %add3A_17 : i32
    "tpu.region"() ({
      %run_scoped3A = tpu.sem_alloc : memref<!tpu.dma_semaphore, #tpu.memory_space<semaphore_mem>>
      %dma_start3A_92 = arith.constant 0 : i32
      %dma_start3A_93 = tpu.memref_slice %arg17[%add3A_18, %dma_start3A_92] : memref<5120x128xf32, #tpu.memory_space<vmem_shared>> -> memref<80x128xf32, #tpu.memory_space<vmem_shared>>
      %dma_start3A_94 = arith.constant 0 : i32
      %dma_start3A_95 = tpu.memref_slice %arg17[%add3A_18, %dma_start3A_94] : memref<5120x128xf32, #tpu.memory_space<vmem_shared>> -> memref<80x128xf32, #tpu.memory_space<vmem_shared>>
      tpu.enqueue_dma source(%arg16 : memref<80x128xf32, #tpu.memory_space<vmem>>) target(%dma_start3A_95 : memref<80x128xf32, #tpu.memory_space<vmem_shared>>) target_semaphore(%run_scoped3A : memref<!tpu.dma_semaphore, #tpu.memory_space<semaphore_mem>>)
      %dma_wait3A_96 = arith.constant 0 : i32
      %dma_wait3A_97 = tpu.memref_slice %arg17[%add3A_18, %dma_wait3A_96] : memref<5120x128xf32, #tpu.memory_space<vmem_shared>> -> memref<80x128xf32, #tpu.memory_space<vmem_shared>>
      %dma_wait3A_98 = arith.constant 0 : i32
      %dma_wait3A_99 = tpu.memref_slice %arg17[%add3A_18, %dma_wait3A_98] : memref<5120x128xf32, #tpu.memory_space<vmem_shared>> -> memref<80x128xf32, #tpu.memory_space<vmem_shared>>
      tpu.wait_dma2 semaphore(%run_scoped3A : memref<!tpu.dma_semaphore, #tpu.memory_space<semaphore_mem>>) src(%arg16 : memref<80x128xf32, #tpu.memory_space<vmem>>) dst(%dma_wait3A_99 : memref<80x128xf32, #tpu.memory_space<vmem_shared>>)
      tpu.yield
    }) : () -> ()
    %mul3A_19 = arith.constant 320 : i32
    %mul3A_20 = arith.muli %arg1, %mul3A_19 : i32
    %add3A_21 = arith.constant 160 : i32
    %add3A_22 = arith.addi %mul3A_20, %add3A_21 : i32
    "tpu.region"() ({
      %run_scoped3A = tpu.sem_alloc : memref<!tpu.dma_semaphore, #tpu.memory_space<semaphore_mem>>
      %dma_start3A_92 = arith.constant 0 : i32
      %dma_start3A_93 = tpu.memref_slice %arg17[%add3A_22, %dma_start3A_92] : memref<5120x128xf32, #tpu.memory_space<vmem_shared>> -> memref<80x128xf32, #tpu.memory_space<vmem_shared>>
      %dma_start3A_94 = arith.constant 0 : i32
      %dma_start3A_95 = tpu.memref_slice %arg17[%add3A_22, %dma_start3A_94] : memref<5120x128xf32, #tpu.memory_space<vmem_shared>> -> memref<80x128xf32, #tpu.memory_space<vmem_shared>>
      tpu.enqueue_dma source(%arg16 : memref<80x128xf32, #tpu.memory_space<vmem>>) target(%dma_start3A_95 : memref<80x128xf32, #tpu.memory_space<vmem_shared>>) target_semaphore(%run_scoped3A : memref<!tpu.dma_semaphore, #tpu.memory_space<semaphore_mem>>)
      %dma_wait3A_96 = arith.constant 0 : i32
      %dma_wait3A_97 = tpu.memref_slice %arg17[%add3A_22, %dma_wait3A_96] : memref<5120x128xf32, #tpu.memory_space<vmem_shared>> -> memref<80x128xf32, #tpu.memory_space<vmem_shared>>
      %dma_wait3A_98 = arith.constant 0 : i32
      %dma_wait3A_99 = tpu.memref_slice %arg17[%add3A_22, %dma_wait3A_98] : memref<5120x128xf32, #tpu.memory_space<vmem_shared>> -> memref<80x128xf32, #tpu.memory_space<vmem_shared>>
      tpu.wait_dma2 semaphore(%run_scoped3A : memref<!tpu.dma_semaphore, #tpu.memory_space<semaphore_mem>>) src(%arg16 : memref<80x128xf32, #tpu.memory_space<vmem>>) dst(%dma_wait3A_99 : memref<80x128xf32, #tpu.memory_space<vmem_shared>>)
      tpu.yield
    }) : () -> ()
    %mul3A_23 = arith.constant 320 : i32
    %mul3A_24 = arith.muli %arg1, %mul3A_23 : i32
    %add3A_25 = arith.constant 240 : i32
    %add3A_26 = arith.addi %mul3A_24, %add3A_25 : i32
    "tpu.region"() ({
      %run_scoped3A = tpu.sem_alloc : memref<!tpu.dma_semaphore, #tpu.memory_space<semaphore_mem>>
      %dma_start3A_92 = arith.constant 0 : i32
      %dma_start3A_93 = tpu.memref_slice %arg17[%add3A_26, %dma_start3A_92] : memref<5120x128xf32, #tpu.memory_space<vmem_shared>> -> memref<80x128xf32, #tpu.memory_space<vmem_shared>>
      %dma_start3A_94 = arith.constant 0 : i32
      %dma_start3A_95 = tpu.memref_slice %arg17[%add3A_26, %dma_start3A_94] : memref<5120x128xf32, #tpu.memory_space<vmem_shared>> -> memref<80x128xf32, #tpu.memory_space<vmem_shared>>
      tpu.enqueue_dma source(%arg16 : memref<80x128xf32, #tpu.memory_space<vmem>>) target(%dma_start3A_95 : memref<80x128xf32, #tpu.memory_space<vmem_shared>>) target_semaphore(%run_scoped3A : memref<!tpu.dma_semaphore, #tpu.memory_space<semaphore_mem>>)
      %dma_wait3A_96 = arith.constant 0 : i32
      %dma_wait3A_97 = tpu.memref_slice %arg17[%add3A_26, %dma_wait3A_96] : memref<5120x128xf32, #tpu.memory_space<vmem_shared>> -> memref<80x128xf32, #tpu.memory_space<vmem_shared>>
      %dma_wait3A_98 = arith.constant 0 : i32
      %dma_wait3A_99 = tpu.memref_slice %arg17[%add3A_26, %dma_wait3A_98] : memref<5120x128xf32, #tpu.memory_space<vmem_shared>> -> memref<80x128xf32, #tpu.memory_space<vmem_shared>>
      tpu.wait_dma2 semaphore(%run_scoped3A : memref<!tpu.dma_semaphore, #tpu.memory_space<semaphore_mem>>) src(%arg16 : memref<80x128xf32, #tpu.memory_space<vmem>>) dst(%dma_wait3A_99 : memref<80x128xf32, #tpu.memory_space<vmem_shared>>)
      tpu.yield
    }) : () -> ()
    %barrier3A = arith.constant 0 : index
    tpu.barrier barrier_id(%barrier3A)
    %dma_wait3A = tpu.memref_slice %arg3[%add3A_3] : memref<320000xi32, #tpu.memory_space<hbm>> -> memref<8000xi32, #tpu.memory_space<hbm>>
    %dma_wait3A_27 = tpu.memref_slice %arg3[%add3A_3] : memref<320000xi32, #tpu.memory_space<hbm>> -> memref<8000xi32, #tpu.memory_space<hbm>>
    tpu.wait_dma2 semaphore(%arg28 : memref<!tpu.dma_semaphore, #tpu.memory_space<semaphore_mem>>) src(%dma_wait3A_27 : memref<8000xi32, #tpu.memory_space<hbm>>) dst(%arg15 : memref<8000xi32, #tpu.memory_space<vmem>>)
    %scan3A_28 = arith.constant 0 : i32
    %scan3A_29 = arith.constant 0 : i32
    %scan3A_30 = arith.constant 0 : i32
    %scan3A_31 = arith.constant 100 : i32
    %scan3A_32 = arith.addi %scan3A_30, %scan3A_31 : i32
    %scan3A_33 = arith.constant 1 : i32
    %scan3A_34:2 = scf.for %scan3A_92 = %scan3A_30 to %scan3A_32 step %scan3A_33 iter_args(%scan3A_93 = %scan3A_28, %scan3A_94 = %scan3A_29) -> (i32, i32)  : i32 {
      %mul3A_95 = arith.constant 80 : i32
      %mul3A_96 = arith.muli %scan3A_92, %mul3A_95 : i32
      %get3A = arith.index_cast %mul3A_96 : i32 to index
      %get3A_97 = tpu.vector_load %arg15[%get3A] {strides = array<i32>} : memref<8000xi32, #tpu.memory_space<vmem>>, vector<16xi32>,
      %get3A_98 = vector.shape_cast %get3A_97 : vector<16xi32> to vector<16xi32>
      %slice3A = vector.extract_strided_slice %get3A_98 {offsets = [0], sizes = [1], strides = [1]} : vector<16xi32> to vector<1xi32>
      %squeeze3A = vector.extract %slice3A[0] : i32 from vector<1xi32>
      %mul3A_99 = arith.constant 80 : i32
      %mul3A_100 = arith.muli %scan3A_92, %mul3A_99 : i32
      %add3A_101 = arith.constant 80 : i32
      %add3A_102 = arith.addi %mul3A_100, %add3A_101 : i32
      %sub3A_103 = arith.constant 16 : i32
      %sub3A_104 = arith.subi %add3A_102, %sub3A_103 : i32
      %get3A_105 = arith.index_cast %sub3A_104 : i32 to index
      %get3A_106 = tpu.vector_load %arg15[%get3A_105] {strides = array<i32>} : memref<8000xi32, #tpu.memory_space<vmem>>, vector<16xi32>,
      %get3A_107 = vector.shape_cast %get3A_106 : vector<16xi32> to vector<16xi32>
      %slice3A_108 = vector.extract_strided_slice %get3A_107 {offsets = [15], sizes = [1], strides = [1]} : vector<16xi32> to vector<1xi32>
      %squeeze3A_109 = vector.extract %slice3A_108[0] : i32 from vector<1xi32>
      %lt3A = arith.cmpi slt, %squeeze3A_109, %mul3A_0 : i32
      %jit3A_110 = arith.constant 1 : i32
      %jit3A_111 = arith.constant 0 : i32
      %select_n3A_112 = arith.select %lt3A, %jit3A_110, %jit3A_111 : i32
      %add3A_113 = arith.addi %scan3A_93, %select_n3A_112 : i32
      %add3A_114 = arith.constant 5000 : i32
      %add3A_115 = arith.addi %mul3A_0, %add3A_114 : i32
      %ge3A = arith.cmpi sge, %squeeze3A, %add3A_115 : i32
      %jit3A_116 = arith.constant 1 : i32
      %jit3A_117 = arith.constant 0 : i32
      %select_n3A_118 = arith.select %ge3A, %jit3A_116, %jit3A_117 : i32
      %add3A_119 = arith.addi %scan3A_94, %select_n3A_118 : i32
      scf.yield %add3A_113, %add3A_119 : i32, i32
    }
    %scan3A_35 = arith.constant 100 : i32
    %sub3A = arith.constant 100 : i32
    %sub3A_36 = arith.subi %sub3A, %scan3A_34#1 : i32
    %sub3A_37 = arith.subi %sub3A_36, %scan3A_34#0 : i32
    %add3A_38 = arith.constant 4 : i32
    %add3A_39 = arith.addi %sub3A_37, %add3A_38 : i32
    %jit3A = arith.constant 5 : i32
    %div3A = arith.divsi %add3A_39, %jit3A : i32
    %sign3A = arith.constant 0 : i32
    %sign3A_40 = arith.cmpi sgt, %add3A_39, %sign3A : i32
    %sign3A_41 = arith.extui %sign3A_40 : i1 to i32
    %sign3A_42 = arith.constant 0 : i32
    %sign3A_43 = arith.cmpi slt, %add3A_39, %sign3A_42 : i32
    %sign3A_44 = arith.extui %sign3A_43 : i1 to i32
    %sign3A_45 = arith.subi %sign3A_41, %sign3A_44 : i32
    %sign3A_46 = arith.constant 0 : i32
    %sign3A_47 = arith.cmpi sgt, %jit3A, %sign3A_46 : i32
    %sign3A_48 = arith.extui %sign3A_47 : i1 to i32
    %sign3A_49 = arith.constant 0 : i32
    %sign3A_50 = arith.cmpi slt, %jit3A, %sign3A_49 : i32
    %sign3A_51 = arith.extui %sign3A_50 : i1 to i32
    %sign3A_52 = arith.subi %sign3A_48, %sign3A_51 : i32
    %ne3A = arith.cmpi ne, %sign3A_45, %sign3A_52 : i32
    %rem3A = arith.remsi %add3A_39, %jit3A : i32
    %ne3A_53 = arith.constant 0 : i32
    %ne3A_54 = arith.cmpi ne, %rem3A, %ne3A_53 : i32
    %and3A = arith.andi %ne3A, %ne3A_54 : i1
    %sub3A_55 = arith.constant 1 : i32
    %sub3A_56 = arith.subi %div3A, %sub3A_55 : i32
    %select_n3A = arith.select %and3A, %sub3A_56, %div3A : i32
    %mul3A_57 = arith.constant 5 : i32
    %mul3A_58 = arith.muli %mul3A_57, %select_n3A : i32
    %sub3A_59 = arith.subi %sub3A_36, %mul3A_58 : i32
    %gt3A = arith.constant 0 : i32
    %gt3A_60 = arith.cmpi sgt, %sub3A_59, %gt3A : i32
    %jit3A_61 = arith.constant 0 : i32
    %select_n3A_62 = arith.select %gt3A_60, %sub3A_59, %jit3A_61 : i32
    %gt3A_63 = arith.constant 0 : i32
    %gt3A_64 = arith.cmpi sgt, %select_n3A, %gt3A_63 : i32
    %convert_element_type3A = arith.extui %gt3A_64 : i1 to i32
    %cond3A = arith.constant 0 : i32
    %cond3A_65 = arith.cmpi ne, %convert_element_type3A, %cond3A : i32
    scf.if %cond3A_65 {
      %add3A_92 = arith.constant 0 : i32
      %add3A_93 = arith.addi %select_n3A_62, %add3A_92 : i32
      %lt3A = arith.constant 100 : i32
      %lt3A_94 = arith.cmpi slt, %add3A_93, %lt3A : i32
      %jit3A_95 = arith.constant 99 : i32
      %select_n3A_96 = arith.select %lt3A_94, %add3A_93, %jit3A_95 : i32
      %mul3A_97 = arith.constant 80 : i32
      %mul3A_98 = arith.muli %select_n3A_96, %mul3A_97 : i32
      %add3A_99 = arith.addi %add3A_3, %mul3A_98 : i32
      %dma_start3A_100 = arith.constant 0 : i32
      %dma_start3A_101 = tpu.memref_slice %arg2[%add3A_99, %dma_start3A_100] : memref<320000x128xf32, #tpu.memory_space<hbm>> -> memref<80x128xf32, #tpu.memory_space<hbm>>
      %dma_start3A_102 = arith.constant 0 : i32
      %dma_start3A_103 = tpu.memref_slice %arg2[%add3A_99, %dma_start3A_102] : memref<320000x128xf32, #tpu.memory_space<hbm>> -> memref<80x128xf32, #tpu.memory_space<hbm>>
      tpu.enqueue_dma source(%dma_start3A_103 : memref<80x128xf32, #tpu.memory_space<hbm>>) target(%arg5 : memref<80x128xf32, #tpu.memory_space<vmem>>) target_semaphore(%arg18 : memref<!tpu.dma_semaphore, #tpu.memory_space<semaphore_mem>>)
      %add3A_104 = arith.constant 1 : i32
      %add3A_105 = arith.addi %select_n3A_62, %add3A_104 : i32
      %lt3A_106 = arith.constant 100 : i32
      %lt3A_107 = arith.cmpi slt, %add3A_105, %lt3A_106 : i32
      %jit3A_108 = arith.constant 99 : i32
      %select_n3A_109 = arith.select %lt3A_107, %add3A_105, %jit3A_108 : i32
      %mul3A_110 = arith.constant 80 : i32
      %mul3A_111 = arith.muli %select_n3A_109, %mul3A_110 : i32
      %add3A_112 = arith.addi %add3A_3, %mul3A_111 : i32
      %dma_start3A_113 = arith.constant 0 : i32
      %dma_start3A_114 = tpu.memref_slice %arg2[%add3A_112, %dma_start3A_113] : memref<320000x128xf32, #tpu.memory_space<hbm>> -> memref<80x128xf32, #tpu.memory_space<hbm>>
      %dma_start3A_115 = arith.constant 0 : i32
      %dma_start3A_116 = tpu.memref_slice %arg2[%add3A_112, %dma_start3A_115] : memref<320000x128xf32, #tpu.memory_space<hbm>> -> memref<80x128xf32, #tpu.memory_space<hbm>>
      tpu.enqueue_dma source(%dma_start3A_116 : memref<80x128xf32, #tpu.memory_space<hbm>>) target(%arg6 : memref<80x128xf32, #tpu.memory_space<vmem>>) target_semaphore(%arg19 : memref<!tpu.dma_semaphore, #tpu.memory_space<semaphore_mem>>)
      %add3A_117 = arith.constant 2 : i32
      %add3A_118 = arith.addi %select_n3A_62, %add3A_117 : i32
      %lt3A_119 = arith.constant 100 : i32
      %lt3A_120 = arith.cmpi slt, %add3A_118, %lt3A_119 : i32
      %jit3A_121 = arith.constant 99 : i32
      %select_n3A_122 = arith.select %lt3A_120, %add3A_118, %jit3A_121 : i32
      %mul3A_123 = arith.constant 80 : i32
      %mul3A_124 = arith.muli %select_n3A_122, %mul3A_123 : i32
      %add3A_125 = arith.addi %add3A_3, %mul3A_124 : i32
      %dma_start3A_126 = arith.constant 0 : i32
      %dma_start3A_127 = tpu.memref_slice %arg2[%add3A_125, %dma_start3A_126] : memref<320000x128xf32, #tpu.memory_space<hbm>> -> memref<80x128xf32, #tpu.memory_space<hbm>>
      %dma_start3A_128 = arith.constant 0 : i32
      %dma_start3A_129 = tpu.memref_slice %arg2[%add3A_125, %dma_start3A_128] : memref<320000x128xf32, #tpu.memory_space<hbm>> -> memref<80x128xf32, #tpu.memory_space<hbm>>
      tpu.enqueue_dma source(%dma_start3A_129 : memref<80x128xf32, #tpu.memory_space<hbm>>) target(%arg7 : memref<80x128xf32, #tpu.memory_space<vmem>>) target_semaphore(%arg20 : memref<!tpu.dma_semaphore, #tpu.memory_space<semaphore_mem>>)
      %add3A_130 = arith.constant 3 : i32
      %add3A_131 = arith.addi %select_n3A_62, %add3A_130 : i32
      %lt3A_132 = arith.constant 100 : i32
      %lt3A_133 = arith.cmpi slt, %add3A_131, %lt3A_132 : i32
      %jit3A_134 = arith.constant 99 : i32
      %select_n3A_135 = arith.select %lt3A_133, %add3A_131, %jit3A_134 : i32
      %mul3A_136 = arith.constant 80 : i32
      %mul3A_137 = arith.muli %select_n3A_135, %mul3A_136 : i32
      %add3A_138 = arith.addi %add3A_3, %mul3A_137 : i32
      %dma_start3A_139 = arith.constant 0 : i32
      %dma_start3A_140 = tpu.memref_slice %arg2[%add3A_138, %dma_start3A_139] : memref<320000x128xf32, #tpu.memory_space<hbm>> -> memref<80x128xf32, #tpu.memory_space<hbm>>
      %dma_start3A_141 = arith.constant 0 : i32
      %dma_start3A_142 = tpu.memref_slice %arg2[%add3A_138, %dma_start3A_141] : memref<320000x128xf32, #tpu.memory_space<hbm>> -> memref<80x128xf32, #tpu.memory_space<hbm>>
      tpu.enqueue_dma source(%dma_start3A_142 : memref<80x128xf32, #tpu.memory_space<hbm>>) target(%arg8 : memref<80x128xf32, #tpu.memory_space<vmem>>) target_semaphore(%arg21 : memref<!tpu.dma_semaphore, #tpu.memory_space<semaphore_mem>>)
      %add3A_143 = arith.constant 4 : i32
      %add3A_144 = arith.addi %select_n3A_62, %add3A_143 : i32
      %lt3A_145 = arith.constant 100 : i32
      %lt3A_146 = arith.cmpi slt, %add3A_144, %lt3A_145 : i32
      %jit3A_147 = arith.constant 99 : i32
      %select_n3A_148 = arith.select %lt3A_146, %add3A_144, %jit3A_147 : i32
      %mul3A_149 = arith.constant 80 : i32
      %mul3A_150 = arith.muli %select_n3A_148, %mul3A_149 : i32
      %add3A_151 = arith.addi %add3A_3, %mul3A_150 : i32
      %dma_start3A_152 = arith.constant 0 : i32
      %dma_start3A_153 = tpu.memref_slice %arg2[%add3A_151, %dma_start3A_152] : memref<320000x128xf32, #tpu.memory_space<hbm>> -> memref<80x128xf32, #tpu.memory_space<hbm>>
      %dma_start3A_154 = arith.constant 0 : i32
      %dma_start3A_155 = tpu.memref_slice %arg2[%add3A_151, %dma_start3A_154] : memref<320000x128xf32, #tpu.memory_space<hbm>> -> memref<80x128xf32, #tpu.memory_space<hbm>>
      tpu.enqueue_dma source(%dma_start3A_155 : memref<80x128xf32, #tpu.memory_space<hbm>>) target(%arg9 : memref<80x128xf32, #tpu.memory_space<vmem>>) target_semaphore(%arg22 : memref<!tpu.dma_semaphore, #tpu.memory_space<semaphore_mem>>)
    } else {
    }
    %while3A = arith.constant 0 : i32
    %while3A_66 = arith.constant 0 : i32
    %while3A_67 = arith.subi %select_n3A, %while3A_66 : i32
    %while3A_68 = arith.addi %while3A_66, %while3A_67 : i32
    %while3A_69 = arith.constant 1 : i32
    %while3A_70 = arith.divsi %while3A_67, %while3A_69 : i32
    %while3A_71 = arith.muli %while3A_70, %while3A_69 : i32
    %while3A_72 = arith.addi %while3A_66, %while3A_71 : i32
    %while3A_73 = arith.constant 1 : i32
    scf.for %while3A_92 = %while3A_66 to %while3A_72 step %while3A_73  : i32 {
      %mul3A_93 = arith.constant 5 : i32
      %mul3A_94 = arith.muli %while3A_92, %mul3A_93 : i32
      %add3A_95 = arith.addi %select_n3A_62, %mul3A_94 : i32
      %add3A_96 = arith.constant 0 : i32
      %add3A_97 = arith.addi %add3A_95, %add3A_96 : i32
      %lt3A = arith.constant 100 : i32
      %lt3A_98 = arith.cmpi slt, %add3A_97, %lt3A : i32
      %jit3A_99 = arith.constant 99 : i32
      %select_n3A_100 = arith.select %lt3A_98, %add3A_97, %jit3A_99 : i32
      %lt3A_101 = arith.constant 100 : i32
      %lt3A_102 = arith.cmpi slt, %add3A_97, %lt3A_101 : i32
      %jit3A_103 = arith.constant 0 : i32
      %jit3A_104 = arith.constant 1048576 : i32
      %select_n3A_105 = arith.select %lt3A_102, %jit3A_103, %jit3A_104 : i32
      %mul3A_106 = arith.constant 80 : i32
      %mul3A_107 = arith.muli %select_n3A_100, %mul3A_106 : i32
      %add3A_108 = arith.constant 0 : i32
      %add3A_109 = arith.addi %mul3A_107, %add3A_108 : i32
      %add3A_110 = arith.constant 0 : i32
      %add3A_111 = arith.addi %add3A_109, %add3A_110 : i32
      %get3A = arith.index_cast %add3A_111 : i32 to index
      %get3A_112 = tpu.vector_load %arg15[%get3A] {strides = array<i32>} : memref<8000xi32, #tpu.memory_space<vmem>>, vector<16xi32>,
      %get3A_113 = vector.shape_cast %get3A_112 : vector<16xi32> to vector<16xi32>
      %sub3A_114 = vector.broadcast %mul3A_0 : i32 to vector<16xi32>
      %sub3A_115 = arith.subi %get3A_113, %sub3A_114 : vector<16xi32>
      %add3A_116 = vector.broadcast %select_n3A_105 : i32 to vector<16xi32>
      %add3A_117 = arith.addi %sub3A_115, %add3A_116 : vector<16xi32>
      %ge3A = arith.constant 0 : i32
      %ge3A_118 = vector.broadcast %ge3A : i32 to vector<16xi32>
      %ge3A_119 = arith.cmpi sge, %add3A_117, %ge3A_118 : vector<16xi32>
      %lt3A_120 = arith.constant 5000 : i32
      %lt3A_121 = vector.broadcast %lt3A_120 : i32 to vector<16xi32>
      %lt3A_122 = arith.cmpi slt, %add3A_117, %lt3A_121 : vector<16xi32>
      %and3A_123 = arith.andi %ge3A_119, %lt3A_122 : vector<16xi1>
      %jit3A_124 = arith.constant 5000 : i32
      %broadcast_in_dim3A_125 = vector.broadcast %jit3A_124 : i32 to vector<16xi32>
      %select_n3A_126 = arith.select %and3A_123, %add3A_117, %broadcast_in_dim3A_125 : vector<16xi1>, vector<16xi32>
      %swap3A = arith.constant 0 : i32
      %swap3A_127 = arith.index_cast %swap3A : i32 to index
      %swap3A_128 = arith.constant 0 : index
      %swap3A_129 = tpu.vector_load %arg10[%swap3A_127, %swap3A_128] {strides = array<i32>} : memref<1x80xi32, #tpu.memory_space<vmem>>, vector<1x16xi32>,
      %swap3A_130 = vector.shape_cast %swap3A_129 : vector<1x16xi32> to vector<16xi32>
      %swap3A_131 = vector.shape_cast %select_n3A_126 : vector<16xi32> to vector<1x16xi32>
      tpu.vector_store %arg10[%swap3A_127, %swap3A_128], %swap3A_131 {strides = array<i32>} : memref<1x80xi32, #tpu.memory_space<vmem>>, vector<1x16xi32>,
      %mul3A_132 = arith.constant 80 : i32
      %mul3A_133 = arith.muli %select_n3A_100, %mul3A_132 : i32
      %add3A_134 = arith.constant 0 : i32
      %add3A_135 = arith.addi %mul3A_133, %add3A_134 : i32
      %add3A_136 = arith.constant 16 : i32
      %add3A_137 = arith.addi %add3A_135, %add3A_136 : i32
      %get3A_138 = arith.index_cast %add3A_137 : i32 to index
      %get3A_139 = tpu.vector_load %arg15[%get3A_138] {strides = array<i32>} : memref<8000xi32, #tpu.memory_space<vmem>>, vector<16xi32>,
      %get3A_140 = vector.shape_cast %get3A_139 : vector<16xi32> to vector<16xi32>
      %sub3A_141 = vector.broadcast %mul3A_0 : i32 to vector<16xi32>
      %sub3A_142 = arith.subi %get3A_140, %sub3A_141 : vector<16xi32>
      %add3A_143 = vector.broadcast %select_n3A_105 : i32 to vector<16xi32>
      %add3A_144 = arith.addi %sub3A_142, %add3A_143 : vector<16xi32>
      %ge3A_145 = arith.constant 0 : i32
      %ge3A_146 = vector.broadcast %ge3A_145 : i32 to vector<16xi32>
      %ge3A_147 = arith.cmpi sge, %add3A_144, %ge3A_146 : vector<16xi32>
      %lt3A_148 = arith.constant 5000 : i32
      %lt3A_149 = vector.broadcast %lt3A_148 : i32 to vector<16xi32>
      %lt3A_150 = arith.cmpi slt, %add3A_144, %lt3A_149 : vector<16xi32>
      %and3A_151 = arith.andi %ge3A_147, %lt3A_150 : vector<16xi1>
      %jit3A_152 = arith.constant 5000 : i32
      %broadcast_in_dim3A_153 = vector.broadcast %jit3A_152 : i32 to vector<16xi32>
      %select_n3A_154 = arith.select %and3A_151, %add3A_144, %broadcast_in_dim3A_153 : vector<16xi1>, vector<16xi32>
      %swap3A_155 = arith.constant 0 : i32
      %swap3A_156 = arith.index_cast %swap3A_155 : i32 to index
      %swap3A_157 = arith.constant 16 : index
      %swap3A_158 = tpu.vector_load %arg10[%swap3A_156, %swap3A_157] {strides = array<i32>} : memref<1x80xi32, #tpu.memory_space<vmem>>, vector<1x16xi32>,
      %swap3A_159 = vector.shape_cast %swap3A_158 : vector<1x16xi32> to vector<16xi32>
      %swap3A_160 = vector.shape_cast %select_n3A_154 : vector<16xi32> to vector<1x16xi32>
      tpu.vector_store %arg10[%swap3A_156, %swap3A_157], %swap3A_160 {strides = array<i32>} : memref<1x80xi32, #tpu.memory_space<vmem>>, vector<1x16xi32>,
      %mul3A_161 = arith.constant 80 : i32
      %mul3A_162 = arith.muli %select_n3A_100, %mul3A_161 : i32
      %add3A_163 = arith.constant 0 : i32
      %add3A_164 = arith.addi %mul3A_162, %add3A_163 : i32
      %add3A_165 = arith.constant 32 : i32
      %add3A_166 = arith.addi %add3A_164, %add3A_165 : i32
      %get3A_167 = arith.index_cast %add3A_166 : i32 to index
      %get3A_168 = tpu.vector_load %arg15[%get3A_167] {strides = array<i32>} : memref<8000xi32, #tpu.memory_space<vmem>>, vector<16xi32>,
      %get3A_169 = vector.shape_cast %get3A_168 : vector<16xi32> to vector<16xi32>
      %sub3A_170 = vector.broadcast %mul3A_0 : i32 to vector<16xi32>
      %sub3A_171 = arith.subi %get3A_169, %sub3A_170 : vector<16xi32>
      %add3A_172 = vector.broadcast %select_n3A_105 : i32 to vector<16xi32>
      %add3A_173 = arith.addi %sub3A_171, %add3A_172 : vector<16xi32>
      %ge3A_174 = arith.constant 0 : i32
      %ge3A_175 = vector.broadcast %ge3A_174 : i32 to vector<16xi32>
      %ge3A_176 = arith.cmpi sge, %add3A_173, %ge3A_175 : vector<16xi32>
      %lt3A_177 = arith.constant 5000 : i32
      %lt3A_178 = vector.broadcast %lt3A_177 : i32 to vector<16xi32>
      %lt3A_179 = arith.cmpi slt, %add3A_173, %lt3A_178 : vector<16xi32>
      %and3A_180 = arith.andi %ge3A_176, %lt3A_179 : vector<16xi1>
      %jit3A_181 = arith.constant 5000 : i32
      %broadcast_in_dim3A_182 = vector.broadcast %jit3A_181 : i32 to vector<16xi32>
      %select_n3A_183 = arith.select %and3A_180, %add3A_173, %broadcast_in_dim3A_182 : vector<16xi1>, vector<16xi32>
      %swap3A_184 = arith.constant 0 : i32
      %swap3A_185 = arith.index_cast %swap3A_184 : i32 to index
      %swap3A_186 = arith.constant 32 : index
      %swap3A_187 = tpu.vector_load %arg10[%swap3A_185, %swap3A_186] {strides = array<i32>} : memref<1x80xi32, #tpu.memory_space<vmem>>, vector<1x16xi32>,
      %swap3A_188 = vector.shape_cast %swap3A_187 : vector<1x16xi32> to vector<16xi32>
      %swap3A_189 = vector.shape_cast %select_n3A_183 : vector<16xi32> to vector<1x16xi32>
      tpu.vector_store %arg10[%swap3A_185, %swap3A_186], %swap3A_189 {strides = array<i32>} : memref<1x80xi32, #tpu.memory_space<vmem>>, vector<1x16xi32>,
      %mul3A_190 = arith.constant 80 : i32
      %mul3A_191 = arith.muli %select_n3A_100, %mul3A_190 : i32
      %add3A_192 = arith.constant 0 : i32
      %add3A_193 = arith.addi %mul3A_191, %add3A_192 : i32
      %add3A_194 = arith.constant 48 : i32
      %add3A_195 = arith.addi %add3A_193, %add3A_194 : i32
      %get3A_196 = arith.index_cast %add3A_195 : i32 to index
      %get3A_197 = tpu.vector_load %arg15[%get3A_196] {strides = array<i32>} : memref<8000xi32, #tpu.memory_space<vmem>>, vector<16xi32>,
      %get3A_198 = vector.shape_cast %get3A_197 : vector<16xi32> to vector<16xi32>
      %sub3A_199 = vector.broadcast %mul3A_0 : i32 to vector<16xi32>
      %sub3A_200 = arith.subi %get3A_198, %sub3A_199 : vector<16xi32>
      %add3A_201 = vector.broadcast %select_n3A_105 : i32 to vector<16xi32>
      %add3A_202 = arith.addi %sub3A_200, %add3A_201 : vector<16xi32>
      %ge3A_203 = arith.constant 0 : i32
      %ge3A_204 = vector.broadcast %ge3A_203 : i32 to vector<16xi32>
      %ge3A_205 = arith.cmpi sge, %add3A_202, %ge3A_204 : vector<16xi32>
      %lt3A_206 = arith.constant 5000 : i32
      %lt3A_207 = vector.broadcast %lt3A_206 : i32 to vector<16xi32>
      %lt3A_208 = arith.cmpi slt, %add3A_202, %lt3A_207 : vector<16xi32>
      %and3A_209 = arith.andi %ge3A_205, %lt3A_208 : vector<16xi1>
      %jit3A_210 = arith.constant 5000 : i32
      %broadcast_in_dim3A_211 = vector.broadcast %jit3A_210 : i32 to vector<16xi32>
      %select_n3A_212 = arith.select %and3A_209, %add3A_202, %broadcast_in_dim3A_211 : vector<16xi1>, vector<16xi32>
      %swap3A_213 = arith.constant 0 : i32
      %swap3A_214 = arith.index_cast %swap3A_213 : i32 to index
      %swap3A_215 = arith.constant 48 : index
      %swap3A_216 = tpu.vector_load %arg10[%swap3A_214, %swap3A_215] {strides = array<i32>} : memref<1x80xi32, #tpu.memory_space<vmem>>, vector<1x16xi32>,
      %swap3A_217 = vector.shape_cast %swap3A_216 : vector<1x16xi32> to vector<16xi32>
      %swap3A_218 = vector.shape_cast %select_n3A_212 : vector<16xi32> to vector<1x16xi32>
      tpu.vector_store %arg10[%swap3A_214, %swap3A_215], %swap3A_218 {strides = array<i32>} : memref<1x80xi32, #tpu.memory_space<vmem>>, vector<1x16xi32>,
      %mul3A_219 = arith.constant 80 : i32
      %mul3A_220 = arith.muli %select_n3A_100, %mul3A_219 : i32
      %add3A_221 = arith.constant 0 : i32
      %add3A_222 = arith.addi %mul3A_220, %add3A_221 : i32
      %add3A_223 = arith.constant 64 : i32
      %add3A_224 = arith.addi %add3A_222, %add3A_223 : i32
      %get3A_225 = arith.index_cast %add3A_224 : i32 to index
      %get3A_226 = tpu.vector_load %arg15[%get3A_225] {strides = array<i32>} : memref<8000xi32, #tpu.memory_space<vmem>>, vector<16xi32>,
      %get3A_227 = vector.shape_cast %get3A_226 : vector<16xi32> to vector<16xi32>
      %sub3A_228 = vector.broadcast %mul3A_0 : i32 to vector<16xi32>
      %sub3A_229 = arith.subi %get3A_227, %sub3A_228 : vector<16xi32>
      %add3A_230 = vector.broadcast %select_n3A_105 : i32 to vector<16xi32>
      %add3A_231 = arith.addi %sub3A_229, %add3A_230 : vector<16xi32>
      %ge3A_232 = arith.constant 0 : i32
      %ge3A_233 = vector.broadcast %ge3A_232 : i32 to vector<16xi32>
      %ge3A_234 = arith.cmpi sge, %add3A_231, %ge3A_233 : vector<16xi32>
      %lt3A_235 = arith.constant 5000 : i32
      %lt3A_236 = vector.broadcast %lt3A_235 : i32 to vector<16xi32>
      %lt3A_237 = arith.cmpi slt, %add3A_231, %lt3A_236 : vector<16xi32>
      %and3A_238 = arith.andi %ge3A_234, %lt3A_237 : vector<16xi1>
      %jit3A_239 = arith.constant 5000 : i32
      %broadcast_in_dim3A_240 = vector.broadcast %jit3A_239 : i32 to vector<16xi32>
      %select_n3A_241 = arith.select %and3A_238, %add3A_231, %broadcast_in_dim3A_240 : vector<16xi1>, vector<16xi32>
      %swap3A_242 = arith.constant 0 : i32
      %swap3A_243 = arith.index_cast %swap3A_242 : i32 to index
      %swap3A_244 = arith.constant 64 : index
      %swap3A_245 = tpu.vector_load %arg10[%swap3A_243, %swap3A_244] {strides = array<i32>} : memref<1x80xi32, #tpu.memory_space<vmem>>, vector<1x16xi32>,
      %swap3A_246 = vector.shape_cast %swap3A_245 : vector<1x16xi32> to vector<16xi32>
      %swap3A_247 = vector.shape_cast %select_n3A_241 : vector<16xi32> to vector<1x16xi32>
      tpu.vector_store %arg10[%swap3A_243, %swap3A_244], %swap3A_247 {strides = array<i32>} : memref<1x80xi32, #tpu.memory_space<vmem>>, vector<1x16xi32>,
      %add3A_248 = arith.constant 1 : i32
      %add3A_249 = arith.addi %add3A_95, %add3A_248 : i32
      %lt3A_250 = arith.constant 100 : i32
      %lt3A_251 = arith.cmpi slt, %add3A_249, %lt3A_250 : i32
      %jit3A_252 = arith.constant 99 : i32
      %select_n3A_253 = arith.select %lt3A_251, %add3A_249, %jit3A_252 : i32
      %lt3A_254 = arith.constant 100 : i32
      %lt3A_255 = arith.cmpi slt, %add3A_249, %lt3A_254 : i32
      %jit3A_256 = arith.constant 0 : i32
      %jit3A_257 = arith.constant 1048576 : i32
      %select_n3A_258 = arith.select %lt3A_255, %jit3A_256, %jit3A_257 : i32
      %mul3A_259 = arith.constant 80 : i32
      %mul3A_260 = arith.muli %select_n3A_253, %mul3A_259 : i32
      %add3A_261 = arith.constant 0 : i32
      %add3A_262 = arith.addi %mul3A_260, %add3A_261 : i32
      %add3A_263 = arith.constant 0 : i32
      %add3A_264 = arith.addi %add3A_262, %add3A_263 : i32
      %get3A_265 = arith.index_cast %add3A_264 : i32 to index
      %get3A_266 = tpu.vector_load %arg15[%get3A_265] {strides = array<i32>} : memref<8000xi32, #tpu.memory_space<vmem>>, vector<16xi32>,
      %get3A_267 = vector.shape_cast %get3A_266 : vector<16xi32> to vector<16xi32>
      %sub3A_268 = vector.broadcast %mul3A_0 : i32 to vector<16xi32>
      %sub3A_269 = arith.subi %get3A_267, %sub3A_268 : vector<16xi32>
      %add3A_270 = vector.broadcast %select_n3A_258 : i32 to vector<16xi32>
      %add3A_271 = arith.addi %sub3A_269, %add3A_270 : vector<16xi32>
      %ge3A_272 = arith.constant 0 : i32
      %ge3A_273 = vector.broadcast %ge3A_272 : i32 to vector<16xi32>
      %ge3A_274 = arith.cmpi sge, %add3A_271, %ge3A_273 : vector<16xi32>
      %lt3A_275 = arith.constant 5000 : i32
      %lt3A_276 = vector.broadcast %lt3A_275 : i32 to vector<16xi32>
      %lt3A_277 = arith.cmpi slt, %add3A_271, %lt3A_276 : vector<16xi32>
      %and3A_278 = arith.andi %ge3A_274, %lt3A_277 : vector<16xi1>
      %jit3A_279 = arith.constant 5000 : i32
      %broadcast_in_dim3A_280 = vector.broadcast %jit3A_279 : i32 to vector<16xi32>
      %select_n3A_281 = arith.select %and3A_278, %add3A_271, %broadcast_in_dim3A_280 : vector<16xi1>, vector<16xi32>
      %swap3A_282 = arith.constant 0 : i32
      %swap3A_283 = arith.index_cast %swap3A_282 : i32 to index
      %swap3A_284 = arith.constant 0 : index
      %swap3A_285 = tpu.vector_load %arg11[%swap3A_283, %swap3A_284] {strides = array<i32>} : memref<1x80xi32, #tpu.memory_space<vmem>>, vector<1x16xi32>,
      %swap3A_286 = vector.shape_cast %swap3A_285 : vector<1x16xi32> to vector<16xi32>
      %swap3A_287 = vector.shape_cast %select_n3A_281 : vector<16xi32> to vector<1x16xi32>
      tpu.vector_store %arg11[%swap3A_283, %swap3A_284], %swap3A_287 {strides = array<i32>} : memref<1x80xi32, #tpu.memory_space<vmem>>, vector<1x16xi32>,
      %mul3A_288 = arith.constant 80 : i32
      %mul3A_289 = arith.muli %select_n3A_253, %mul3A_288 : i32
      %add3A_290 = arith.constant 0 : i32
      %add3A_291 = arith.addi %mul3A_289, %add3A_290 : i32
      %add3A_292 = arith.constant 16 : i32
      %add3A_293 = arith.addi %add3A_291, %add3A_292 : i32
      %get3A_294 = arith.index_cast %add3A_293 : i32 to index
      %get3A_295 = tpu.vector_load %arg15[%get3A_294] {strides = array<i32>} : memref<8000xi32, #tpu.memory_space<vmem>>, vector<16xi32>,
      %get3A_296 = vector.shape_cast %get3A_295 : vector<16xi32> to vector<16xi32>
      %sub3A_297 = vector.broadcast %mul3A_0 : i32 to vector<16xi32>
      %sub3A_298 = arith.subi %get3A_296, %sub3A_297 : vector<16xi32>
      %add3A_299 = vector.broadcast %select_n3A_258 : i32 to vector<16xi32>
      %add3A_300 = arith.addi %sub3A_298, %add3A_299 : vector<16xi32>
      %ge3A_301 = arith.constant 0 : i32
      %ge3A_302 = vector.broadcast %ge3A_301 : i32 to vector<16xi32>
      %ge3A_303 = arith.cmpi sge, %add3A_300, %ge3A_302 : vector<16xi32>
      %lt3A_304 = arith.constant 5000 : i32
      %lt3A_305 = vector.broadcast %lt3A_304 : i32 to vector<16xi32>
      %lt3A_306 = arith.cmpi slt, %add3A_300, %lt3A_305 : vector<16xi32>
      %and3A_307 = arith.andi %ge3A_303, %lt3A_306 : vector<16xi1>
      %jit3A_308 = arith.constant 5000 : i32
      %broadcast_in_dim3A_309 = vector.broadcast %jit3A_308 : i32 to vector<16xi32>
      %select_n3A_310 = arith.select %and3A_307, %add3A_300, %broadcast_in_dim3A_309 : vector<16xi1>, vector<16xi32>
      %swap3A_311 = arith.constant 0 : i32
      %swap3A_312 = arith.index_cast %swap3A_311 : i32 to index
      %swap3A_313 = arith.constant 16 : index
      %swap3A_314 = tpu.vector_load %arg11[%swap3A_312, %swap3A_313] {strides = array<i32>} : memref<1x80xi32, #tpu.memory_space<vmem>>, vector<1x16xi32>,
      %swap3A_315 = vector.shape_cast %swap3A_314 : vector<1x16xi32> to vector<16xi32>
      %swap3A_316 = vector.shape_cast %select_n3A_310 : vector<16xi32> to vector<1x16xi32>
      tpu.vector_store %arg11[%swap3A_312, %swap3A_313], %swap3A_316 {strides = array<i32>} : memref<1x80xi32, #tpu.memory_space<vmem>>, vector<1x16xi32>,
      %mul3A_317 = arith.constant 80 : i32
      %mul3A_318 = arith.muli %select_n3A_253, %mul3A_317 : i32
      %add3A_319 = arith.constant 0 : i32
      %add3A_320 = arith.addi %mul3A_318, %add3A_319 : i32
      %add3A_321 = arith.constant 32 : i32
      %add3A_322 = arith.addi %add3A_320, %add3A_321 : i32
      %get3A_323 = arith.index_cast %add3A_322 : i32 to index
      %get3A_324 = tpu.vector_load %arg15[%get3A_323] {strides = array<i32>} : memref<8000xi32, #tpu.memory_space<vmem>>, vector<16xi32>,
      %get3A_325 = vector.shape_cast %get3A_324 : vector<16xi32> to vector<16xi32>
      %sub3A_326 = vector.broadcast %mul3A_0 : i32 to vector<16xi32>
      %sub3A_327 = arith.subi %get3A_325, %sub3A_326 : vector<16xi32>
      %add3A_328 = vector.broadcast %select_n3A_258 : i32 to vector<16xi32>
      %add3A_329 = arith.addi %sub3A_327, %add3A_328 : vector<16xi32>
      %ge3A_330 = arith.constant 0 : i32
      %ge3A_331 = vector.broadcast %ge3A_330 : i32 to vector<16xi32>
      %ge3A_332 = arith.cmpi sge, %add3A_329, %ge3A_331 : vector<16xi32>
      %lt3A_333 = arith.constant 5000 : i32
      %lt3A_334 = vector.broadcast %lt3A_333 : i32 to vector<16xi32>
      %lt3A_335 = arith.cmpi slt, %add3A_329, %lt3A_334 : vector<16xi32>
      %and3A_336 = arith.andi %ge3A_332, %lt3A_335 : vector<16xi1>
      %jit3A_337 = arith.constant 5000 : i32
      %broadcast_in_dim3A_338 = vector.broadcast %jit3A_337 : i32 to vector<16xi32>
      %select_n3A_339 = arith.select %and3A_336, %add3A_329, %broadcast_in_dim3A_338 : vector<16xi1>, vector<16xi32>
      %swap3A_340 = arith.constant 0 : i32
      %swap3A_341 = arith.index_cast %swap3A_340 : i32 to index
      %swap3A_342 = arith.constant 32 : index
      %swap3A_343 = tpu.vector_load %arg11[%swap3A_341, %swap3A_342] {strides = array<i32>} : memref<1x80xi32, #tpu.memory_space<vmem>>, vector<1x16xi32>,
      %swap3A_344 = vector.shape_cast %swap3A_343 : vector<1x16xi32> to vector<16xi32>
      %swap3A_345 = vector.shape_cast %select_n3A_339 : vector<16xi32> to vector<1x16xi32>
      tpu.vector_store %arg11[%swap3A_341, %swap3A_342], %swap3A_345 {strides = array<i32>} : memref<1x80xi32, #tpu.memory_space<vmem>>, vector<1x16xi32>,
      %mul3A_346 = arith.constant 80 : i32
      %mul3A_347 = arith.muli %select_n3A_253, %mul3A_346 : i32
      %add3A_348 = arith.constant 0 : i32
      %add3A_349 = arith.addi %mul3A_347, %add3A_348 : i32
      %add3A_350 = arith.constant 48 : i32
      %add3A_351 = arith.addi %add3A_349, %add3A_350 : i32
      %get3A_352 = arith.index_cast %add3A_351 : i32 to index
      %get3A_353 = tpu.vector_load %arg15[%get3A_352] {strides = array<i32>} : memref<8000xi32, #tpu.memory_space<vmem>>, vector<16xi32>,
      %get3A_354 = vector.shape_cast %get3A_353 : vector<16xi32> to vector<16xi32>
      %sub3A_355 = vector.broadcast %mul3A_0 : i32 to vector<16xi32>
      %sub3A_356 = arith.subi %get3A_354, %sub3A_355 : vector<16xi32>
      %add3A_357 = vector.broadcast %select_n3A_258 : i32 to vector<16xi32>
      %add3A_358 = arith.addi %sub3A_356, %add3A_357 : vector<16xi32>
      %ge3A_359 = arith.constant 0 : i32
      %ge3A_360 = vector.broadcast %ge3A_359 : i32 to vector<16xi32>
      %ge3A_361 = arith.cmpi sge, %add3A_358, %ge3A_360 : vector<16xi32>
      %lt3A_362 = arith.constant 5000 : i32
      %lt3A_363 = vector.broadcast %lt3A_362 : i32 to vector<16xi32>
      %lt3A_364 = arith.cmpi slt, %add3A_358, %lt3A_363 : vector<16xi32>
      %and3A_365 = arith.andi %ge3A_361, %lt3A_364 : vector<16xi1>
      %jit3A_366 = arith.constant 5000 : i32
      %broadcast_in_dim3A_367 = vector.broadcast %jit3A_366 : i32 to vector<16xi32>
      %select_n3A_368 = arith.select %and3A_365, %add3A_358, %broadcast_in_dim3A_367 : vector<16xi1>, vector<16xi32>
      %swap3A_369 = arith.constant 0 : i32
      %swap3A_370 = arith.index_cast %swap3A_369 : i32 to index
      %swap3A_371 = arith.constant 48 : index
      %swap3A_372 = tpu.vector_load %arg11[%swap3A_370, %swap3A_371] {strides = array<i32>} : memref<1x80xi32, #tpu.memory_space<vmem>>, vector<1x16xi32>,
      %swap3A_373 = vector.shape_cast %swap3A_372 : vector<1x16xi32> to vector<16xi32>
      %swap3A_374 = vector.shape_cast %select_n3A_368 : vector<16xi32> to vector<1x16xi32>
      tpu.vector_store %arg11[%swap3A_370, %swap3A_371], %swap3A_374 {strides = array<i32>} : memref<1x80xi32, #tpu.memory_space<vmem>>, vector<1x16xi32>,
      %mul3A_375 = arith.constant 80 : i32
      %mul3A_376 = arith.muli %select_n3A_253, %mul3A_375 : i32
      %add3A_377 = arith.constant 0 : i32
      %add3A_378 = arith.addi %mul3A_376, %add3A_377 : i32
      %add3A_379 = arith.constant 64 : i32
      %add3A_380 = arith.addi %add3A_378, %add3A_379 : i32
      %get3A_381 = arith.index_cast %add3A_380 : i32 to index
      %get3A_382 = tpu.vector_load %arg15[%get3A_381] {strides = array<i32>} : memref<8000xi32, #tpu.memory_space<vmem>>, vector<16xi32>,
      %get3A_383 = vector.shape_cast %get3A_382 : vector<16xi32> to vector<16xi32>
      %sub3A_384 = vector.broadcast %mul3A_0 : i32 to vector<16xi32>
      %sub3A_385 = arith.subi %get3A_383, %sub3A_384 : vector<16xi32>
      %add3A_386 = vector.broadcast %select_n3A_258 : i32 to vector<16xi32>
      %add3A_387 = arith.addi %sub3A_385, %add3A_386 : vector<16xi32>
      %ge3A_388 = arith.constant 0 : i32
      %ge3A_389 = vector.broadcast %ge3A_388 : i32 to vector<16xi32>
      %ge3A_390 = arith.cmpi sge, %add3A_387, %ge3A_389 : vector<16xi32>
      %lt3A_391 = arith.constant 5000 : i32
      %lt3A_392 = vector.broadcast %lt3A_391 : i32 to vector<16xi32>
      %lt3A_393 = arith.cmpi slt, %add3A_387, %lt3A_392 : vector<16xi32>
      %and3A_394 = arith.andi %ge3A_390, %lt3A_393 : vector<16xi1>
      %jit3A_395 = arith.constant 5000 : i32
      %broadcast_in_dim3A_396 = vector.broadcast %jit3A_395 : i32 to vector<16xi32>
      %select_n3A_397 = arith.select %and3A_394, %add3A_387, %broadcast_in_dim3A_396 : vector<16xi1>, vector<16xi32>
      %swap3A_398 = arith.constant 0 : i32
      %swap3A_399 = arith.index_cast %swap3A_398 : i32 to index
      %swap3A_400 = arith.constant 64 : index
      %swap3A_401 = tpu.vector_load %arg11[%swap3A_399, %swap3A_400] {strides = array<i32>} : memref<1x80xi32, #tpu.memory_space<vmem>>, vector<1x16xi32>,
      %swap3A_402 = vector.shape_cast %swap3A_401 : vector<1x16xi32> to vector<16xi32>
      %swap3A_403 = vector.shape_cast %select_n3A_397 : vector<16xi32> to vector<1x16xi32>
      tpu.vector_store %arg11[%swap3A_399, %swap3A_400], %swap3A_403 {strides = array<i32>} : memref<1x80xi32, #tpu.memory_space<vmem>>, vector<1x16xi32>,
      %add3A_404 = arith.constant 2 : i32
      %add3A_405 = arith.addi %add3A_95, %add3A_404 : i32
      %lt3A_406 = arith.constant 100 : i32
      %lt3A_407 = arith.cmpi slt, %add3A_405, %lt3A_406 : i32
      %jit3A_408 = arith.constant 99 : i32
      %select_n3A_409 = arith.select %lt3A_407, %add3A_405, %jit3A_408 : i32
      %lt3A_410 = arith.constant 100 : i32
      %lt3A_411 = arith.cmpi slt, %add3A_405, %lt3A_410 : i32
      %jit3A_412 = arith.constant 0 : i32
      %jit3A_413 = arith.constant 1048576 : i32
      %select_n3A_414 = arith.select %lt3A_411, %jit3A_412, %jit3A_413 : i32
      %mul3A_415 = arith.constant 80 : i32
      %mul3A_416 = arith.muli %select_n3A_409, %mul3A_415 : i32
      %add3A_417 = arith.constant 0 : i32
      %add3A_418 = arith.addi %mul3A_416, %add3A_417 : i32
      %add3A_419 = arith.constant 0 : i32
      %add3A_420 = arith.addi %add3A_418, %add3A_419 : i32
      %get3A_421 = arith.index_cast %add3A_420 : i32 to index
      %get3A_422 = tpu.vector_load %arg15[%get3A_421] {strides = array<i32>} : memref<8000xi32, #tpu.memory_space<vmem>>, vector<16xi32>,
      %get3A_423 = vector.shape_cast %get3A_422 : vector<16xi32> to vector<16xi32>
      %sub3A_424 = vector.broadcast %mul3A_0 : i32 to vector<16xi32>
      %sub3A_425 = arith.subi %get3A_423, %sub3A_424 : vector<16xi32>
      %add3A_426 = vector.broadcast %select_n3A_414 : i32 to vector<16xi32>
      %add3A_427 = arith.addi %sub3A_425, %add3A_426 : vector<16xi32>
      %ge3A_428 = arith.constant 0 : i32
      %ge3A_429 = vector.broadcast %ge3A_428 : i32 to vector<16xi32>
      %ge3A_430 = arith.cmpi sge, %add3A_427, %ge3A_429 : vector<16xi32>
      %lt3A_431 = arith.constant 5000 : i32
      %lt3A_432 = vector.broadcast %lt3A_431 : i32 to vector<16xi32>
      %lt3A_433 = arith.cmpi slt, %add3A_427, %lt3A_432 : vector<16xi32>
      %and3A_434 = arith.andi %ge3A_430, %lt3A_433 : vector<16xi1>
      %jit3A_435 = arith.constant 5000 : i32
      %broadcast_in_dim3A_436 = vector.broadcast %jit3A_435 : i32 to vector<16xi32>
      %select_n3A_437 = arith.select %and3A_434, %add3A_427, %broadcast_in_dim3A_436 : vector<16xi1>, vector<16xi32>
      %swap3A_438 = arith.constant 0 : i32
      %swap3A_439 = arith.index_cast %swap3A_438 : i32 to index
      %swap3A_440 = arith.constant 0 : index
      %swap3A_441 = tpu.vector_load %arg12[%swap3A_439, %swap3A_440] {strides = array<i32>} : memref<1x80xi32, #tpu.memory_space<vmem>>, vector<1x16xi32>,
      %swap3A_442 = vector.shape_cast %swap3A_441 : vector<1x16xi32> to vector<16xi32>
      %swap3A_443 = vector.shape_cast %select_n3A_437 : vector<16xi32> to vector<1x16xi32>
      tpu.vector_store %arg12[%swap3A_439, %swap3A_440], %swap3A_443 {strides = array<i32>} : memref<1x80xi32, #tpu.memory_space<vmem>>, vector<1x16xi32>,
      %mul3A_444 = arith.constant 80 : i32
      %mul3A_445 = arith.muli %select_n3A_409, %mul3A_444 : i32
      %add3A_446 = arith.constant 0 : i32
      %add3A_447 = arith.addi %mul3A_445, %add3A_446 : i32
      %add3A_448 = arith.constant 16 : i32
      %add3A_449 = arith.addi %add3A_447, %add3A_448 : i32
      %get3A_450 = arith.index_cast %add3A_449 : i32 to index
      %get3A_451 = tpu.vector_load %arg15[%get3A_450] {strides = array<i32>} : memref<8000xi32, #tpu.memory_space<vmem>>, vector<16xi32>,
      %get3A_452 = vector.shape_cast %get3A_451 : vector<16xi32> to vector<16xi32>
      %sub3A_453 = vector.broadcast %mul3A_0 : i32 to vector<16xi32>
      %sub3A_454 = arith.subi %get3A_452, %sub3A_453 : vector<16xi32>
      %add3A_455 = vector.broadcast %select_n3A_414 : i32 to vector<16xi32>
      %add3A_456 = arith.addi %sub3A_454, %add3A_455 : vector<16xi32>
      %ge3A_457 = arith.constant 0 : i32
      %ge3A_458 = vector.broadcast %ge3A_457 : i32 to vector<16xi32>
      %ge3A_459 = arith.cmpi sge, %add3A_456, %ge3A_458 : vector<16xi32>
      %lt3A_460 = arith.constant 5000 : i32
      %lt3A_461 = vector.broadcast %lt3A_460 : i32 to vector<16xi32>
      %lt3A_462 = arith.cmpi slt, %add3A_456, %lt3A_461 : vector<16xi32>
      %and3A_463 = arith.andi %ge3A_459, %lt3A_462 : vector<16xi1>
      %jit3A_464 = arith.constant 5000 : i32
      %broadcast_in_dim3A_465 = vector.broadcast %jit3A_464 : i32 to vector<16xi32>
      %select_n3A_466 = arith.select %and3A_463, %add3A_456, %broadcast_in_dim3A_465 : vector<16xi1>, vector<16xi32>
      %swap3A_467 = arith.constant 0 : i32
      %swap3A_468 = arith.index_cast %swap3A_467 : i32 to index
      %swap3A_469 = arith.constant 16 : index
      %swap3A_470 = tpu.vector_load %arg12[%swap3A_468, %swap3A_469] {strides = array<i32>} : memref<1x80xi32, #tpu.memory_space<vmem>>, vector<1x16xi32>,
      %swap3A_471 = vector.shape_cast %swap3A_470 : vector<1x16xi32> to vector<16xi32>
      %swap3A_472 = vector.shape_cast %select_n3A_466 : vector<16xi32> to vector<1x16xi32>
      tpu.vector_store %arg12[%swap3A_468, %swap3A_469], %swap3A_472 {strides = array<i32>} : memref<1x80xi32, #tpu.memory_space<vmem>>, vector<1x16xi32>,
      %mul3A_473 = arith.constant 80 : i32
      %mul3A_474 = arith.muli %select_n3A_409, %mul3A_473 : i32
      %add3A_475 = arith.constant 0 : i32
      %add3A_476 = arith.addi %mul3A_474, %add3A_475 : i32
      %add3A_477 = arith.constant 32 : i32
      %add3A_478 = arith.addi %add3A_476, %add3A_477 : i32
      %get3A_479 = arith.index_cast %add3A_478 : i32 to index
      %get3A_480 = tpu.vector_load %arg15[%get3A_479] {strides = array<i32>} : memref<8000xi32, #tpu.memory_space<vmem>>, vector<16xi32>,
      %get3A_481 = vector.shape_cast %get3A_480 : vector<16xi32> to vector<16xi32>
      %sub3A_482 = vector.broadcast %mul3A_0 : i32 to vector<16xi32>
      %sub3A_483 = arith.subi %get3A_481, %sub3A_482 : vector<16xi32>
      %add3A_484 = vector.broadcast %select_n3A_414 : i32 to vector<16xi32>
      %add3A_485 = arith.addi %sub3A_483, %add3A_484 : vector<16xi32>
      %ge3A_486 = arith.constant 0 : i32
      %ge3A_487 = vector.broadcast %ge3A_486 : i32 to vector<16xi32>
      %ge3A_488 = arith.cmpi sge, %add3A_485, %ge3A_487 : vector<16xi32>
      %lt3A_489 = arith.constant 5000 : i32
      %lt3A_490 = vector.broadcast %lt3A_489 : i32 to vector<16xi32>
      %lt3A_491 = arith.cmpi slt, %add3A_485, %lt3A_490 : vector<16xi32>
      %and3A_492 = arith.andi %ge3A_488, %lt3A_491 : vector<16xi1>
      %jit3A_493 = arith.constant 5000 : i32
      %broadcast_in_dim3A_494 = vector.broadcast %jit3A_493 : i32 to vector<16xi32>
      %select_n3A_495 = arith.select %and3A_492, %add3A_485, %broadcast_in_dim3A_494 : vector<16xi1>, vector<16xi32>
      %swap3A_496 = arith.constant 0 : i32
      %swap3A_497 = arith.index_cast %swap3A_496 : i32 to index
      %swap3A_498 = arith.constant 32 : index
      %swap3A_499 = tpu.vector_load %arg12[%swap3A_497, %swap3A_498] {strides = array<i32>} : memref<1x80xi32, #tpu.memory_space<vmem>>, vector<1x16xi32>,
      %swap3A_500 = vector.shape_cast %swap3A_499 : vector<1x16xi32> to vector<16xi32>
      %swap3A_501 = vector.shape_cast %select_n3A_495 : vector<16xi32> to vector<1x16xi32>
      tpu.vector_store %arg12[%swap3A_497, %swap3A_498], %swap3A_501 {strides = array<i32>} : memref<1x80xi32, #tpu.memory_space<vmem>>, vector<1x16xi32>,
      %mul3A_502 = arith.constant 80 : i32
      %mul3A_503 = arith.muli %select_n3A_409, %mul3A_502 : i32
      %add3A_504 = arith.constant 0 : i32
      %add3A_505 = arith.addi %mul3A_503, %add3A_504 : i32
      %add3A_506 = arith.constant 48 : i32
      %add3A_507 = arith.addi %add3A_505, %add3A_506 : i32
      %get3A_508 = arith.index_cast %add3A_507 : i32 to index
      %get3A_509 = tpu.vector_load %arg15[%get3A_508] {strides = array<i32>} : memref<8000xi32, #tpu.memory_space<vmem>>, vector<16xi32>,
      %get3A_510 = vector.shape_cast %get3A_509 : vector<16xi32> to vector<16xi32>
      %sub3A_511 = vector.broadcast %mul3A_0 : i32 to vector<16xi32>
      %sub3A_512 = arith.subi %get3A_510, %sub3A_511 : vector<16xi32>
      %add3A_513 = vector.broadcast %select_n3A_414 : i32 to vector<16xi32>
      %add3A_514 = arith.addi %sub3A_512, %add3A_513 : vector<16xi32>
      %ge3A_515 = arith.constant 0 : i32
      %ge3A_516 = vector.broadcast %ge3A_515 : i32 to vector<16xi32>
      %ge3A_517 = arith.cmpi sge, %add3A_514, %ge3A_516 : vector<16xi32>
      %lt3A_518 = arith.constant 5000 : i32
      %lt3A_519 = vector.broadcast %lt3A_518 : i32 to vector<16xi32>
      %lt3A_520 = arith.cmpi slt, %add3A_514, %lt3A_519 : vector<16xi32>
      %and3A_521 = arith.andi %ge3A_517, %lt3A_520 : vector<16xi1>
      %jit3A_522 = arith.constant 5000 : i32
      %broadcast_in_dim3A_523 = vector.broadcast %jit3A_522 : i32 to vector<16xi32>
      %select_n3A_524 = arith.select %and3A_521, %add3A_514, %broadcast_in_dim3A_523 : vector<16xi1>, vector<16xi32>
      %swap3A_525 = arith.constant 0 : i32
      %swap3A_526 = arith.index_cast %swap3A_525 : i32 to index
      %swap3A_527 = arith.constant 48 : index
      %swap3A_528 = tpu.vector_load %arg12[%swap3A_526, %swap3A_527] {strides = array<i32>} : memref<1x80xi32, #tpu.memory_space<vmem>>, vector<1x16xi32>,
      %swap3A_529 = vector.shape_cast %swap3A_528 : vector<1x16xi32> to vector<16xi32>
      %swap3A_530 = vector.shape_cast %select_n3A_524 : vector<16xi32> to vector<1x16xi32>
      tpu.vector_store %arg12[%swap3A_526, %swap3A_527], %swap3A_530 {strides = array<i32>} : memref<1x80xi32, #tpu.memory_space<vmem>>, vector<1x16xi32>,
      %mul3A_531 = arith.constant 80 : i32
      %mul3A_532 = arith.muli %select_n3A_409, %mul3A_531 : i32
      %add3A_533 = arith.constant 0 : i32
      %add3A_534 = arith.addi %mul3A_532, %add3A_533 : i32
      %add3A_535 = arith.constant 64 : i32
      %add3A_536 = arith.addi %add3A_534, %add3A_535 : i32
      %get3A_537 = arith.index_cast %add3A_536 : i32 to index
      %get3A_538 = tpu.vector_load %arg15[%get3A_537] {strides = array<i32>} : memref<8000xi32, #tpu.memory_space<vmem>>, vector<16xi32>,
      %get3A_539 = vector.shape_cast %get3A_538 : vector<16xi32> to vector<16xi32>
      %sub3A_540 = vector.broadcast %mul3A_0 : i32 to vector<16xi32>
      %sub3A_541 = arith.subi %get3A_539, %sub3A_540 : vector<16xi32>
      %add3A_542 = vector.broadcast %select_n3A_414 : i32 to vector<16xi32>
      %add3A_543 = arith.addi %sub3A_541, %add3A_542 : vector<16xi32>
      %ge3A_544 = arith.constant 0 : i32
      %ge3A_545 = vector.broadcast %ge3A_544 : i32 to vector<16xi32>
      %ge3A_546 = arith.cmpi sge, %add3A_543, %ge3A_545 : vector<16xi32>
      %lt3A_547 = arith.constant 5000 : i32
      %lt3A_548 = vector.broadcast %lt3A_547 : i32 to vector<16xi32>
      %lt3A_549 = arith.cmpi slt, %add3A_543, %lt3A_548 : vector<16xi32>
      %and3A_550 = arith.andi %ge3A_546, %lt3A_549 : vector<16xi1>
      %jit3A_551 = arith.constant 5000 : i32
      %broadcast_in_dim3A_552 = vector.broadcast %jit3A_551 : i32 to vector<16xi32>
      %select_n3A_553 = arith.select %and3A_550, %add3A_543, %broadcast_in_dim3A_552 : vector<16xi1>, vector<16xi32>
      %swap3A_554 = arith.constant 0 : i32
      %swap3A_555 = arith.index_cast %swap3A_554 : i32 to index
      %swap3A_556 = arith.constant 64 : index
      %swap3A_557 = tpu.vector_load %arg12[%swap3A_555, %swap3A_556] {strides = array<i32>} : memref<1x80xi32, #tpu.memory_space<vmem>>, vector<1x16xi32>,
      %swap3A_558 = vector.shape_cast %swap3A_557 : vector<1x16xi32> to vector<16xi32>
      %swap3A_559 = vector.shape_cast %select_n3A_553 : vector<16xi32> to vector<1x16xi32>
      tpu.vector_store %arg12[%swap3A_555, %swap3A_556], %swap3A_559 {strides = array<i32>} : memref<1x80xi32, #tpu.memory_space<vmem>>, vector<1x16xi32>,
      %add3A_560 = arith.constant 3 : i32
      %add3A_561 = arith.addi %add3A_95, %add3A_560 : i32
      %lt3A_562 = arith.constant 100 : i32
      %lt3A_563 = arith.cmpi slt, %add3A_561, %lt3A_562 : i32
      %jit3A_564 = arith.constant 99 : i32
      %select_n3A_565 = arith.select %lt3A_563, %add3A_561, %jit3A_564 : i32
      %lt3A_566 = arith.constant 100 : i32
      %lt3A_567 = arith.cmpi slt, %add3A_561, %lt3A_566 : i32
      %jit3A_568 = arith.constant 0 : i32
      %jit3A_569 = arith.constant 1048576 : i32
      %select_n3A_570 = arith.select %lt3A_567, %jit3A_568, %jit3A_569 : i32
      %mul3A_571 = arith.constant 80 : i32
      %mul3A_572 = arith.muli %select_n3A_565, %mul3A_571 : i32
      %add3A_573 = arith.constant 0 : i32
      %add3A_574 = arith.addi %mul3A_572, %add3A_573 : i32
      %add3A_575 = arith.constant 0 : i32
      %add3A_576 = arith.addi %add3A_574, %add3A_575 : i32
      %get3A_577 = arith.index_cast %add3A_576 : i32 to index
      %get3A_578 = tpu.vector_load %arg15[%get3A_577] {strides = array<i32>} : memref<8000xi32, #tpu.memory_space<vmem>>, vector<16xi32>,
      %get3A_579 = vector.shape_cast %get3A_578 : vector<16xi32> to vector<16xi32>
      %sub3A_580 = vector.broadcast %mul3A_0 : i32 to vector<16xi32>
      %sub3A_581 = arith.subi %get3A_579, %sub3A_580 : vector<16xi32>
      %add3A_582 = vector.broadcast %select_n3A_570 : i32 to vector<16xi32>
      %add3A_583 = arith.addi %sub3A_581, %add3A_582 : vector<16xi32>
      %ge3A_584 = arith.constant 0 : i32
      %ge3A_585 = vector.broadcast %ge3A_584 : i32 to vector<16xi32>
      %ge3A_586 = arith.cmpi sge, %add3A_583, %ge3A_585 : vector<16xi32>
      %lt3A_587 = arith.constant 5000 : i32
      %lt3A_588 = vector.broadcast %lt3A_587 : i32 to vector<16xi32>
      %lt3A_589 = arith.cmpi slt, %add3A_583, %lt3A_588 : vector<16xi32>
      %and3A_590 = arith.andi %ge3A_586, %lt3A_589 : vector<16xi1>
      %jit3A_591 = arith.constant 5000 : i32
      %broadcast_in_dim3A_592 = vector.broadcast %jit3A_591 : i32 to vector<16xi32>
      %select_n3A_593 = arith.select %and3A_590, %add3A_583, %broadcast_in_dim3A_592 : vector<16xi1>, vector<16xi32>
      %swap3A_594 = arith.constant 0 : i32
      %swap3A_595 = arith.index_cast %swap3A_594 : i32 to index
      %swap3A_596 = arith.constant 0 : index
      %swap3A_597 = tpu.vector_load %arg13[%swap3A_595, %swap3A_596] {strides = array<i32>} : memref<1x80xi32, #tpu.memory_space<vmem>>, vector<1x16xi32>,
      %swap3A_598 = vector.shape_cast %swap3A_597 : vector<1x16xi32> to vector<16xi32>
      %swap3A_599 = vector.shape_cast %select_n3A_593 : vector<16xi32> to vector<1x16xi32>
      tpu.vector_store %arg13[%swap3A_595, %swap3A_596], %swap3A_599 {strides = array<i32>} : memref<1x80xi32, #tpu.memory_space<vmem>>, vector<1x16xi32>,
      %mul3A_600 = arith.constant 80 : i32
      %mul3A_601 = arith.muli %select_n3A_565, %mul3A_600 : i32
      %add3A_602 = arith.constant 0 : i32
      %add3A_603 = arith.addi %mul3A_601, %add3A_602 : i32
      %add3A_604 = arith.constant 16 : i32
      %add3A_605 = arith.addi %add3A_603, %add3A_604 : i32
      %get3A_606 = arith.index_cast %add3A_605 : i32 to index
      %get3A_607 = tpu.vector_load %arg15[%get3A_606] {strides = array<i32>} : memref<8000xi32, #tpu.memory_space<vmem>>, vector<16xi32>,
      %get3A_608 = vector.shape_cast %get3A_607 : vector<16xi32> to vector<16xi32>
      %sub3A_609 = vector.broadcast %mul3A_0 : i32 to vector<16xi32>
      %sub3A_610 = arith.subi %get3A_608, %sub3A_609 : vector<16xi32>
      %add3A_611 = vector.broadcast %select_n3A_570 : i32 to vector<16xi32>
      %add3A_612 = arith.addi %sub3A_610, %add3A_611 : vector<16xi32>
      %ge3A_613 = arith.constant 0 : i32
      %ge3A_614 = vector.broadcast %ge3A_613 : i32 to vector<16xi32>
      %ge3A_615 = arith.cmpi sge, %add3A_612, %ge3A_614 : vector<16xi32>
      %lt3A_616 = arith.constant 5000 : i32
      %lt3A_617 = vector.broadcast %lt3A_616 : i32 to vector<16xi32>
      %lt3A_618 = arith.cmpi slt, %add3A_612, %lt3A_617 : vector<16xi32>
      %and3A_619 = arith.andi %ge3A_615, %lt3A_618 : vector<16xi1>
      %jit3A_620 = arith.constant 5000 : i32
      %broadcast_in_dim3A_621 = vector.broadcast %jit3A_620 : i32 to vector<16xi32>
      %select_n3A_622 = arith.select %and3A_619, %add3A_612, %broadcast_in_dim3A_621 : vector<16xi1>, vector<16xi32>
      %swap3A_623 = arith.constant 0 : i32
      %swap3A_624 = arith.index_cast %swap3A_623 : i32 to index
      %swap3A_625 = arith.constant 16 : index
      %swap3A_626 = tpu.vector_load %arg13[%swap3A_624, %swap3A_625] {strides = array<i32>} : memref<1x80xi32, #tpu.memory_space<vmem>>, vector<1x16xi32>,
      %swap3A_627 = vector.shape_cast %swap3A_626 : vector<1x16xi32> to vector<16xi32>
      %swap3A_628 = vector.shape_cast %select_n3A_622 : vector<16xi32> to vector<1x16xi32>
      tpu.vector_store %arg13[%swap3A_624, %swap3A_625], %swap3A_628 {strides = array<i32>} : memref<1x80xi32, #tpu.memory_space<vmem>>, vector<1x16xi32>,
      %mul3A_629 = arith.constant 80 : i32
      %mul3A_630 = arith.muli %select_n3A_565, %mul3A_629 : i32
      %add3A_631 = arith.constant 0 : i32
      %add3A_632 = arith.addi %mul3A_630, %add3A_631 : i32
      %add3A_633 = arith.constant 32 : i32
      %add3A_634 = arith.addi %add3A_632, %add3A_633 : i32
      %get3A_635 = arith.index_cast %add3A_634 : i32 to index
      %get3A_636 = tpu.vector_load %arg15[%get3A_635] {strides = array<i32>} : memref<8000xi32, #tpu.memory_space<vmem>>, vector<16xi32>,
      %get3A_637 = vector.shape_cast %get3A_636 : vector<16xi32> to vector<16xi32>
      %sub3A_638 = vector.broadcast %mul3A_0 : i32 to vector<16xi32>
      %sub3A_639 = arith.subi %get3A_637, %sub3A_638 : vector<16xi32>
      %add3A_640 = vector.broadcast %select_n3A_570 : i32 to vector<16xi32>
      %add3A_641 = arith.addi %sub3A_639, %add3A_640 : vector<16xi32>
      %ge3A_642 = arith.constant 0 : i32
      %ge3A_643 = vector.broadcast %ge3A_642 : i32 to vector<16xi32>
      %ge3A_644 = arith.cmpi sge, %add3A_641, %ge3A_643 : vector<16xi32>
      %lt3A_645 = arith.constant 5000 : i32
      %lt3A_646 = vector.broadcast %lt3A_645 : i32 to vector<16xi32>
      %lt3A_647 = arith.cmpi slt, %add3A_641, %lt3A_646 : vector<16xi32>
      %and3A_648 = arith.andi %ge3A_644, %lt3A_647 : vector<16xi1>
      %jit3A_649 = arith.constant 5000 : i32
      %broadcast_in_dim3A_650 = vector.broadcast %jit3A_649 : i32 to vector<16xi32>
      %select_n3A_651 = arith.select %and3A_648, %add3A_641, %broadcast_in_dim3A_650 : vector<16xi1>, vector<16xi32>
      %swap3A_652 = arith.constant 0 : i32
      %swap3A_653 = arith.index_cast %swap3A_652 : i32 to index
      %swap3A_654 = arith.constant 32 : index
      %swap3A_655 = tpu.vector_load %arg13[%swap3A_653, %swap3A_654] {strides = array<i32>} : memref<1x80xi32, #tpu.memory_space<vmem>>, vector<1x16xi32>,
      %swap3A_656 = vector.shape_cast %swap3A_655 : vector<1x16xi32> to vector<16xi32>
      %swap3A_657 = vector.shape_cast %select_n3A_651 : vector<16xi32> to vector<1x16xi32>
      tpu.vector_store %arg13[%swap3A_653, %swap3A_654], %swap3A_657 {strides = array<i32>} : memref<1x80xi32, #tpu.memory_space<vmem>>, vector<1x16xi32>,
      %mul3A_658 = arith.constant 80 : i32
      %mul3A_659 = arith.muli %select_n3A_565, %mul3A_658 : i32
      %add3A_660 = arith.constant 0 : i32
      %add3A_661 = arith.addi %mul3A_659, %add3A_660 : i32
      %add3A_662 = arith.constant 48 : i32
      %add3A_663 = arith.addi %add3A_661, %add3A_662 : i32
      %get3A_664 = arith.index_cast %add3A_663 : i32 to index
      %get3A_665 = tpu.vector_load %arg15[%get3A_664] {strides = array<i32>} : memref<8000xi32, #tpu.memory_space<vmem>>, vector<16xi32>,
      %get3A_666 = vector.shape_cast %get3A_665 : vector<16xi32> to vector<16xi32>
      %sub3A_667 = vector.broadcast %mul3A_0 : i32 to vector<16xi32>
      %sub3A_668 = arith.subi %get3A_666, %sub3A_667 : vector<16xi32>
      %add3A_669 = vector.broadcast %select_n3A_570 : i32 to vector<16xi32>
      %add3A_670 = arith.addi %sub3A_668, %add3A_669 : vector<16xi32>
      %ge3A_671 = arith.constant 0 : i32
      %ge3A_672 = vector.broadcast %ge3A_671 : i32 to vector<16xi32>
      %ge3A_673 = arith.cmpi sge, %add3A_670, %ge3A_672 : vector<16xi32>
      %lt3A_674 = arith.constant 5000 : i32
      %lt3A_675 = vector.broadcast %lt3A_674 : i32 to vector<16xi32>
      %lt3A_676 = arith.cmpi slt, %add3A_670, %lt3A_675 : vector<16xi32>
      %and3A_677 = arith.andi %ge3A_673, %lt3A_676 : vector<16xi1>
      %jit3A_678 = arith.constant 5000 : i32
      %broadcast_in_dim3A_679 = vector.broadcast %jit3A_678 : i32 to vector<16xi32>
      %select_n3A_680 = arith.select %and3A_677, %add3A_670, %broadcast_in_dim3A_679 : vector<16xi1>, vector<16xi32>
      %swap3A_681 = arith.constant 0 : i32
      %swap3A_682 = arith.index_cast %swap3A_681 : i32 to index
      %swap3A_683 = arith.constant 48 : index
      %swap3A_684 = tpu.vector_load %arg13[%swap3A_682, %swap3A_683] {strides = array<i32>} : memref<1x80xi32, #tpu.memory_space<vmem>>, vector<1x16xi32>,
      %swap3A_685 = vector.shape_cast %swap3A_684 : vector<1x16xi32> to vector<16xi32>
      %swap3A_686 = vector.shape_cast %select_n3A_680 : vector<16xi32> to vector<1x16xi32>
      tpu.vector_store %arg13[%swap3A_682, %swap3A_683], %swap3A_686 {strides = array<i32>} : memref<1x80xi32, #tpu.memory_space<vmem>>, vector<1x16xi32>,
      %mul3A_687 = arith.constant 80 : i32
      %mul3A_688 = arith.muli %select_n3A_565, %mul3A_687 : i32
      %add3A_689 = arith.constant 0 : i32
      %add3A_690 = arith.addi %mul3A_688, %add3A_689 : i32
      %add3A_691 = arith.constant 64 : i32
      %add3A_692 = arith.addi %add3A_690, %add3A_691 : i32
      %get3A_693 = arith.index_cast %add3A_692 : i32 to index
      %get3A_694 = tpu.vector_load %arg15[%get3A_693] {strides = array<i32>} : memref<8000xi32, #tpu.memory_space<vmem>>, vector<16xi32>,
      %get3A_695 = vector.shape_cast %get3A_694 : vector<16xi32> to vector<16xi32>
      %sub3A_696 = vector.broadcast %mul3A_0 : i32 to vector<16xi32>
      %sub3A_697 = arith.subi %get3A_695, %sub3A_696 : vector<16xi32>
      %add3A_698 = vector.broadcast %select_n3A_570 : i32 to vector<16xi32>
      %add3A_699 = arith.addi %sub3A_697, %add3A_698 : vector<16xi32>
      %ge3A_700 = arith.constant 0 : i32
      %ge3A_701 = vector.broadcast %ge3A_700 : i32 to vector<16xi32>
      %ge3A_702 = arith.cmpi sge, %add3A_699, %ge3A_701 : vector<16xi32>
      %lt3A_703 = arith.constant 5000 : i32
      %lt3A_704 = vector.broadcast %lt3A_703 : i32 to vector<16xi32>
      %lt3A_705 = arith.cmpi slt, %add3A_699, %lt3A_704 : vector<16xi32>
      %and3A_706 = arith.andi %ge3A_702, %lt3A_705 : vector<16xi1>
      %jit3A_707 = arith.constant 5000 : i32
      %broadcast_in_dim3A_708 = vector.broadcast %jit3A_707 : i32 to vector<16xi32>
      %select_n3A_709 = arith.select %and3A_706, %add3A_699, %broadcast_in_dim3A_708 : vector<16xi1>, vector<16xi32>
      %swap3A_710 = arith.constant 0 : i32
      %swap3A_711 = arith.index_cast %swap3A_710 : i32 to index
      %swap3A_712 = arith.constant 64 : index
      %swap3A_713 = tpu.vector_load %arg13[%swap3A_711, %swap3A_712] {strides = array<i32>} : memref<1x80xi32, #tpu.memory_space<vmem>>, vector<1x16xi32>,
      %swap3A_714 = vector.shape_cast %swap3A_713 : vector<1x16xi32> to vector<16xi32>
      %swap3A_715 = vector.shape_cast %select_n3A_709 : vector<16xi32> to vector<1x16xi32>
      tpu.vector_store %arg13[%swap3A_711, %swap3A_712], %swap3A_715 {strides = array<i32>} : memref<1x80xi32, #tpu.memory_space<vmem>>, vector<1x16xi32>,
      %add3A_716 = arith.constant 4 : i32
      %add3A_717 = arith.addi %add3A_95, %add3A_716 : i32
      %lt3A_718 = arith.constant 100 : i32
      %lt3A_719 = arith.cmpi slt, %add3A_717, %lt3A_718 : i32
      %jit3A_720 = arith.constant 99 : i32
      %select_n3A_721 = arith.select %lt3A_719, %add3A_717, %jit3A_720 : i32
      %lt3A_722 = arith.constant 100 : i32
      %lt3A_723 = arith.cmpi slt, %add3A_717, %lt3A_722 : i32
      %jit3A_724 = arith.constant 0 : i32
      %jit3A_725 = arith.constant 1048576 : i32
      %select_n3A_726 = arith.select %lt3A_723, %jit3A_724, %jit3A_725 : i32
      %mul3A_727 = arith.constant 80 : i32
      %mul3A_728 = arith.muli %select_n3A_721, %mul3A_727 : i32
      %add3A_729 = arith.constant 0 : i32
      %add3A_730 = arith.addi %mul3A_728, %add3A_729 : i32
      %add3A_731 = arith.constant 0 : i32
      %add3A_732 = arith.addi %add3A_730, %add3A_731 : i32
      %get3A_733 = arith.index_cast %add3A_732 : i32 to index
      %get3A_734 = tpu.vector_load %arg15[%get3A_733] {strides = array<i32>} : memref<8000xi32, #tpu.memory_space<vmem>>, vector<16xi32>,
      %get3A_735 = vector.shape_cast %get3A_734 : vector<16xi32> to vector<16xi32>
      %sub3A_736 = vector.broadcast %mul3A_0 : i32 to vector<16xi32>
      %sub3A_737 = arith.subi %get3A_735, %sub3A_736 : vector<16xi32>
      %add3A_738 = vector.broadcast %select_n3A_726 : i32 to vector<16xi32>
      %add3A_739 = arith.addi %sub3A_737, %add3A_738 : vector<16xi32>
      %ge3A_740 = arith.constant 0 : i32
      %ge3A_741 = vector.broadcast %ge3A_740 : i32 to vector<16xi32>
      %ge3A_742 = arith.cmpi sge, %add3A_739, %ge3A_741 : vector<16xi32>
      %lt3A_743 = arith.constant 5000 : i32
      %lt3A_744 = vector.broadcast %lt3A_743 : i32 to vector<16xi32>
      %lt3A_745 = arith.cmpi slt, %add3A_739, %lt3A_744 : vector<16xi32>
      %and3A_746 = arith.andi %ge3A_742, %lt3A_745 : vector<16xi1>
      %jit3A_747 = arith.constant 5000 : i32
      %broadcast_in_dim3A_748 = vector.broadcast %jit3A_747 : i32 to vector<16xi32>
      %select_n3A_749 = arith.select %and3A_746, %add3A_739, %broadcast_in_dim3A_748 : vector<16xi1>, vector<16xi32>
      %swap3A_750 = arith.constant 0 : i32
      %swap3A_751 = arith.index_cast %swap3A_750 : i32 to index
      %swap3A_752 = arith.constant 0 : index
      %swap3A_753 = tpu.vector_load %arg14[%swap3A_751, %swap3A_752] {strides = array<i32>} : memref<1x80xi32, #tpu.memory_space<vmem>>, vector<1x16xi32>,
      %swap3A_754 = vector.shape_cast %swap3A_753 : vector<1x16xi32> to vector<16xi32>
      %swap3A_755 = vector.shape_cast %select_n3A_749 : vector<16xi32> to vector<1x16xi32>
      tpu.vector_store %arg14[%swap3A_751, %swap3A_752], %swap3A_755 {strides = array<i32>} : memref<1x80xi32, #tpu.memory_space<vmem>>, vector<1x16xi32>,
      %mul3A_756 = arith.constant 80 : i32
      %mul3A_757 = arith.muli %select_n3A_721, %mul3A_756 : i32
      %add3A_758 = arith.constant 0 : i32
      %add3A_759 = arith.addi %mul3A_757, %add3A_758 : i32
      %add3A_760 = arith.constant 16 : i32
      %add3A_761 = arith.addi %add3A_759, %add3A_760 : i32
      %get3A_762 = arith.index_cast %add3A_761 : i32 to index
      %get3A_763 = tpu.vector_load %arg15[%get3A_762] {strides = array<i32>} : memref<8000xi32, #tpu.memory_space<vmem>>, vector<16xi32>,
      %get3A_764 = vector.shape_cast %get3A_763 : vector<16xi32> to vector<16xi32>
      %sub3A_765 = vector.broadcast %mul3A_0 : i32 to vector<16xi32>
      %sub3A_766 = arith.subi %get3A_764, %sub3A_765 : vector<16xi32>
      %add3A_767 = vector.broadcast %select_n3A_726 : i32 to vector<16xi32>
      %add3A_768 = arith.addi %sub3A_766, %add3A_767 : vector<16xi32>
      %ge3A_769 = arith.constant 0 : i32
      %ge3A_770 = vector.broadcast %ge3A_769 : i32 to vector<16xi32>
      %ge3A_771 = arith.cmpi sge, %add3A_768, %ge3A_770 : vector<16xi32>
      %lt3A_772 = arith.constant 5000 : i32
      %lt3A_773 = vector.broadcast %lt3A_772 : i32 to vector<16xi32>
      %lt3A_774 = arith.cmpi slt, %add3A_768, %lt3A_773 : vector<16xi32>
      %and3A_775 = arith.andi %ge3A_771, %lt3A_774 : vector<16xi1>
      %jit3A_776 = arith.constant 5000 : i32
      %broadcast_in_dim3A_777 = vector.broadcast %jit3A_776 : i32 to vector<16xi32>
      %select_n3A_778 = arith.select %and3A_775, %add3A_768, %broadcast_in_dim3A_777 : vector<16xi1>, vector<16xi32>
      %swap3A_779 = arith.constant 0 : i32
      %swap3A_780 = arith.index_cast %swap3A_779 : i32 to index
      %swap3A_781 = arith.constant 16 : index
      %swap3A_782 = tpu.vector_load %arg14[%swap3A_780, %swap3A_781] {strides = array<i32>} : memref<1x80xi32, #tpu.memory_space<vmem>>, vector<1x16xi32>,
      %swap3A_783 = vector.shape_cast %swap3A_782 : vector<1x16xi32> to vector<16xi32>
      %swap3A_784 = vector.shape_cast %select_n3A_778 : vector<16xi32> to vector<1x16xi32>
      tpu.vector_store %arg14[%swap3A_780, %swap3A_781], %swap3A_784 {strides = array<i32>} : memref<1x80xi32, #tpu.memory_space<vmem>>, vector<1x16xi32>,
      %mul3A_785 = arith.constant 80 : i32
      %mul3A_786 = arith.muli %select_n3A_721, %mul3A_785 : i32
      %add3A_787 = arith.constant 0 : i32
      %add3A_788 = arith.addi %mul3A_786, %add3A_787 : i32
      %add3A_789 = arith.constant 32 : i32
      %add3A_790 = arith.addi %add3A_788, %add3A_789 : i32
      %get3A_791 = arith.index_cast %add3A_790 : i32 to index
      %get3A_792 = tpu.vector_load %arg15[%get3A_791] {strides = array<i32>} : memref<8000xi32, #tpu.memory_space<vmem>>, vector<16xi32>,
      %get3A_793 = vector.shape_cast %get3A_792 : vector<16xi32> to vector<16xi32>
      %sub3A_794 = vector.broadcast %mul3A_0 : i32 to vector<16xi32>
      %sub3A_795 = arith.subi %get3A_793, %sub3A_794 : vector<16xi32>
      %add3A_796 = vector.broadcast %select_n3A_726 : i32 to vector<16xi32>
      %add3A_797 = arith.addi %sub3A_795, %add3A_796 : vector<16xi32>
      %ge3A_798 = arith.constant 0 : i32
      %ge3A_799 = vector.broadcast %ge3A_798 : i32 to vector<16xi32>
      %ge3A_800 = arith.cmpi sge, %add3A_797, %ge3A_799 : vector<16xi32>
      %lt3A_801 = arith.constant 5000 : i32
      %lt3A_802 = vector.broadcast %lt3A_801 : i32 to vector<16xi32>
      %lt3A_803 = arith.cmpi slt, %add3A_797, %lt3A_802 : vector<16xi32>
      %and3A_804 = arith.andi %ge3A_800, %lt3A_803 : vector<16xi1>
      %jit3A_805 = arith.constant 5000 : i32
      %broadcast_in_dim3A_806 = vector.broadcast %jit3A_805 : i32 to vector<16xi32>
      %select_n3A_807 = arith.select %and3A_804, %add3A_797, %broadcast_in_dim3A_806 : vector<16xi1>, vector<16xi32>
      %swap3A_808 = arith.constant 0 : i32
      %swap3A_809 = arith.index_cast %swap3A_808 : i32 to index
      %swap3A_810 = arith.constant 32 : index
      %swap3A_811 = tpu.vector_load %arg14[%swap3A_809, %swap3A_810] {strides = array<i32>} : memref<1x80xi32, #tpu.memory_space<vmem>>, vector<1x16xi32>,
      %swap3A_812 = vector.shape_cast %swap3A_811 : vector<1x16xi32> to vector<16xi32>
      %swap3A_813 = vector.shape_cast %select_n3A_807 : vector<16xi32> to vector<1x16xi32>
      tpu.vector_store %arg14[%swap3A_809, %swap3A_810], %swap3A_813 {strides = array<i32>} : memref<1x80xi32, #tpu.memory_space<vmem>>, vector<1x16xi32>,
      %mul3A_814 = arith.constant 80 : i32
      %mul3A_815 = arith.muli %select_n3A_721, %mul3A_814 : i32
      %add3A_816 = arith.constant 0 : i32
      %add3A_817 = arith.addi %mul3A_815, %add3A_816 : i32
      %add3A_818 = arith.constant 48 : i32
      %add3A_819 = arith.addi %add3A_817, %add3A_818 : i32
      %get3A_820 = arith.index_cast %add3A_819 : i32 to index
      %get3A_821 = tpu.vector_load %arg15[%get3A_820] {strides = array<i32>} : memref<8000xi32, #tpu.memory_space<vmem>>, vector<16xi32>,
      %get3A_822 = vector.shape_cast %get3A_821 : vector<16xi32> to vector<16xi32>
      %sub3A_823 = vector.broadcast %mul3A_0 : i32 to vector<16xi32>
      %sub3A_824 = arith.subi %get3A_822, %sub3A_823 : vector<16xi32>
      %add3A_825 = vector.broadcast %select_n3A_726 : i32 to vector<16xi32>
      %add3A_826 = arith.addi %sub3A_824, %add3A_825 : vector<16xi32>
      %ge3A_827 = arith.constant 0 : i32
      %ge3A_828 = vector.broadcast %ge3A_827 : i32 to vector<16xi32>
      %ge3A_829 = arith.cmpi sge, %add3A_826, %ge3A_828 : vector<16xi32>
      %lt3A_830 = arith.constant 5000 : i32
      %lt3A_831 = vector.broadcast %lt3A_830 : i32 to vector<16xi32>
      %lt3A_832 = arith.cmpi slt, %add3A_826, %lt3A_831 : vector<16xi32>
      %and3A_833 = arith.andi %ge3A_829, %lt3A_832 : vector<16xi1>
      %jit3A_834 = arith.constant 5000 : i32
      %broadcast_in_dim3A_835 = vector.broadcast %jit3A_834 : i32 to vector<16xi32>
      %select_n3A_836 = arith.select %and3A_833, %add3A_826, %broadcast_in_dim3A_835 : vector<16xi1>, vector<16xi32>
      %swap3A_837 = arith.constant 0 : i32
      %swap3A_838 = arith.index_cast %swap3A_837 : i32 to index
      %swap3A_839 = arith.constant 48 : index
      %swap3A_840 = tpu.vector_load %arg14[%swap3A_838, %swap3A_839] {strides = array<i32>} : memref<1x80xi32, #tpu.memory_space<vmem>>, vector<1x16xi32>,
      %swap3A_841 = vector.shape_cast %swap3A_840 : vector<1x16xi32> to vector<16xi32>
      %swap3A_842 = vector.shape_cast %select_n3A_836 : vector<16xi32> to vector<1x16xi32>
      tpu.vector_store %arg14[%swap3A_838, %swap3A_839], %swap3A_842 {strides = array<i32>} : memref<1x80xi32, #tpu.memory_space<vmem>>, vector<1x16xi32>,
      %mul3A_843 = arith.constant 80 : i32
      %mul3A_844 = arith.muli %select_n3A_721, %mul3A_843 : i32
      %add3A_845 = arith.constant 0 : i32
      %add3A_846 = arith.addi %mul3A_844, %add3A_845 : i32
      %add3A_847 = arith.constant 64 : i32
      %add3A_848 = arith.addi %add3A_846, %add3A_847 : i32
      %get3A_849 = arith.index_cast %add3A_848 : i32 to index
      %get3A_850 = tpu.vector_load %arg15[%get3A_849] {strides = array<i32>} : memref<8000xi32, #tpu.memory_space<vmem>>, vector<16xi32>,
      %get3A_851 = vector.shape_cast %get3A_850 : vector<16xi32> to vector<16xi32>
      %sub3A_852 = vector.broadcast %mul3A_0 : i32 to vector<16xi32>
      %sub3A_853 = arith.subi %get3A_851, %sub3A_852 : vector<16xi32>
      %add3A_854 = vector.broadcast %select_n3A_726 : i32 to vector<16xi32>
      %add3A_855 = arith.addi %sub3A_853, %add3A_854 : vector<16xi32>
      %ge3A_856 = arith.constant 0 : i32
      %ge3A_857 = vector.broadcast %ge3A_856 : i32 to vector<16xi32>
      %ge3A_858 = arith.cmpi sge, %add3A_855, %ge3A_857 : vector<16xi32>
      %lt3A_859 = arith.constant 5000 : i32
      %lt3A_860 = vector.broadcast %lt3A_859 : i32 to vector<16xi32>
      %lt3A_861 = arith.cmpi slt, %add3A_855, %lt3A_860 : vector<16xi32>
      %and3A_862 = arith.andi %ge3A_858, %lt3A_861 : vector<16xi1>
      %jit3A_863 = arith.constant 5000 : i32
      %broadcast_in_dim3A_864 = vector.broadcast %jit3A_863 : i32 to vector<16xi32>
      %select_n3A_865 = arith.select %and3A_862, %add3A_855, %broadcast_in_dim3A_864 : vector<16xi1>, vector<16xi32>
      %swap3A_866 = arith.constant 0 : i32
      %swap3A_867 = arith.index_cast %swap3A_866 : i32 to index
      %swap3A_868 = arith.constant 64 : index
      %swap3A_869 = tpu.vector_load %arg14[%swap3A_867, %swap3A_868] {strides = array<i32>} : memref<1x80xi32, #tpu.memory_space<vmem>>, vector<1x16xi32>,
      %swap3A_870 = vector.shape_cast %swap3A_869 : vector<1x16xi32> to vector<16xi32>
      %swap3A_871 = vector.shape_cast %select_n3A_865 : vector<16xi32> to vector<1x16xi32>
      tpu.vector_store %arg14[%swap3A_867, %swap3A_868], %swap3A_871 {strides = array<i32>} : memref<1x80xi32, #tpu.memory_space<vmem>>, vector<1x16xi32>,
      %dma_wait3A_872 = arith.constant 0 : i32
      %dma_wait3A_873 = arith.constant 0 : i32
      %dma_wait3A_874 = tpu.memref_slice %arg2[%dma_wait3A_872, %dma_wait3A_873] : memref<320000x128xf32, #tpu.memory_space<hbm>> -> memref<80x128xf32, #tpu.memory_space<hbm>>
      %dma_wait3A_875 = arith.constant 0 : i32
      %dma_wait3A_876 = arith.constant 0 : i32
      %dma_wait3A_877 = tpu.memref_slice %arg2[%dma_wait3A_875, %dma_wait3A_876] : memref<320000x128xf32, #tpu.memory_space<hbm>> -> memref<80x128xf32, #tpu.memory_space<hbm>>
      tpu.wait_dma2 semaphore(%arg18 : memref<!tpu.dma_semaphore, #tpu.memory_space<semaphore_mem>>) src(%dma_wait3A_877 : memref<80x128xf32, #tpu.memory_space<hbm>>) dst(%arg5 : memref<80x128xf32, #tpu.memory_space<vmem>>)
      %dma_start3A_878 = arith.constant 0 : i32
      %dma_start3A_879 = arith.constant 0 : i32
      %dma_start3A_880 = arith.constant 0 : i32
      %dma_start3A_881 = tpu.memref_slice %arg5[%dma_start3A_879, %dma_start3A_880] : memref<80x128xf32, #tpu.memory_space<vmem>> -> memref<80x128xf32, #tpu.memory_space<vmem>>
      %dma_start3A_882 = arith.constant 0 : i32
      %dma_start3A_883 = tpu.memref_slice %arg10[%dma_start3A_878, %dma_start3A_882] : memref<1x80xi32, #tpu.memory_space<vmem>> -> memref<1x80xi32, #tpu.memory_space<vmem>>
      %dma_start3A_884 = tpu.memref_squeeze %dma_start3A_883 : memref<1x80xi32, #tpu.memory_space<vmem>> -> memref<80xi32, #tpu.memory_space<vmem>>
      %dma_start3A_885 = arith.constant 0 : i32
      %dma_start3A_886 = arith.constant 0 : i32
      %dma_start3A_887 = tpu.memref_slice %arg17[%dma_start3A_885, %dma_start3A_886] : memref<5120x128xf32, #tpu.memory_space<vmem_shared>> -> memref<5120x128xf32, #tpu.memory_space<vmem_shared>>
      tpu.enqueue_indirect_dma source(%dma_start3A_881 : memref<80x128xf32, #tpu.memory_space<vmem>>) target(%dma_start3A_887 : memref<5120x128xf32, #tpu.memory_space<vmem_shared>>) offsets(%dma_start3A_884 : memref<80xi32, #tpu.memory_space<vmem>>) semaphore(%arg23 : memref<!tpu.dma_semaphore, #tpu.memory_space<semaphore_mem>>) {add = true}
      %dma_wait3A_888 = arith.constant 0 : i32
      %dma_wait3A_889 = arith.constant 0 : i32
      %dma_wait3A_890 = tpu.memref_slice %arg2[%dma_wait3A_888, %dma_wait3A_889] : memref<320000x128xf32, #tpu.memory_space<hbm>> -> memref<80x128xf32, #tpu.memory_space<hbm>>
      %dma_wait3A_891 = arith.constant 0 : i32
      %dma_wait3A_892 = arith.constant 0 : i32
      %dma_wait3A_893 = tpu.memref_slice %arg2[%dma_wait3A_891, %dma_wait3A_892] : memref<320000x128xf32, #tpu.memory_space<hbm>> -> memref<80x128xf32, #tpu.memory_space<hbm>>
      tpu.wait_dma2 semaphore(%arg19 : memref<!tpu.dma_semaphore, #tpu.memory_space<semaphore_mem>>) src(%dma_wait3A_893 : memref<80x128xf32, #tpu.memory_space<hbm>>) dst(%arg6 : memref<80x128xf32, #tpu.memory_space<vmem>>)
      %dma_start3A_894 = arith.constant 0 : i32
      %dma_start3A_895 = arith.constant 0 : i32
      %dma_start3A_896 = arith.constant 0 : i32
      %dma_start3A_897 = tpu.memref_slice %arg6[%dma_start3A_895, %dma_start3A_896] : memref<80x128xf32, #tpu.memory_space<vmem>> -> memref<80x128xf32, #tpu.memory_space<vmem>>
      %dma_start3A_898 = arith.constant 0 : i32
      %dma_start3A_899 = tpu.memref_slice %arg11[%dma_start3A_894, %dma_start3A_898] : memref<1x80xi32, #tpu.memory_space<vmem>> -> memref<1x80xi32, #tpu.memory_space<vmem>>
      %dma_start3A_900 = tpu.memref_squeeze %dma_start3A_899 : memref<1x80xi32, #tpu.memory_space<vmem>> -> memref<80xi32, #tpu.memory_space<vmem>>
      %dma_start3A_901 = arith.constant 0 : i32
      %dma_start3A_902 = arith.constant 0 : i32
      %dma_start3A_903 = tpu.memref_slice %arg17[%dma_start3A_901, %dma_start3A_902] : memref<5120x128xf32, #tpu.memory_space<vmem_shared>> -> memref<5120x128xf32, #tpu.memory_space<vmem_shared>>
      tpu.enqueue_indirect_dma source(%dma_start3A_897 : memref<80x128xf32, #tpu.memory_space<vmem>>) target(%dma_start3A_903 : memref<5120x128xf32, #tpu.memory_space<vmem_shared>>) offsets(%dma_start3A_900 : memref<80xi32, #tpu.memory_space<vmem>>) semaphore(%arg24 : memref<!tpu.dma_semaphore, #tpu.memory_space<semaphore_mem>>) {add = true}
      %dma_wait3A_904 = arith.constant 0 : i32
      %dma_wait3A_905 = arith.constant 0 : i32
      %dma_wait3A_906 = tpu.memref_slice %arg2[%dma_wait3A_904, %dma_wait3A_905] : memref<320000x128xf32, #tpu.memory_space<hbm>> -> memref<80x128xf32, #tpu.memory_space<hbm>>
      %dma_wait3A_907 = arith.constant 0 : i32
      %dma_wait3A_908 = arith.constant 0 : i32
      %dma_wait3A_909 = tpu.memref_slice %arg2[%dma_wait3A_907, %dma_wait3A_908] : memref<320000x128xf32, #tpu.memory_space<hbm>> -> memref<80x128xf32, #tpu.memory_space<hbm>>
      tpu.wait_dma2 semaphore(%arg20 : memref<!tpu.dma_semaphore, #tpu.memory_space<semaphore_mem>>) src(%dma_wait3A_909 : memref<80x128xf32, #tpu.memory_space<hbm>>) dst(%arg7 : memref<80x128xf32, #tpu.memory_space<vmem>>)
      %dma_start3A_910 = arith.constant 0 : i32
      %dma_start3A_911 = arith.constant 0 : i32
      %dma_start3A_912 = arith.constant 0 : i32
      %dma_start3A_913 = tpu.memref_slice %arg7[%dma_start3A_911, %dma_start3A_912] : memref<80x128xf32, #tpu.memory_space<vmem>> -> memref<80x128xf32, #tpu.memory_space<vmem>>
      %dma_start3A_914 = arith.constant 0 : i32
      %dma_start3A_915 = tpu.memref_slice %arg12[%dma_start3A_910, %dma_start3A_914] : memref<1x80xi32, #tpu.memory_space<vmem>> -> memref<1x80xi32, #tpu.memory_space<vmem>>
      %dma_start3A_916 = tpu.memref_squeeze %dma_start3A_915 : memref<1x80xi32, #tpu.memory_space<vmem>> -> memref<80xi32, #tpu.memory_space<vmem>>
      %dma_start3A_917 = arith.constant 0 : i32
      %dma_start3A_918 = arith.constant 0 : i32
      %dma_start3A_919 = tpu.memref_slice %arg17[%dma_start3A_917, %dma_start3A_918] : memref<5120x128xf32, #tpu.memory_space<vmem_shared>> -> memref<5120x128xf32, #tpu.memory_space<vmem_shared>>
      tpu.enqueue_indirect_dma source(%dma_start3A_913 : memref<80x128xf32, #tpu.memory_space<vmem>>) target(%dma_start3A_919 : memref<5120x128xf32, #tpu.memory_space<vmem_shared>>) offsets(%dma_start3A_916 : memref<80xi32, #tpu.memory_space<vmem>>) semaphore(%arg25 : memref<!tpu.dma_semaphore, #tpu.memory_space<semaphore_mem>>) {add = true}
      %dma_wait3A_920 = arith.constant 0 : i32
      %dma_wait3A_921 = arith.constant 0 : i32
      %dma_wait3A_922 = tpu.memref_slice %arg2[%dma_wait3A_920, %dma_wait3A_921] : memref<320000x128xf32, #tpu.memory_space<hbm>> -> memref<80x128xf32, #tpu.memory_space<hbm>>
      %dma_wait3A_923 = arith.constant 0 : i32
      %dma_wait3A_924 = arith.constant 0 : i32
      %dma_wait3A_925 = tpu.memref_slice %arg2[%dma_wait3A_923, %dma_wait3A_924] : memref<320000x128xf32, #tpu.memory_space<hbm>> -> memref<80x128xf32, #tpu.memory_space<hbm>>
      tpu.wait_dma2 semaphore(%arg21 : memref<!tpu.dma_semaphore, #tpu.memory_space<semaphore_mem>>) src(%dma_wait3A_925 : memref<80x128xf32, #tpu.memory_space<hbm>>) dst(%arg8 : memref<80x128xf32, #tpu.memory_space<vmem>>)
      %dma_start3A_926 = arith.constant 0 : i32
      %dma_start3A_927 = arith.constant 0 : i32
      %dma_start3A_928 = arith.constant 0 : i32
      %dma_start3A_929 = tpu.memref_slice %arg8[%dma_start3A_927, %dma_start3A_928] : memref<80x128xf32, #tpu.memory_space<vmem>> -> memref<80x128xf32, #tpu.memory_space<vmem>>
      %dma_start3A_930 = arith.constant 0 : i32
      %dma_start3A_931 = tpu.memref_slice %arg13[%dma_start3A_926, %dma_start3A_930] : memref<1x80xi32, #tpu.memory_space<vmem>> -> memref<1x80xi32, #tpu.memory_space<vmem>>
      %dma_start3A_932 = tpu.memref_squeeze %dma_start3A_931 : memref<1x80xi32, #tpu.memory_space<vmem>> -> memref<80xi32, #tpu.memory_space<vmem>>
      %dma_start3A_933 = arith.constant 0 : i32
      %dma_start3A_934 = arith.constant 0 : i32
      %dma_start3A_935 = tpu.memref_slice %arg17[%dma_start3A_933, %dma_start3A_934] : memref<5120x128xf32, #tpu.memory_space<vmem_shared>> -> memref<5120x128xf32, #tpu.memory_space<vmem_shared>>
      tpu.enqueue_indirect_dma source(%dma_start3A_929 : memref<80x128xf32, #tpu.memory_space<vmem>>) target(%dma_start3A_935 : memref<5120x128xf32, #tpu.memory_space<vmem_shared>>) offsets(%dma_start3A_932 : memref<80xi32, #tpu.memory_space<vmem>>) semaphore(%arg26 : memref<!tpu.dma_semaphore, #tpu.memory_space<semaphore_mem>>) {add = true}
      %dma_wait3A_936 = arith.constant 0 : i32
      %dma_wait3A_937 = arith.constant 0 : i32
      %dma_wait3A_938 = tpu.memref_slice %arg2[%dma_wait3A_936, %dma_wait3A_937] : memref<320000x128xf32, #tpu.memory_space<hbm>> -> memref<80x128xf32, #tpu.memory_space<hbm>>
      %dma_wait3A_939 = arith.constant 0 : i32
      %dma_wait3A_940 = arith.constant 0 : i32
      %dma_wait3A_941 = tpu.memref_slice %arg2[%dma_wait3A_939, %dma_wait3A_940] : memref<320000x128xf32, #tpu.memory_space<hbm>> -> memref<80x128xf32, #tpu.memory_space<hbm>>
      tpu.wait_dma2 semaphore(%arg22 : memref<!tpu.dma_semaphore, #tpu.memory_space<semaphore_mem>>) src(%dma_wait3A_941 : memref<80x128xf32, #tpu.memory_space<hbm>>) dst(%arg9 : memref<80x128xf32, #tpu.memory_space<vmem>>)
      %dma_start3A_942 = arith.constant 0 : i32
      %dma_start3A_943 = arith.constant 0 : i32
      %dma_start3A_944 = arith.constant 0 : i32
      %dma_start3A_945 = tpu.memref_slice %arg9[%dma_start3A_943, %dma_start3A_944] : memref<80x128xf32, #tpu.memory_space<vmem>> -> memref<80x128xf32, #tpu.memory_space<vmem>>
      %dma_start3A_946 = arith.constant 0 : i32
      %dma_start3A_947 = tpu.memref_slice %arg14[%dma_start3A_942, %dma_start3A_946] : memref<1x80xi32, #tpu.memory_space<vmem>> -> memref<1x80xi32, #tpu.memory_space<vmem>>
      %dma_start3A_948 = tpu.memref_squeeze %dma_start3A_947 : memref<1x80xi32, #tpu.memory_space<vmem>> -> memref<80xi32, #tpu.memory_space<vmem>>
      %dma_start3A_949 = arith.constant 0 : i32
      %dma_start3A_950 = arith.constant 0 : i32
      %dma_start3A_951 = tpu.memref_slice %arg17[%dma_start3A_949, %dma_start3A_950] : memref<5120x128xf32, #tpu.memory_space<vmem_shared>> -> memref<5120x128xf32, #tpu.memory_space<vmem_shared>>
      tpu.enqueue_indirect_dma source(%dma_start3A_945 : memref<80x128xf32, #tpu.memory_space<vmem>>) target(%dma_start3A_951 : memref<5120x128xf32, #tpu.memory_space<vmem_shared>>) offsets(%dma_start3A_948 : memref<80xi32, #tpu.memory_space<vmem>>) semaphore(%arg27 : memref<!tpu.dma_semaphore, #tpu.memory_space<semaphore_mem>>) {add = true}
      %dma_wait3A_952 = arith.constant 0 : i32
      %dma_wait3A_953 = arith.constant 0 : i32
      %dma_wait3A_954 = tpu.memref_slice %arg2[%dma_wait3A_952, %dma_wait3A_953] : memref<320000x128xf32, #tpu.memory_space<hbm>> -> memref<80x128xf32, #tpu.memory_space<hbm>>
      %dma_wait3A_955 = arith.constant 0 : i32
      %dma_wait3A_956 = arith.constant 0 : i32
      %dma_wait3A_957 = tpu.memref_slice %arg2[%dma_wait3A_955, %dma_wait3A_956] : memref<320000x128xf32, #tpu.memory_space<hbm>> -> memref<80x128xf32, #tpu.memory_space<hbm>>
      tpu.wait_dma2 semaphore(%arg23 : memref<!tpu.dma_semaphore, #tpu.memory_space<semaphore_mem>>) src(%dma_wait3A_957 : memref<80x128xf32, #tpu.memory_space<hbm>>) dst(%arg5 : memref<80x128xf32, #tpu.memory_space<vmem>>)
      %sub3A_958 = arith.constant 1 : i32
      %sub3A_959 = arith.subi %select_n3A, %sub3A_958 : i32
      %lt3A_960 = arith.cmpi slt, %while3A_92, %sub3A_959 : i32
      %convert_element_type3A_961 = arith.extui %lt3A_960 : i1 to i32
      %cond3A_962 = arith.constant 0 : i32
      %cond3A_963 = arith.cmpi ne, %convert_element_type3A_961, %cond3A_962 : i32
      scf.if %cond3A_963 {
        %add3A_1012 = arith.constant 5 : i32
        %add3A_1013 = arith.addi %add3A_95, %add3A_1012 : i32
        %add3A_1014 = arith.constant 0 : i32
        %add3A_1015 = arith.addi %add3A_1013, %add3A_1014 : i32
        %lt3A_1016 = arith.constant 100 : i32
        %lt3A_1017 = arith.cmpi slt, %add3A_1015, %lt3A_1016 : i32
        %jit3A_1018 = arith.constant 99 : i32
        %select_n3A_1019 = arith.select %lt3A_1017, %add3A_1015, %jit3A_1018 : i32
        %mul3A_1020 = arith.constant 80 : i32
        %mul3A_1021 = arith.muli %select_n3A_1019, %mul3A_1020 : i32
        %add3A_1022 = arith.addi %add3A_3, %mul3A_1021 : i32
        %dma_start3A_1023 = arith.constant 0 : i32
        %dma_start3A_1024 = tpu.memref_slice %arg2[%add3A_1022, %dma_start3A_1023] : memref<320000x128xf32, #tpu.memory_space<hbm>> -> memref<80x128xf32, #tpu.memory_space<hbm>>
        %dma_start3A_1025 = arith.constant 0 : i32
        %dma_start3A_1026 = tpu.memref_slice %arg2[%add3A_1022, %dma_start3A_1025] : memref<320000x128xf32, #tpu.memory_space<hbm>> -> memref<80x128xf32, #tpu.memory_space<hbm>>
        tpu.enqueue_dma source(%dma_start3A_1026 : memref<80x128xf32, #tpu.memory_space<hbm>>) target(%arg5 : memref<80x128xf32, #tpu.memory_space<vmem>>) target_semaphore(%arg18 : memref<!tpu.dma_semaphore, #tpu.memory_space<semaphore_mem>>)
      } else {
      }
      %dma_wait3A_964 = arith.constant 0 : i32
      %dma_wait3A_965 = arith.constant 0 : i32
      %dma_wait3A_966 = tpu.memref_slice %arg2[%dma_wait3A_964, %dma_wait3A_965] : memref<320000x128xf32, #tpu.memory_space<hbm>> -> memref<80x128xf32, #tpu.memory_space<hbm>>
      %dma_wait3A_967 = arith.constant 0 : i32
      %dma_wait3A_968 = arith.constant 0 : i32
      %dma_wait3A_969 = tpu.memref_slice %arg2[%dma_wait3A_967, %dma_wait3A_968] : memref<320000x128xf32, #tpu.memory_space<hbm>> -> memref<80x128xf32, #tpu.memory_space<hbm>>
      tpu.wait_dma2 semaphore(%arg24 : memref<!tpu.dma_semaphore, #tpu.memory_space<semaphore_mem>>) src(%dma_wait3A_969 : memref<80x128xf32, #tpu.memory_space<hbm>>) dst(%arg6 : memref<80x128xf32, #tpu.memory_space<vmem>>)
      %sub3A_970 = arith.constant 1 : i32
      %sub3A_971 = arith.subi %select_n3A, %sub3A_970 : i32
      %lt3A_972 = arith.cmpi slt, %while3A_92, %sub3A_971 : i32
      %convert_element_type3A_973 = arith.extui %lt3A_972 : i1 to i32
      %cond3A_974 = arith.constant 0 : i32
      %cond3A_975 = arith.cmpi ne, %convert_element_type3A_973, %cond3A_974 : i32
      scf.if %cond3A_975 {
        %add3A_1012 = arith.constant 5 : i32
        %add3A_1013 = arith.addi %add3A_95, %add3A_1012 : i32
        %add3A_1014 = arith.constant 1 : i32
        %add3A_1015 = arith.addi %add3A_1013, %add3A_1014 : i32
        %lt3A_1016 = arith.constant 100 : i32
        %lt3A_1017 = arith.cmpi slt, %add3A_1015, %lt3A_1016 : i32
        %jit3A_1018 = arith.constant 99 : i32
        %select_n3A_1019 = arith.select %lt3A_1017, %add3A_1015, %jit3A_1018 : i32
        %mul3A_1020 = arith.constant 80 : i32
        %mul3A_1021 = arith.muli %select_n3A_1019, %mul3A_1020 : i32
        %add3A_1022 = arith.addi %add3A_3, %mul3A_1021 : i32
        %dma_start3A_1023 = arith.constant 0 : i32
        %dma_start3A_1024 = tpu.memref_slice %arg2[%add3A_1022, %dma_start3A_1023] : memref<320000x128xf32, #tpu.memory_space<hbm>> -> memref<80x128xf32, #tpu.memory_space<hbm>>
        %dma_start3A_1025 = arith.constant 0 : i32
        %dma_start3A_1026 = tpu.memref_slice %arg2[%add3A_1022, %dma_start3A_1025] : memref<320000x128xf32, #tpu.memory_space<hbm>> -> memref<80x128xf32, #tpu.memory_space<hbm>>
        tpu.enqueue_dma source(%dma_start3A_1026 : memref<80x128xf32, #tpu.memory_space<hbm>>) target(%arg6 : memref<80x128xf32, #tpu.memory_space<vmem>>) target_semaphore(%arg19 : memref<!tpu.dma_semaphore, #tpu.memory_space<semaphore_mem>>)
      } else {
      }
      %dma_wait3A_976 = arith.constant 0 : i32
      %dma_wait3A_977 = arith.constant 0 : i32
      %dma_wait3A_978 = tpu.memref_slice %arg2[%dma_wait3A_976, %dma_wait3A_977] : memref<320000x128xf32, #tpu.memory_space<hbm>> -> memref<80x128xf32, #tpu.memory_space<hbm>>
      %dma_wait3A_979 = arith.constant 0 : i32
      %dma_wait3A_980 = arith.constant 0 : i32
      %dma_wait3A_981 = tpu.memref_slice %arg2[%dma_wait3A_979, %dma_wait3A_980] : memref<320000x128xf32, #tpu.memory_space<hbm>> -> memref<80x128xf32, #tpu.memory_space<hbm>>
      tpu.wait_dma2 semaphore(%arg25 : memref<!tpu.dma_semaphore, #tpu.memory_space<semaphore_mem>>) src(%dma_wait3A_981 : memref<80x128xf32, #tpu.memory_space<hbm>>) dst(%arg7 : memref<80x128xf32, #tpu.memory_space<vmem>>)
      %sub3A_982 = arith.constant 1 : i32
      %sub3A_983 = arith.subi %select_n3A, %sub3A_982 : i32
      %lt3A_984 = arith.cmpi slt, %while3A_92, %sub3A_983 : i32
      %convert_element_type3A_985 = arith.extui %lt3A_984 : i1 to i32
      %cond3A_986 = arith.constant 0 : i32
      %cond3A_987 = arith.cmpi ne, %convert_element_type3A_985, %cond3A_986 : i32
      scf.if %cond3A_987 {
        %add3A_1012 = arith.constant 5 : i32
        %add3A_1013 = arith.addi %add3A_95, %add3A_1012 : i32
        %add3A_1014 = arith.constant 2 : i32
        %add3A_1015 = arith.addi %add3A_1013, %add3A_1014 : i32
        %lt3A_1016 = arith.constant 100 : i32
        %lt3A_1017 = arith.cmpi slt, %add3A_1015, %lt3A_1016 : i32
        %jit3A_1018 = arith.constant 99 : i32
        %select_n3A_1019 = arith.select %lt3A_1017, %add3A_1015, %jit3A_1018 : i32
        %mul3A_1020 = arith.constant 80 : i32
        %mul3A_1021 = arith.muli %select_n3A_1019, %mul3A_1020 : i32
        %add3A_1022 = arith.addi %add3A_3, %mul3A_1021 : i32
        %dma_start3A_1023 = arith.constant 0 : i32
        %dma_start3A_1024 = tpu.memref_slice %arg2[%add3A_1022, %dma_start3A_1023] : memref<320000x128xf32, #tpu.memory_space<hbm>> -> memref<80x128xf32, #tpu.memory_space<hbm>>
        %dma_start3A_1025 = arith.constant 0 : i32
        %dma_start3A_1026 = tpu.memref_slice %arg2[%add3A_1022, %dma_start3A_1025] : memref<320000x128xf32, #tpu.memory_space<hbm>> -> memref<80x128xf32, #tpu.memory_space<hbm>>
        tpu.enqueue_dma source(%dma_start3A_1026 : memref<80x128xf32, #tpu.memory_space<hbm>>) target(%arg7 : memref<80x128xf32, #tpu.memory_space<vmem>>) target_semaphore(%arg20 : memref<!tpu.dma_semaphore, #tpu.memory_space<semaphore_mem>>)
      } else {
      }
      %dma_wait3A_988 = arith.constant 0 : i32
      %dma_wait3A_989 = arith.constant 0 : i32
      %dma_wait3A_990 = tpu.memref_slice %arg2[%dma_wait3A_988, %dma_wait3A_989] : memref<320000x128xf32, #tpu.memory_space<hbm>> -> memref<80x128xf32, #tpu.memory_space<hbm>>
      %dma_wait3A_991 = arith.constant 0 : i32
      %dma_wait3A_992 = arith.constant 0 : i32
      %dma_wait3A_993 = tpu.memref_slice %arg2[%dma_wait3A_991, %dma_wait3A_992] : memref<320000x128xf32, #tpu.memory_space<hbm>> -> memref<80x128xf32, #tpu.memory_space<hbm>>
      tpu.wait_dma2 semaphore(%arg26 : memref<!tpu.dma_semaphore, #tpu.memory_space<semaphore_mem>>) src(%dma_wait3A_993 : memref<80x128xf32, #tpu.memory_space<hbm>>) dst(%arg8 : memref<80x128xf32, #tpu.memory_space<vmem>>)
      %sub3A_994 = arith.constant 1 : i32
      %sub3A_995 = arith.subi %select_n3A, %sub3A_994 : i32
      %lt3A_996 = arith.cmpi slt, %while3A_92, %sub3A_995 : i32
      %convert_element_type3A_997 = arith.extui %lt3A_996 : i1 to i32
      %cond3A_998 = arith.constant 0 : i32
      %cond3A_999 = arith.cmpi ne, %convert_element_type3A_997, %cond3A_998 : i32
      scf.if %cond3A_999 {
        %add3A_1012 = arith.constant 5 : i32
        %add3A_1013 = arith.addi %add3A_95, %add3A_1012 : i32
        %add3A_1014 = arith.constant 3 : i32
        %add3A_1015 = arith.addi %add3A_1013, %add3A_1014 : i32
        %lt3A_1016 = arith.constant 100 : i32
        %lt3A_1017 = arith.cmpi slt, %add3A_1015, %lt3A_1016 : i32
        %jit3A_1018 = arith.constant 99 : i32
        %select_n3A_1019 = arith.select %lt3A_1017, %add3A_1015, %jit3A_1018 : i32
        %mul3A_1020 = arith.constant 80 : i32
        %mul3A_1021 = arith.muli %select_n3A_1019, %mul3A_1020 : i32
        %add3A_1022 = arith.addi %add3A_3, %mul3A_1021 : i32
        %dma_start3A_1023 = arith.constant 0 : i32
        %dma_start3A_1024 = tpu.memref_slice %arg2[%add3A_1022, %dma_start3A_1023] : memref<320000x128xf32, #tpu.memory_space<hbm>> -> memref<80x128xf32, #tpu.memory_space<hbm>>
        %dma_start3A_1025 = arith.constant 0 : i32
        %dma_start3A_1026 = tpu.memref_slice %arg2[%add3A_1022, %dma_start3A_1025] : memref<320000x128xf32, #tpu.memory_space<hbm>> -> memref<80x128xf32, #tpu.memory_space<hbm>>
        tpu.enqueue_dma source(%dma_start3A_1026 : memref<80x128xf32, #tpu.memory_space<hbm>>) target(%arg8 : memref<80x128xf32, #tpu.memory_space<vmem>>) target_semaphore(%arg21 : memref<!tpu.dma_semaphore, #tpu.memory_space<semaphore_mem>>)
      } else {
      }
      %dma_wait3A_1000 = arith.constant 0 : i32
      %dma_wait3A_1001 = arith.constant 0 : i32
      %dma_wait3A_1002 = tpu.memref_slice %arg2[%dma_wait3A_1000, %dma_wait3A_1001] : memref<320000x128xf32, #tpu.memory_space<hbm>> -> memref<80x128xf32, #tpu.memory_space<hbm>>
      %dma_wait3A_1003 = arith.constant 0 : i32
      %dma_wait3A_1004 = arith.constant 0 : i32
      %dma_wait3A_1005 = tpu.memref_slice %arg2[%dma_wait3A_1003, %dma_wait3A_1004] : memref<320000x128xf32, #tpu.memory_space<hbm>> -> memref<80x128xf32, #tpu.memory_space<hbm>>
      tpu.wait_dma2 semaphore(%arg27 : memref<!tpu.dma_semaphore, #tpu.memory_space<semaphore_mem>>) src(%dma_wait3A_1005 : memref<80x128xf32, #tpu.memory_space<hbm>>) dst(%arg9 : memref<80x128xf32, #tpu.memory_space<vmem>>)
      %sub3A_1006 = arith.constant 1 : i32
      %sub3A_1007 = arith.subi %select_n3A, %sub3A_1006 : i32
      %lt3A_1008 = arith.cmpi slt, %while3A_92, %sub3A_1007 : i32
      %convert_element_type3A_1009 = arith.extui %lt3A_1008 : i1 to i32
      %cond3A_1010 = arith.constant 0 : i32
      %cond3A_1011 = arith.cmpi ne, %convert_element_type3A_1009, %cond3A_1010 : i32
      scf.if %cond3A_1011 {
        %add3A_1012 = arith.constant 5 : i32
        %add3A_1013 = arith.addi %add3A_95, %add3A_1012 : i32
        %add3A_1014 = arith.constant 4 : i32
        %add3A_1015 = arith.addi %add3A_1013, %add3A_1014 : i32
        %lt3A_1016 = arith.constant 100 : i32
        %lt3A_1017 = arith.cmpi slt, %add3A_1015, %lt3A_1016 : i32
        %jit3A_1018 = arith.constant 99 : i32
        %select_n3A_1019 = arith.select %lt3A_1017, %add3A_1015, %jit3A_1018 : i32
        %mul3A_1020 = arith.constant 80 : i32
        %mul3A_1021 = arith.muli %select_n3A_1019, %mul3A_1020 : i32
        %add3A_1022 = arith.addi %add3A_3, %mul3A_1021 : i32
        %dma_start3A_1023 = arith.constant 0 : i32
        %dma_start3A_1024 = tpu.memref_slice %arg2[%add3A_1022, %dma_start3A_1023] : memref<320000x128xf32, #tpu.memory_space<hbm>> -> memref<80x128xf32, #tpu.memory_space<hbm>>
        %dma_start3A_1025 = arith.constant 0 : i32
        %dma_start3A_1026 = tpu.memref_slice %arg2[%add3A_1022, %dma_start3A_1025] : memref<320000x128xf32, #tpu.memory_space<hbm>> -> memref<80x128xf32, #tpu.memory_space<hbm>>
        tpu.enqueue_dma source(%dma_start3A_1026 : memref<80x128xf32, #tpu.memory_space<hbm>>) target(%arg9 : memref<80x128xf32, #tpu.memory_space<vmem>>) target_semaphore(%arg22 : memref<!tpu.dma_semaphore, #tpu.memory_space<semaphore_mem>>)
      } else {
      }
    }
    %while3A_74 = arith.constant 1 : i32
    scf.for %while3A_92 = %while3A_72 to %while3A_68 step %while3A_74  : i32 {
      %mul3A_93 = arith.constant 5 : i32
      %mul3A_94 = arith.muli %while3A_92, %mul3A_93 : i32
      %add3A_95 = arith.addi %select_n3A_62, %mul3A_94 : i32
      %add3A_96 = arith.constant 0 : i32
      %add3A_97 = arith.addi %add3A_95, %add3A_96 : i32
      %lt3A = arith.constant 100 : i32
      %lt3A_98 = arith.cmpi slt, %add3A_97, %lt3A : i32
      %jit3A_99 = arith.constant 99 : i32
      %select_n3A_100 = arith.select %lt3A_98, %add3A_97, %jit3A_99 : i32
      %lt3A_101 = arith.constant 100 : i32
      %lt3A_102 = arith.cmpi slt, %add3A_97, %lt3A_101 : i32
      %jit3A_103 = arith.constant 0 : i32
      %jit3A_104 = arith.constant 1048576 : i32
      %select_n3A_105 = arith.select %lt3A_102, %jit3A_103, %jit3A_104 : i32
      %mul3A_106 = arith.constant 80 : i32
      %mul3A_107 = arith.muli %select_n3A_100, %mul3A_106 : i32
      %add3A_108 = arith.constant 0 : i32
      %add3A_109 = arith.addi %mul3A_107, %add3A_108 : i32
      %add3A_110 = arith.constant 0 : i32
      %add3A_111 = arith.addi %add3A_109, %add3A_110 : i32
      %get3A = arith.index_cast %add3A_111 : i32 to index
      %get3A_112 = tpu.vector_load %arg15[%get3A] {strides = array<i32>} : memref<8000xi32, #tpu.memory_space<vmem>>, vector<16xi32>,
      %get3A_113 = vector.shape_cast %get3A_112 : vector<16xi32> to vector<16xi32>
      %sub3A_114 = vector.broadcast %mul3A_0 : i32 to vector<16xi32>
      %sub3A_115 = arith.subi %get3A_113, %sub3A_114 : vector<16xi32>
      %add3A_116 = vector.broadcast %select_n3A_105 : i32 to vector<16xi32>
      %add3A_117 = arith.addi %sub3A_115, %add3A_116 : vector<16xi32>
      %ge3A = arith.constant 0 : i32
      %ge3A_118 = vector.broadcast %ge3A : i32 to vector<16xi32>
      %ge3A_119 = arith.cmpi sge, %add3A_117, %ge3A_118 : vector<16xi32>
      %lt3A_120 = arith.constant 5000 : i32
      %lt3A_121 = vector.broadcast %lt3A_120 : i32 to vector<16xi32>
      %lt3A_122 = arith.cmpi slt, %add3A_117, %lt3A_121 : vector<16xi32>
      %and3A_123 = arith.andi %ge3A_119, %lt3A_122 : vector<16xi1>
      %jit3A_124 = arith.constant 5000 : i32
      %broadcast_in_dim3A_125 = vector.broadcast %jit3A_124 : i32 to vector<16xi32>
      %select_n3A_126 = arith.select %and3A_123, %add3A_117, %broadcast_in_dim3A_125 : vector<16xi1>, vector<16xi32>
      %swap3A = arith.constant 0 : i32
      %swap3A_127 = arith.index_cast %swap3A : i32 to index
      %swap3A_128 = arith.constant 0 : index
      %swap3A_129 = tpu.vector_load %arg10[%swap3A_127, %swap3A_128] {strides = array<i32>} : memref<1x80xi32, #tpu.memory_space<vmem>>, vector<1x16xi32>,
      %swap3A_130 = vector.shape_cast %swap3A_129 : vector<1x16xi32> to vector<16xi32>
      %swap3A_131 = vector.shape_cast %select_n3A_126 : vector<16xi32> to vector<1x16xi32>
      tpu.vector_store %arg10[%swap3A_127, %swap3A_128], %swap3A_131 {strides = array<i32>} : memref<1x80xi32, #tpu.memory_space<vmem>>, vector<1x16xi32>,
      %mul3A_132 = arith.constant 80 : i32
      %mul3A_133 = arith.muli %select_n3A_100, %mul3A_132 : i32
      %add3A_134 = arith.constant 0 : i32
      %add3A_135 = arith.addi %mul3A_133, %add3A_134 : i32
      %add3A_136 = arith.constant 16 : i32
      %add3A_137 = arith.addi %add3A_135, %add3A_136 : i32
      %get3A_138 = arith.index_cast %add3A_137 : i32 to index
      %get3A_139 = tpu.vector_load %arg15[%get3A_138] {strides = array<i32>} : memref<8000xi32, #tpu.memory_space<vmem>>, vector<16xi32>,
      %get3A_140 = vector.shape_cast %get3A_139 : vector<16xi32> to vector<16xi32>
      %sub3A_141 = vector.broadcast %mul3A_0 : i32 to vector<16xi32>
      %sub3A_142 = arith.subi %get3A_140, %sub3A_141 : vector<16xi32>
      %add3A_143 = vector.broadcast %select_n3A_105 : i32 to vector<16xi32>
      %add3A_144 = arith.addi %sub3A_142, %add3A_143 : vector<16xi32>
      %ge3A_145 = arith.constant 0 : i32
      %ge3A_146 = vector.broadcast %ge3A_145 : i32 to vector<16xi32>
      %ge3A_147 = arith.cmpi sge, %add3A_144, %ge3A_146 : vector<16xi32>
      %lt3A_148 = arith.constant 5000 : i32
      %lt3A_149 = vector.broadcast %lt3A_148 : i32 to vector<16xi32>
      %lt3A_150 = arith.cmpi slt, %add3A_144, %lt3A_149 : vector<16xi32>
      %and3A_151 = arith.andi %ge3A_147, %lt3A_150 : vector<16xi1>
      %jit3A_152 = arith.constant 5000 : i32
      %broadcast_in_dim3A_153 = vector.broadcast %jit3A_152 : i32 to vector<16xi32>
      %select_n3A_154 = arith.select %and3A_151, %add3A_144, %broadcast_in_dim3A_153 : vector<16xi1>, vector<16xi32>
      %swap3A_155 = arith.constant 0 : i32
      %swap3A_156 = arith.index_cast %swap3A_155 : i32 to index
      %swap3A_157 = arith.constant 16 : index
      %swap3A_158 = tpu.vector_load %arg10[%swap3A_156, %swap3A_157] {strides = array<i32>} : memref<1x80xi32, #tpu.memory_space<vmem>>, vector<1x16xi32>,
      %swap3A_159 = vector.shape_cast %swap3A_158 : vector<1x16xi32> to vector<16xi32>
      %swap3A_160 = vector.shape_cast %select_n3A_154 : vector<16xi32> to vector<1x16xi32>
      tpu.vector_store %arg10[%swap3A_156, %swap3A_157], %swap3A_160 {strides = array<i32>} : memref<1x80xi32, #tpu.memory_space<vmem>>, vector<1x16xi32>,
      %mul3A_161 = arith.constant 80 : i32
      %mul3A_162 = arith.muli %select_n3A_100, %mul3A_161 : i32
      %add3A_163 = arith.constant 0 : i32
      %add3A_164 = arith.addi %mul3A_162, %add3A_163 : i32
      %add3A_165 = arith.constant 32 : i32
      %add3A_166 = arith.addi %add3A_164, %add3A_165 : i32
      %get3A_167 = arith.index_cast %add3A_166 : i32 to index
      %get3A_168 = tpu.vector_load %arg15[%get3A_167] {strides = array<i32>} : memref<8000xi32, #tpu.memory_space<vmem>>, vector<16xi32>,
      %get3A_169 = vector.shape_cast %get3A_168 : vector<16xi32> to vector<16xi32>
      %sub3A_170 = vector.broadcast %mul3A_0 : i32 to vector<16xi32>
      %sub3A_171 = arith.subi %get3A_169, %sub3A_170 : vector<16xi32>
      %add3A_172 = vector.broadcast %select_n3A_105 : i32 to vector<16xi32>
      %add3A_173 = arith.addi %sub3A_171, %add3A_172 : vector<16xi32>
      %ge3A_174 = arith.constant 0 : i32
      %ge3A_175 = vector.broadcast %ge3A_174 : i32 to vector<16xi32>
      %ge3A_176 = arith.cmpi sge, %add3A_173, %ge3A_175 : vector<16xi32>
      %lt3A_177 = arith.constant 5000 : i32
      %lt3A_178 = vector.broadcast %lt3A_177 : i32 to vector<16xi32>
      %lt3A_179 = arith.cmpi slt, %add3A_173, %lt3A_178 : vector<16xi32>
      %and3A_180 = arith.andi %ge3A_176, %lt3A_179 : vector<16xi1>
      %jit3A_181 = arith.constant 5000 : i32
      %broadcast_in_dim3A_182 = vector.broadcast %jit3A_181 : i32 to vector<16xi32>
      %select_n3A_183 = arith.select %and3A_180, %add3A_173, %broadcast_in_dim3A_182 : vector<16xi1>, vector<16xi32>
      %swap3A_184 = arith.constant 0 : i32
      %swap3A_185 = arith.index_cast %swap3A_184 : i32 to index
      %swap3A_186 = arith.constant 32 : index
      %swap3A_187 = tpu.vector_load %arg10[%swap3A_185, %swap3A_186] {strides = array<i32>} : memref<1x80xi32, #tpu.memory_space<vmem>>, vector<1x16xi32>,
      %swap3A_188 = vector.shape_cast %swap3A_187 : vector<1x16xi32> to vector<16xi32>
      %swap3A_189 = vector.shape_cast %select_n3A_183 : vector<16xi32> to vector<1x16xi32>
      tpu.vector_store %arg10[%swap3A_185, %swap3A_186], %swap3A_189 {strides = array<i32>} : memref<1x80xi32, #tpu.memory_space<vmem>>, vector<1x16xi32>,
      %mul3A_190 = arith.constant 80 : i32
      %mul3A_191 = arith.muli %select_n3A_100, %mul3A_190 : i32
      %add3A_192 = arith.constant 0 : i32
      %add3A_193 = arith.addi %mul3A_191, %add3A_192 : i32
      %add3A_194 = arith.constant 48 : i32
      %add3A_195 = arith.addi %add3A_193, %add3A_194 : i32
      %get3A_196 = arith.index_cast %add3A_195 : i32 to index
      %get3A_197 = tpu.vector_load %arg15[%get3A_196] {strides = array<i32>} : memref<8000xi32, #tpu.memory_space<vmem>>, vector<16xi32>,
      %get3A_198 = vector.shape_cast %get3A_197 : vector<16xi32> to vector<16xi32>
      %sub3A_199 = vector.broadcast %mul3A_0 : i32 to vector<16xi32>
      %sub3A_200 = arith.subi %get3A_198, %sub3A_199 : vector<16xi32>
      %add3A_201 = vector.broadcast %select_n3A_105 : i32 to vector<16xi32>
      %add3A_202 = arith.addi %sub3A_200, %add3A_201 : vector<16xi32>
      %ge3A_203 = arith.constant 0 : i32
      %ge3A_204 = vector.broadcast %ge3A_203 : i32 to vector<16xi32>
      %ge3A_205 = arith.cmpi sge, %add3A_202, %ge3A_204 : vector<16xi32>
      %lt3A_206 = arith.constant 5000 : i32
      %lt3A_207 = vector.broadcast %lt3A_206 : i32 to vector<16xi32>
      %lt3A_208 = arith.cmpi slt, %add3A_202, %lt3A_207 : vector<16xi32>
      %and3A_209 = arith.andi %ge3A_205, %lt3A_208 : vector<16xi1>
      %jit3A_210 = arith.constant 5000 : i32
      %broadcast_in_dim3A_211 = vector.broadcast %jit3A_210 : i32 to vector<16xi32>
      %select_n3A_212 = arith.select %and3A_209, %add3A_202, %broadcast_in_dim3A_211 : vector<16xi1>, vector<16xi32>
      %swap3A_213 = arith.constant 0 : i32
      %swap3A_214 = arith.index_cast %swap3A_213 : i32 to index
      %swap3A_215 = arith.constant 48 : index
      %swap3A_216 = tpu.vector_load %arg10[%swap3A_214, %swap3A_215] {strides = array<i32>} : memref<1x80xi32, #tpu.memory_space<vmem>>, vector<1x16xi32>,
      %swap3A_217 = vector.shape_cast %swap3A_216 : vector<1x16xi32> to vector<16xi32>
      %swap3A_218 = vector.shape_cast %select_n3A_212 : vector<16xi32> to vector<1x16xi32>
      tpu.vector_store %arg10[%swap3A_214, %swap3A_215], %swap3A_218 {strides = array<i32>} : memref<1x80xi32, #tpu.memory_space<vmem>>, vector<1x16xi32>,
      %mul3A_219 = arith.constant 80 : i32
      %mul3A_220 = arith.muli %select_n3A_100, %mul3A_219 : i32
      %add3A_221 = arith.constant 0 : i32
      %add3A_222 = arith.addi %mul3A_220, %add3A_221 : i32
      %add3A_223 = arith.constant 64 : i32
      %add3A_224 = arith.addi %add3A_222, %add3A_223 : i32
      %get3A_225 = arith.index_cast %add3A_224 : i32 to index
      %get3A_226 = tpu.vector_load %arg15[%get3A_225] {strides = array<i32>} : memref<8000xi32, #tpu.memory_space<vmem>>, vector<16xi32>,
      %get3A_227 = vector.shape_cast %get3A_226 : vector<16xi32> to vector<16xi32>
      %sub3A_228 = vector.broadcast %mul3A_0 : i32 to vector<16xi32>
      %sub3A_229 = arith.subi %get3A_227, %sub3A_228 : vector<16xi32>
      %add3A_230 = vector.broadcast %select_n3A_105 : i32 to vector<16xi32>
      %add3A_231 = arith.addi %sub3A_229, %add3A_230 : vector<16xi32>
      %ge3A_232 = arith.constant 0 : i32
      %ge3A_233 = vector.broadcast %ge3A_232 : i32 to vector<16xi32>
      %ge3A_234 = arith.cmpi sge, %add3A_231, %ge3A_233 : vector<16xi32>
      %lt3A_235 = arith.constant 5000 : i32
      %lt3A_236 = vector.broadcast %lt3A_235 : i32 to vector<16xi32>
      %lt3A_237 = arith.cmpi slt, %add3A_231, %lt3A_236 : vector<16xi32>
      %and3A_238 = arith.andi %ge3A_234, %lt3A_237 : vector<16xi1>
      %jit3A_239 = arith.constant 5000 : i32
      %broadcast_in_dim3A_240 = vector.broadcast %jit3A_239 : i32 to vector<16xi32>
      %select_n3A_241 = arith.select %and3A_238, %add3A_231, %broadcast_in_dim3A_240 : vector<16xi1>, vector<16xi32>
      %swap3A_242 = arith.constant 0 : i32
      %swap3A_243 = arith.index_cast %swap3A_242 : i32 to index
      %swap3A_244 = arith.constant 64 : index
      %swap3A_245 = tpu.vector_load %arg10[%swap3A_243, %swap3A_244] {strides = array<i32>} : memref<1x80xi32, #tpu.memory_space<vmem>>, vector<1x16xi32>,
      %swap3A_246 = vector.shape_cast %swap3A_245 : vector<1x16xi32> to vector<16xi32>
      %swap3A_247 = vector.shape_cast %select_n3A_241 : vector<16xi32> to vector<1x16xi32>
      tpu.vector_store %arg10[%swap3A_243, %swap3A_244], %swap3A_247 {strides = array<i32>} : memref<1x80xi32, #tpu.memory_space<vmem>>, vector<1x16xi32>,
      %add3A_248 = arith.constant 1 : i32
      %add3A_249 = arith.addi %add3A_95, %add3A_248 : i32
      %lt3A_250 = arith.constant 100 : i32
      %lt3A_251 = arith.cmpi slt, %add3A_249, %lt3A_250 : i32
      %jit3A_252 = arith.constant 99 : i32
      %select_n3A_253 = arith.select %lt3A_251, %add3A_249, %jit3A_252 : i32
      %lt3A_254 = arith.constant 100 : i32
      %lt3A_255 = arith.cmpi slt, %add3A_249, %lt3A_254 : i32
      %jit3A_256 = arith.constant 0 : i32
      %jit3A_257 = arith.constant 1048576 : i32
      %select_n3A_258 = arith.select %lt3A_255, %jit3A_256, %jit3A_257 : i32
      %mul3A_259 = arith.constant 80 : i32
      %mul3A_260 = arith.muli %select_n3A_253, %mul3A_259 : i32
      %add3A_261 = arith.constant 0 : i32
      %add3A_262 = arith.addi %mul3A_260, %add3A_261 : i32
      %add3A_263 = arith.constant 0 : i32
      %add3A_264 = arith.addi %add3A_262, %add3A_263 : i32
      %get3A_265 = arith.index_cast %add3A_264 : i32 to index
      %get3A_266 = tpu.vector_load %arg15[%get3A_265] {strides = array<i32>} : memref<8000xi32, #tpu.memory_space<vmem>>, vector<16xi32>,
      %get3A_267 = vector.shape_cast %get3A_266 : vector<16xi32> to vector<16xi32>
      %sub3A_268 = vector.broadcast %mul3A_0 : i32 to vector<16xi32>
      %sub3A_269 = arith.subi %get3A_267, %sub3A_268 : vector<16xi32>
      %add3A_270 = vector.broadcast %select_n3A_258 : i32 to vector<16xi32>
      %add3A_271 = arith.addi %sub3A_269, %add3A_270 : vector<16xi32>
      %ge3A_272 = arith.constant 0 : i32
      %ge3A_273 = vector.broadcast %ge3A_272 : i32 to vector<16xi32>
      %ge3A_274 = arith.cmpi sge, %add3A_271, %ge3A_273 : vector<16xi32>
      %lt3A_275 = arith.constant 5000 : i32
      %lt3A_276 = vector.broadcast %lt3A_275 : i32 to vector<16xi32>
      %lt3A_277 = arith.cmpi slt, %add3A_271, %lt3A_276 : vector<16xi32>
      %and3A_278 = arith.andi %ge3A_274, %lt3A_277 : vector<16xi1>
      %jit3A_279 = arith.constant 5000 : i32
      %broadcast_in_dim3A_280 = vector.broadcast %jit3A_279 : i32 to vector<16xi32>
      %select_n3A_281 = arith.select %and3A_278, %add3A_271, %broadcast_in_dim3A_280 : vector<16xi1>, vector<16xi32>
      %swap3A_282 = arith.constant 0 : i32
      %swap3A_283 = arith.index_cast %swap3A_282 : i32 to index
      %swap3A_284 = arith.constant 0 : index
      %swap3A_285 = tpu.vector_load %arg11[%swap3A_283, %swap3A_284] {strides = array<i32>} : memref<1x80xi32, #tpu.memory_space<vmem>>, vector<1x16xi32>,
      %swap3A_286 = vector.shape_cast %swap3A_285 : vector<1x16xi32> to vector<16xi32>
      %swap3A_287 = vector.shape_cast %select_n3A_281 : vector<16xi32> to vector<1x16xi32>
      tpu.vector_store %arg11[%swap3A_283, %swap3A_284], %swap3A_287 {strides = array<i32>} : memref<1x80xi32, #tpu.memory_space<vmem>>, vector<1x16xi32>,
      %mul3A_288 = arith.constant 80 : i32
      %mul3A_289 = arith.muli %select_n3A_253, %mul3A_288 : i32
      %add3A_290 = arith.constant 0 : i32
      %add3A_291 = arith.addi %mul3A_289, %add3A_290 : i32
      %add3A_292 = arith.constant 16 : i32
      %add3A_293 = arith.addi %add3A_291, %add3A_292 : i32
      %get3A_294 = arith.index_cast %add3A_293 : i32 to index
      %get3A_295 = tpu.vector_load %arg15[%get3A_294] {strides = array<i32>} : memref<8000xi32, #tpu.memory_space<vmem>>, vector<16xi32>,
      %get3A_296 = vector.shape_cast %get3A_295 : vector<16xi32> to vector<16xi32>
      %sub3A_297 = vector.broadcast %mul3A_0 : i32 to vector<16xi32>
      %sub3A_298 = arith.subi %get3A_296, %sub3A_297 : vector<16xi32>
      %add3A_299 = vector.broadcast %select_n3A_258 : i32 to vector<16xi32>
      %add3A_300 = arith.addi %sub3A_298, %add3A_299 : vector<16xi32>
      %ge3A_301 = arith.constant 0 : i32
      %ge3A_302 = vector.broadcast %ge3A_301 : i32 to vector<16xi32>
      %ge3A_303 = arith.cmpi sge, %add3A_300, %ge3A_302 : vector<16xi32>
      %lt3A_304 = arith.constant 5000 : i32
      %lt3A_305 = vector.broadcast %lt3A_304 : i32 to vector<16xi32>
      %lt3A_306 = arith.cmpi slt, %add3A_300, %lt3A_305 : vector<16xi32>
      %and3A_307 = arith.andi %ge3A_303, %lt3A_306 : vector<16xi1>
      %jit3A_308 = arith.constant 5000 : i32
      %broadcast_in_dim3A_309 = vector.broadcast %jit3A_308 : i32 to vector<16xi32>
      %select_n3A_310 = arith.select %and3A_307, %add3A_300, %broadcast_in_dim3A_309 : vector<16xi1>, vector<16xi32>
      %swap3A_311 = arith.constant 0 : i32
      %swap3A_312 = arith.index_cast %swap3A_311 : i32 to index
      %swap3A_313 = arith.constant 16 : index
      %swap3A_314 = tpu.vector_load %arg11[%swap3A_312, %swap3A_313] {strides = array<i32>} : memref<1x80xi32, #tpu.memory_space<vmem>>, vector<1x16xi32>,
      %swap3A_315 = vector.shape_cast %swap3A_314 : vector<1x16xi32> to vector<16xi32>
      %swap3A_316 = vector.shape_cast %select_n3A_310 : vector<16xi32> to vector<1x16xi32>
      tpu.vector_store %arg11[%swap3A_312, %swap3A_313], %swap3A_316 {strides = array<i32>} : memref<1x80xi32, #tpu.memory_space<vmem>>, vector<1x16xi32>,
      %mul3A_317 = arith.constant 80 : i32
      %mul3A_318 = arith.muli %select_n3A_253, %mul3A_317 : i32
      %add3A_319 = arith.constant 0 : i32
      %add3A_320 = arith.addi %mul3A_318, %add3A_319 : i32
      %add3A_321 = arith.constant 32 : i32
      %add3A_322 = arith.addi %add3A_320, %add3A_321 : i32
      %get3A_323 = arith.index_cast %add3A_322 : i32 to index
      %get3A_324 = tpu.vector_load %arg15[%get3A_323] {strides = array<i32>} : memref<8000xi32, #tpu.memory_space<vmem>>, vector<16xi32>,
      %get3A_325 = vector.shape_cast %get3A_324 : vector<16xi32> to vector<16xi32>
      %sub3A_326 = vector.broadcast %mul3A_0 : i32 to vector<16xi32>
      %sub3A_327 = arith.subi %get3A_325, %sub3A_326 : vector<16xi32>
      %add3A_328 = vector.broadcast %select_n3A_258 : i32 to vector<16xi32>
      %add3A_329 = arith.addi %sub3A_327, %add3A_328 : vector<16xi32>
      %ge3A_330 = arith.constant 0 : i32
      %ge3A_331 = vector.broadcast %ge3A_330 : i32 to vector<16xi32>
      %ge3A_332 = arith.cmpi sge, %add3A_329, %ge3A_331 : vector<16xi32>
      %lt3A_333 = arith.constant 5000 : i32
      %lt3A_334 = vector.broadcast %lt3A_333 : i32 to vector<16xi32>
      %lt3A_335 = arith.cmpi slt, %add3A_329, %lt3A_334 : vector<16xi32>
      %and3A_336 = arith.andi %ge3A_332, %lt3A_335 : vector<16xi1>
      %jit3A_337 = arith.constant 5000 : i32
      %broadcast_in_dim3A_338 = vector.broadcast %jit3A_337 : i32 to vector<16xi32>
      %select_n3A_339 = arith.select %and3A_336, %add3A_329, %broadcast_in_dim3A_338 : vector<16xi1>, vector<16xi32>
      %swap3A_340 = arith.constant 0 : i32
      %swap3A_341 = arith.index_cast %swap3A_340 : i32 to index
      %swap3A_342 = arith.constant 32 : index
      %swap3A_343 = tpu.vector_load %arg11[%swap3A_341, %swap3A_342] {strides = array<i32>} : memref<1x80xi32, #tpu.memory_space<vmem>>, vector<1x16xi32>,
      %swap3A_344 = vector.shape_cast %swap3A_343 : vector<1x16xi32> to vector<16xi32>
      %swap3A_345 = vector.shape_cast %select_n3A_339 : vector<16xi32> to vector<1x16xi32>
      tpu.vector_store %arg11[%swap3A_341, %swap3A_342], %swap3A_345 {strides = array<i32>} : memref<1x80xi32, #tpu.memory_space<vmem>>, vector<1x16xi32>,
      %mul3A_346 = arith.constant 80 : i32
      %mul3A_347 = arith.muli %select_n3A_253, %mul3A_346 : i32
      %add3A_348 = arith.constant 0 : i32
      %add3A_349 = arith.addi %mul3A_347, %add3A_348 : i32
      %add3A_350 = arith.constant 48 : i32
      %add3A_351 = arith.addi %add3A_349, %add3A_350 : i32
      %get3A_352 = arith.index_cast %add3A_351 : i32 to index
      %get3A_353 = tpu.vector_load %arg15[%get3A_352] {strides = array<i32>} : memref<8000xi32, #tpu.memory_space<vmem>>, vector<16xi32>,
      %get3A_354 = vector.shape_cast %get3A_353 : vector<16xi32> to vector<16xi32>
      %sub3A_355 = vector.broadcast %mul3A_0 : i32 to vector<16xi32>
      %sub3A_356 = arith.subi %get3A_354, %sub3A_355 : vector<16xi32>
      %add3A_357 = vector.broadcast %select_n3A_258 : i32 to vector<16xi32>
      %add3A_358 = arith.addi %sub3A_356, %add3A_357 : vector<16xi32>
      %ge3A_359 = arith.constant 0 : i32
      %ge3A_360 = vector.broadcast %ge3A_359 : i32 to vector<16xi32>
      %ge3A_361 = arith.cmpi sge, %add3A_358, %ge3A_360 : vector<16xi32>
      %lt3A_362 = arith.constant 5000 : i32
      %lt3A_363 = vector.broadcast %lt3A_362 : i32 to vector<16xi32>
      %lt3A_364 = arith.cmpi slt, %add3A_358, %lt3A_363 : vector<16xi32>
      %and3A_365 = arith.andi %ge3A_361, %lt3A_364 : vector<16xi1>
      %jit3A_366 = arith.constant 5000 : i32
      %broadcast_in_dim3A_367 = vector.broadcast %jit3A_366 : i32 to vector<16xi32>
      %select_n3A_368 = arith.select %and3A_365, %add3A_358, %broadcast_in_dim3A_367 : vector<16xi1>, vector<16xi32>
      %swap3A_369 = arith.constant 0 : i32
      %swap3A_370 = arith.index_cast %swap3A_369 : i32 to index
      %swap3A_371 = arith.constant 48 : index
      %swap3A_372 = tpu.vector_load %arg11[%swap3A_370, %swap3A_371] {strides = array<i32>} : memref<1x80xi32, #tpu.memory_space<vmem>>, vector<1x16xi32>,
      %swap3A_373 = vector.shape_cast %swap3A_372 : vector<1x16xi32> to vector<16xi32>
      %swap3A_374 = vector.shape_cast %select_n3A_368 : vector<16xi32> to vector<1x16xi32>
      tpu.vector_store %arg11[%swap3A_370, %swap3A_371], %swap3A_374 {strides = array<i32>} : memref<1x80xi32, #tpu.memory_space<vmem>>, vector<1x16xi32>,
      %mul3A_375 = arith.constant 80 : i32
      %mul3A_376 = arith.muli %select_n3A_253, %mul3A_375 : i32
      %add3A_377 = arith.constant 0 : i32
      %add3A_378 = arith.addi %mul3A_376, %add3A_377 : i32
      %add3A_379 = arith.constant 64 : i32
      %add3A_380 = arith.addi %add3A_378, %add3A_379 : i32
      %get3A_381 = arith.index_cast %add3A_380 : i32 to index
      %get3A_382 = tpu.vector_load %arg15[%get3A_381] {strides = array<i32>} : memref<8000xi32, #tpu.memory_space<vmem>>, vector<16xi32>,
      %get3A_383 = vector.shape_cast %get3A_382 : vector<16xi32> to vector<16xi32>
      %sub3A_384 = vector.broadcast %mul3A_0 : i32 to vector<16xi32>
      %sub3A_385 = arith.subi %get3A_383, %sub3A_384 : vector<16xi32>
      %add3A_386 = vector.broadcast %select_n3A_258 : i32 to vector<16xi32>
      %add3A_387 = arith.addi %sub3A_385, %add3A_386 : vector<16xi32>
      %ge3A_388 = arith.constant 0 : i32
      %ge3A_389 = vector.broadcast %ge3A_388 : i32 to vector<16xi32>
      %ge3A_390 = arith.cmpi sge, %add3A_387, %ge3A_389 : vector<16xi32>
      %lt3A_391 = arith.constant 5000 : i32
      %lt3A_392 = vector.broadcast %lt3A_391 : i32 to vector<16xi32>
      %lt3A_393 = arith.cmpi slt, %add3A_387, %lt3A_392 : vector<16xi32>
      %and3A_394 = arith.andi %ge3A_390, %lt3A_393 : vector<16xi1>
      %jit3A_395 = arith.constant 5000 : i32
      %broadcast_in_dim3A_396 = vector.broadcast %jit3A_395 : i32 to vector<16xi32>
      %select_n3A_397 = arith.select %and3A_394, %add3A_387, %broadcast_in_dim3A_396 : vector<16xi1>, vector<16xi32>
      %swap3A_398 = arith.constant 0 : i32
      %swap3A_399 = arith.index_cast %swap3A_398 : i32 to index
      %swap3A_400 = arith.constant 64 : index
      %swap3A_401 = tpu.vector_load %arg11[%swap3A_399, %swap3A_400] {strides = array<i32>} : memref<1x80xi32, #tpu.memory_space<vmem>>, vector<1x16xi32>,
      %swap3A_402 = vector.shape_cast %swap3A_401 : vector<1x16xi32> to vector<16xi32>
      %swap3A_403 = vector.shape_cast %select_n3A_397 : vector<16xi32> to vector<1x16xi32>
      tpu.vector_store %arg11[%swap3A_399, %swap3A_400], %swap3A_403 {strides = array<i32>} : memref<1x80xi32, #tpu.memory_space<vmem>>, vector<1x16xi32>,
      %add3A_404 = arith.constant 2 : i32
      %add3A_405 = arith.addi %add3A_95, %add3A_404 : i32
      %lt3A_406 = arith.constant 100 : i32
      %lt3A_407 = arith.cmpi slt, %add3A_405, %lt3A_406 : i32
      %jit3A_408 = arith.constant 99 : i32
      %select_n3A_409 = arith.select %lt3A_407, %add3A_405, %jit3A_408 : i32
      %lt3A_410 = arith.constant 100 : i32
      %lt3A_411 = arith.cmpi slt, %add3A_405, %lt3A_410 : i32
      %jit3A_412 = arith.constant 0 : i32
      %jit3A_413 = arith.constant 1048576 : i32
      %select_n3A_414 = arith.select %lt3A_411, %jit3A_412, %jit3A_413 : i32
      %mul3A_415 = arith.constant 80 : i32
      %mul3A_416 = arith.muli %select_n3A_409, %mul3A_415 : i32
      %add3A_417 = arith.constant 0 : i32
      %add3A_418 = arith.addi %mul3A_416, %add3A_417 : i32
      %add3A_419 = arith.constant 0 : i32
      %add3A_420 = arith.addi %add3A_418, %add3A_419 : i32
      %get3A_421 = arith.index_cast %add3A_420 : i32 to index
      %get3A_422 = tpu.vector_load %arg15[%get3A_421] {strides = array<i32>} : memref<8000xi32, #tpu.memory_space<vmem>>, vector<16xi32>,
      %get3A_423 = vector.shape_cast %get3A_422 : vector<16xi32> to vector<16xi32>
      %sub3A_424 = vector.broadcast %mul3A_0 : i32 to vector<16xi32>
      %sub3A_425 = arith.subi %get3A_423, %sub3A_424 : vector<16xi32>
      %add3A_426 = vector.broadcast %select_n3A_414 : i32 to vector<16xi32>
      %add3A_427 = arith.addi %sub3A_425, %add3A_426 : vector<16xi32>
      %ge3A_428 = arith.constant 0 : i32
      %ge3A_429 = vector.broadcast %ge3A_428 : i32 to vector<16xi32>
      %ge3A_430 = arith.cmpi sge, %add3A_427, %ge3A_429 : vector<16xi32>
      %lt3A_431 = arith.constant 5000 : i32
      %lt3A_432 = vector.broadcast %lt3A_431 : i32 to vector<16xi32>
      %lt3A_433 = arith.cmpi slt, %add3A_427, %lt3A_432 : vector<16xi32>
      %and3A_434 = arith.andi %ge3A_430, %lt3A_433 : vector<16xi1>
      %jit3A_435 = arith.constant 5000 : i32
      %broadcast_in_dim3A_436 = vector.broadcast %jit3A_435 : i32 to vector<16xi32>
      %select_n3A_437 = arith.select %and3A_434, %add3A_427, %broadcast_in_dim3A_436 : vector<16xi1>, vector<16xi32>
      %swap3A_438 = arith.constant 0 : i32
      %swap3A_439 = arith.index_cast %swap3A_438 : i32 to index
      %swap3A_440 = arith.constant 0 : index
      %swap3A_441 = tpu.vector_load %arg12[%swap3A_439, %swap3A_440] {strides = array<i32>} : memref<1x80xi32, #tpu.memory_space<vmem>>, vector<1x16xi32>,
      %swap3A_442 = vector.shape_cast %swap3A_441 : vector<1x16xi32> to vector<16xi32>
      %swap3A_443 = vector.shape_cast %select_n3A_437 : vector<16xi32> to vector<1x16xi32>
      tpu.vector_store %arg12[%swap3A_439, %swap3A_440], %swap3A_443 {strides = array<i32>} : memref<1x80xi32, #tpu.memory_space<vmem>>, vector<1x16xi32>,
      %mul3A_444 = arith.constant 80 : i32
      %mul3A_445 = arith.muli %select_n3A_409, %mul3A_444 : i32
      %add3A_446 = arith.constant 0 : i32
      %add3A_447 = arith.addi %mul3A_445, %add3A_446 : i32
      %add3A_448 = arith.constant 16 : i32
      %add3A_449 = arith.addi %add3A_447, %add3A_448 : i32
      %get3A_450 = arith.index_cast %add3A_449 : i32 to index
      %get3A_451 = tpu.vector_load %arg15[%get3A_450] {strides = array<i32>} : memref<8000xi32, #tpu.memory_space<vmem>>, vector<16xi32>,
      %get3A_452 = vector.shape_cast %get3A_451 : vector<16xi32> to vector<16xi32>
      %sub3A_453 = vector.broadcast %mul3A_0 : i32 to vector<16xi32>
      %sub3A_454 = arith.subi %get3A_452, %sub3A_453 : vector<16xi32>
      %add3A_455 = vector.broadcast %select_n3A_414 : i32 to vector<16xi32>
      %add3A_456 = arith.addi %sub3A_454, %add3A_455 : vector<16xi32>
      %ge3A_457 = arith.constant 0 : i32
      %ge3A_458 = vector.broadcast %ge3A_457 : i32 to vector<16xi32>
      %ge3A_459 = arith.cmpi sge, %add3A_456, %ge3A_458 : vector<16xi32>
      %lt3A_460 = arith.constant 5000 : i32
      %lt3A_461 = vector.broadcast %lt3A_460 : i32 to vector<16xi32>
      %lt3A_462 = arith.cmpi slt, %add3A_456, %lt3A_461 : vector<16xi32>
      %and3A_463 = arith.andi %ge3A_459, %lt3A_462 : vector<16xi1>
      %jit3A_464 = arith.constant 5000 : i32
      %broadcast_in_dim3A_465 = vector.broadcast %jit3A_464 : i32 to vector<16xi32>
      %select_n3A_466 = arith.select %and3A_463, %add3A_456, %broadcast_in_dim3A_465 : vector<16xi1>, vector<16xi32>
      %swap3A_467 = arith.constant 0 : i32
      %swap3A_468 = arith.index_cast %swap3A_467 : i32 to index
      %swap3A_469 = arith.constant 16 : index
      %swap3A_470 = tpu.vector_load %arg12[%swap3A_468, %swap3A_469] {strides = array<i32>} : memref<1x80xi32, #tpu.memory_space<vmem>>, vector<1x16xi32>,
      %swap3A_471 = vector.shape_cast %swap3A_470 : vector<1x16xi32> to vector<16xi32>
      %swap3A_472 = vector.shape_cast %select_n3A_466 : vector<16xi32> to vector<1x16xi32>
      tpu.vector_store %arg12[%swap3A_468, %swap3A_469], %swap3A_472 {strides = array<i32>} : memref<1x80xi32, #tpu.memory_space<vmem>>, vector<1x16xi32>,
      %mul3A_473 = arith.constant 80 : i32
      %mul3A_474 = arith.muli %select_n3A_409, %mul3A_473 : i32
      %add3A_475 = arith.constant 0 : i32
      %add3A_476 = arith.addi %mul3A_474, %add3A_475 : i32
      %add3A_477 = arith.constant 32 : i32
      %add3A_478 = arith.addi %add3A_476, %add3A_477 : i32
      %get3A_479 = arith.index_cast %add3A_478 : i32 to index
      %get3A_480 = tpu.vector_load %arg15[%get3A_479] {strides = array<i32>} : memref<8000xi32, #tpu.memory_space<vmem>>, vector<16xi32>,
      %get3A_481 = vector.shape_cast %get3A_480 : vector<16xi32> to vector<16xi32>
      %sub3A_482 = vector.broadcast %mul3A_0 : i32 to vector<16xi32>
      %sub3A_483 = arith.subi %get3A_481, %sub3A_482 : vector<16xi32>
      %add3A_484 = vector.broadcast %select_n3A_414 : i32 to vector<16xi32>
      %add3A_485 = arith.addi %sub3A_483, %add3A_484 : vector<16xi32>
      %ge3A_486 = arith.constant 0 : i32
      %ge3A_487 = vector.broadcast %ge3A_486 : i32 to vector<16xi32>
      %ge3A_488 = arith.cmpi sge, %add3A_485, %ge3A_487 : vector<16xi32>
      %lt3A_489 = arith.constant 5000 : i32
      %lt3A_490 = vector.broadcast %lt3A_489 : i32 to vector<16xi32>
      %lt3A_491 = arith.cmpi slt, %add3A_485, %lt3A_490 : vector<16xi32>
      %and3A_492 = arith.andi %ge3A_488, %lt3A_491 : vector<16xi1>
      %jit3A_493 = arith.constant 5000 : i32
      %broadcast_in_dim3A_494 = vector.broadcast %jit3A_493 : i32 to vector<16xi32>
      %select_n3A_495 = arith.select %and3A_492, %add3A_485, %broadcast_in_dim3A_494 : vector<16xi1>, vector<16xi32>
      %swap3A_496 = arith.constant 0 : i32
      %swap3A_497 = arith.index_cast %swap3A_496 : i32 to index
      %swap3A_498 = arith.constant 32 : index
      %swap3A_499 = tpu.vector_load %arg12[%swap3A_497, %swap3A_498] {strides = array<i32>} : memref<1x80xi32, #tpu.memory_space<vmem>>, vector<1x16xi32>,
      %swap3A_500 = vector.shape_cast %swap3A_499 : vector<1x16xi32> to vector<16xi32>
      %swap3A_501 = vector.shape_cast %select_n3A_495 : vector<16xi32> to vector<1x16xi32>
      tpu.vector_store %arg12[%swap3A_497, %swap3A_498], %swap3A_501 {strides = array<i32>} : memref<1x80xi32, #tpu.memory_space<vmem>>, vector<1x16xi32>,
      %mul3A_502 = arith.constant 80 : i32
      %mul3A_503 = arith.muli %select_n3A_409, %mul3A_502 : i32
      %add3A_504 = arith.constant 0 : i32
      %add3A_505 = arith.addi %mul3A_503, %add3A_504 : i32
      %add3A_506 = arith.constant 48 : i32
      %add3A_507 = arith.addi %add3A_505, %add3A_506 : i32
      %get3A_508 = arith.index_cast %add3A_507 : i32 to index
      %get3A_509 = tpu.vector_load %arg15[%get3A_508] {strides = array<i32>} : memref<8000xi32, #tpu.memory_space<vmem>>, vector<16xi32>,
      %get3A_510 = vector.shape_cast %get3A_509 : vector<16xi32> to vector<16xi32>
      %sub3A_511 = vector.broadcast %mul3A_0 : i32 to vector<16xi32>
      %sub3A_512 = arith.subi %get3A_510, %sub3A_511 : vector<16xi32>
      %add3A_513 = vector.broadcast %select_n3A_414 : i32 to vector<16xi32>
      %add3A_514 = arith.addi %sub3A_512, %add3A_513 : vector<16xi32>
      %ge3A_515 = arith.constant 0 : i32
      %ge3A_516 = vector.broadcast %ge3A_515 : i32 to vector<16xi32>
      %ge3A_517 = arith.cmpi sge, %add3A_514, %ge3A_516 : vector<16xi32>
      %lt3A_518 = arith.constant 5000 : i32
      %lt3A_519 = vector.broadcast %lt3A_518 : i32 to vector<16xi32>
      %lt3A_520 = arith.cmpi slt, %add3A_514, %lt3A_519 : vector<16xi32>
      %and3A_521 = arith.andi %ge3A_517, %lt3A_520 : vector<16xi1>
      %jit3A_522 = arith.constant 5000 : i32
      %broadcast_in_dim3A_523 = vector.broadcast %jit3A_522 : i32 to vector<16xi32>
      %select_n3A_524 = arith.select %and3A_521, %add3A_514, %broadcast_in_dim3A_523 : vector<16xi1>, vector<16xi32>
      %swap3A_525 = arith.constant 0 : i32
      %swap3A_526 = arith.index_cast %swap3A_525 : i32 to index
      %swap3A_527 = arith.constant 48 : index
      %swap3A_528 = tpu.vector_load %arg12[%swap3A_526, %swap3A_527] {strides = array<i32>} : memref<1x80xi32, #tpu.memory_space<vmem>>, vector<1x16xi32>,
      %swap3A_529 = vector.shape_cast %swap3A_528 : vector<1x16xi32> to vector<16xi32>
      %swap3A_530 = vector.shape_cast %select_n3A_524 : vector<16xi32> to vector<1x16xi32>
      tpu.vector_store %arg12[%swap3A_526, %swap3A_527], %swap3A_530 {strides = array<i32>} : memref<1x80xi32, #tpu.memory_space<vmem>>, vector<1x16xi32>,
      %mul3A_531 = arith.constant 80 : i32
      %mul3A_532 = arith.muli %select_n3A_409, %mul3A_531 : i32
      %add3A_533 = arith.constant 0 : i32
      %add3A_534 = arith.addi %mul3A_532, %add3A_533 : i32
      %add3A_535 = arith.constant 64 : i32
      %add3A_536 = arith.addi %add3A_534, %add3A_535 : i32
      %get3A_537 = arith.index_cast %add3A_536 : i32 to index
      %get3A_538 = tpu.vector_load %arg15[%get3A_537] {strides = array<i32>} : memref<8000xi32, #tpu.memory_space<vmem>>, vector<16xi32>,
      %get3A_539 = vector.shape_cast %get3A_538 : vector<16xi32> to vector<16xi32>
      %sub3A_540 = vector.broadcast %mul3A_0 : i32 to vector<16xi32>
      %sub3A_541 = arith.subi %get3A_539, %sub3A_540 : vector<16xi32>
      %add3A_542 = vector.broadcast %select_n3A_414 : i32 to vector<16xi32>
      %add3A_543 = arith.addi %sub3A_541, %add3A_542 : vector<16xi32>
      %ge3A_544 = arith.constant 0 : i32
      %ge3A_545 = vector.broadcast %ge3A_544 : i32 to vector<16xi32>
      %ge3A_546 = arith.cmpi sge, %add3A_543, %ge3A_545 : vector<16xi32>
      %lt3A_547 = arith.constant 5000 : i32
      %lt3A_548 = vector.broadcast %lt3A_547 : i32 to vector<16xi32>
      %lt3A_549 = arith.cmpi slt, %add3A_543, %lt3A_548 : vector<16xi32>
      %and3A_550 = arith.andi %ge3A_546, %lt3A_549 : vector<16xi1>
      %jit3A_551 = arith.constant 5000 : i32
      %broadcast_in_dim3A_552 = vector.broadcast %jit3A_551 : i32 to vector<16xi32>
      %select_n3A_553 = arith.select %and3A_550, %add3A_543, %broadcast_in_dim3A_552 : vector<16xi1>, vector<16xi32>
      %swap3A_554 = arith.constant 0 : i32
      %swap3A_555 = arith.index_cast %swap3A_554 : i32 to index
      %swap3A_556 = arith.constant 64 : index
      %swap3A_557 = tpu.vector_load %arg12[%swap3A_555, %swap3A_556] {strides = array<i32>} : memref<1x80xi32, #tpu.memory_space<vmem>>, vector<1x16xi32>,
      %swap3A_558 = vector.shape_cast %swap3A_557 : vector<1x16xi32> to vector<16xi32>
      %swap3A_559 = vector.shape_cast %select_n3A_553 : vector<16xi32> to vector<1x16xi32>
      tpu.vector_store %arg12[%swap3A_555, %swap3A_556], %swap3A_559 {strides = array<i32>} : memref<1x80xi32, #tpu.memory_space<vmem>>, vector<1x16xi32>,
      %add3A_560 = arith.constant 3 : i32
      %add3A_561 = arith.addi %add3A_95, %add3A_560 : i32
      %lt3A_562 = arith.constant 100 : i32
      %lt3A_563 = arith.cmpi slt, %add3A_561, %lt3A_562 : i32
      %jit3A_564 = arith.constant 99 : i32
      %select_n3A_565 = arith.select %lt3A_563, %add3A_561, %jit3A_564 : i32
      %lt3A_566 = arith.constant 100 : i32
      %lt3A_567 = arith.cmpi slt, %add3A_561, %lt3A_566 : i32
      %jit3A_568 = arith.constant 0 : i32
      %jit3A_569 = arith.constant 1048576 : i32
      %select_n3A_570 = arith.select %lt3A_567, %jit3A_568, %jit3A_569 : i32
      %mul3A_571 = arith.constant 80 : i32
      %mul3A_572 = arith.muli %select_n3A_565, %mul3A_571 : i32
      %add3A_573 = arith.constant 0 : i32
      %add3A_574 = arith.addi %mul3A_572, %add3A_573 : i32
      %add3A_575 = arith.constant 0 : i32
      %add3A_576 = arith.addi %add3A_574, %add3A_575 : i32
      %get3A_577 = arith.index_cast %add3A_576 : i32 to index
      %get3A_578 = tpu.vector_load %arg15[%get3A_577] {strides = array<i32>} : memref<8000xi32, #tpu.memory_space<vmem>>, vector<16xi32>,
      %get3A_579 = vector.shape_cast %get3A_578 : vector<16xi32> to vector<16xi32>
      %sub3A_580 = vector.broadcast %mul3A_0 : i32 to vector<16xi32>
      %sub3A_581 = arith.subi %get3A_579, %sub3A_580 : vector<16xi32>
      %add3A_582 = vector.broadcast %select_n3A_570 : i32 to vector<16xi32>
      %add3A_583 = arith.addi %sub3A_581, %add3A_582 : vector<16xi32>
      %ge3A_584 = arith.constant 0 : i32
      %ge3A_585 = vector.broadcast %ge3A_584 : i32 to vector<16xi32>
      %ge3A_586 = arith.cmpi sge, %add3A_583, %ge3A_585 : vector<16xi32>
      %lt3A_587 = arith.constant 5000 : i32
      %lt3A_588 = vector.broadcast %lt3A_587 : i32 to vector<16xi32>
      %lt3A_589 = arith.cmpi slt, %add3A_583, %lt3A_588 : vector<16xi32>
      %and3A_590 = arith.andi %ge3A_586, %lt3A_589 : vector<16xi1>
      %jit3A_591 = arith.constant 5000 : i32
      %broadcast_in_dim3A_592 = vector.broadcast %jit3A_591 : i32 to vector<16xi32>
      %select_n3A_593 = arith.select %and3A_590, %add3A_583, %broadcast_in_dim3A_592 : vector<16xi1>, vector<16xi32>
      %swap3A_594 = arith.constant 0 : i32
      %swap3A_595 = arith.index_cast %swap3A_594 : i32 to index
      %swap3A_596 = arith.constant 0 : index
      %swap3A_597 = tpu.vector_load %arg13[%swap3A_595, %swap3A_596] {strides = array<i32>} : memref<1x80xi32, #tpu.memory_space<vmem>>, vector<1x16xi32>,
      %swap3A_598 = vector.shape_cast %swap3A_597 : vector<1x16xi32> to vector<16xi32>
      %swap3A_599 = vector.shape_cast %select_n3A_593 : vector<16xi32> to vector<1x16xi32>
      tpu.vector_store %arg13[%swap3A_595, %swap3A_596], %swap3A_599 {strides = array<i32>} : memref<1x80xi32, #tpu.memory_space<vmem>>, vector<1x16xi32>,
      %mul3A_600 = arith.constant 80 : i32
      %mul3A_601 = arith.muli %select_n3A_565, %mul3A_600 : i32
      %add3A_602 = arith.constant 0 : i32
      %add3A_603 = arith.addi %mul3A_601, %add3A_602 : i32
      %add3A_604 = arith.constant 16 : i32
      %add3A_605 = arith.addi %add3A_603, %add3A_604 : i32
      %get3A_606 = arith.index_cast %add3A_605 : i32 to index
      %get3A_607 = tpu.vector_load %arg15[%get3A_606] {strides = array<i32>} : memref<8000xi32, #tpu.memory_space<vmem>>, vector<16xi32>,
      %get3A_608 = vector.shape_cast %get3A_607 : vector<16xi32> to vector<16xi32>
      %sub3A_609 = vector.broadcast %mul3A_0 : i32 to vector<16xi32>
      %sub3A_610 = arith.subi %get3A_608, %sub3A_609 : vector<16xi32>
      %add3A_611 = vector.broadcast %select_n3A_570 : i32 to vector<16xi32>
      %add3A_612 = arith.addi %sub3A_610, %add3A_611 : vector<16xi32>
      %ge3A_613 = arith.constant 0 : i32
      %ge3A_614 = vector.broadcast %ge3A_613 : i32 to vector<16xi32>
      %ge3A_615 = arith.cmpi sge, %add3A_612, %ge3A_614 : vector<16xi32>
      %lt3A_616 = arith.constant 5000 : i32
      %lt3A_617 = vector.broadcast %lt3A_616 : i32 to vector<16xi32>
      %lt3A_618 = arith.cmpi slt, %add3A_612, %lt3A_617 : vector<16xi32>
      %and3A_619 = arith.andi %ge3A_615, %lt3A_618 : vector<16xi1>
      %jit3A_620 = arith.constant 5000 : i32
      %broadcast_in_dim3A_621 = vector.broadcast %jit3A_620 : i32 to vector<16xi32>
      %select_n3A_622 = arith.select %and3A_619, %add3A_612, %broadcast_in_dim3A_621 : vector<16xi1>, vector<16xi32>
      %swap3A_623 = arith.constant 0 : i32
      %swap3A_624 = arith.index_cast %swap3A_623 : i32 to index
      %swap3A_625 = arith.constant 16 : index
      %swap3A_626 = tpu.vector_load %arg13[%swap3A_624, %swap3A_625] {strides = array<i32>} : memref<1x80xi32, #tpu.memory_space<vmem>>, vector<1x16xi32>,
      %swap3A_627 = vector.shape_cast %swap3A_626 : vector<1x16xi32> to vector<16xi32>
      %swap3A_628 = vector.shape_cast %select_n3A_622 : vector<16xi32> to vector<1x16xi32>
      tpu.vector_store %arg13[%swap3A_624, %swap3A_625], %swap3A_628 {strides = array<i32>} : memref<1x80xi32, #tpu.memory_space<vmem>>, vector<1x16xi32>,
      %mul3A_629 = arith.constant 80 : i32
      %mul3A_630 = arith.muli %select_n3A_565, %mul3A_629 : i32
      %add3A_631 = arith.constant 0 : i32
      %add3A_632 = arith.addi %mul3A_630, %add3A_631 : i32
      %add3A_633 = arith.constant 32 : i32
      %add3A_634 = arith.addi %add3A_632, %add3A_633 : i32
      %get3A_635 = arith.index_cast %add3A_634 : i32 to index
      %get3A_636 = tpu.vector_load %arg15[%get3A_635] {strides = array<i32>} : memref<8000xi32, #tpu.memory_space<vmem>>, vector<16xi32>,
      %get3A_637 = vector.shape_cast %get3A_636 : vector<16xi32> to vector<16xi32>
      %sub3A_638 = vector.broadcast %mul3A_0 : i32 to vector<16xi32>
      %sub3A_639 = arith.subi %get3A_637, %sub3A_638 : vector<16xi32>
      %add3A_640 = vector.broadcast %select_n3A_570 : i32 to vector<16xi32>
      %add3A_641 = arith.addi %sub3A_639, %add3A_640 : vector<16xi32>
      %ge3A_642 = arith.constant 0 : i32
      %ge3A_643 = vector.broadcast %ge3A_642 : i32 to vector<16xi32>
      %ge3A_644 = arith.cmpi sge, %add3A_641, %ge3A_643 : vector<16xi32>
      %lt3A_645 = arith.constant 5000 : i32
      %lt3A_646 = vector.broadcast %lt3A_645 : i32 to vector<16xi32>
      %lt3A_647 = arith.cmpi slt, %add3A_641, %lt3A_646 : vector<16xi32>
      %and3A_648 = arith.andi %ge3A_644, %lt3A_647 : vector<16xi1>
      %jit3A_649 = arith.constant 5000 : i32
      %broadcast_in_dim3A_650 = vector.broadcast %jit3A_649 : i32 to vector<16xi32>
      %select_n3A_651 = arith.select %and3A_648, %add3A_641, %broadcast_in_dim3A_650 : vector<16xi1>, vector<16xi32>
      %swap3A_652 = arith.constant 0 : i32
      %swap3A_653 = arith.index_cast %swap3A_652 : i32 to index
      %swap3A_654 = arith.constant 32 : index
      %swap3A_655 = tpu.vector_load %arg13[%swap3A_653, %swap3A_654] {strides = array<i32>} : memref<1x80xi32, #tpu.memory_space<vmem>>, vector<1x16xi32>,
      %swap3A_656 = vector.shape_cast %swap3A_655 : vector<1x16xi32> to vector<16xi32>
      %swap3A_657 = vector.shape_cast %select_n3A_651 : vector<16xi32> to vector<1x16xi32>
      tpu.vector_store %arg13[%swap3A_653, %swap3A_654], %swap3A_657 {strides = array<i32>} : memref<1x80xi32, #tpu.memory_space<vmem>>, vector<1x16xi32>,
      %mul3A_658 = arith.constant 80 : i32
      %mul3A_659 = arith.muli %select_n3A_565, %mul3A_658 : i32
      %add3A_660 = arith.constant 0 : i32
      %add3A_661 = arith.addi %mul3A_659, %add3A_660 : i32
      %add3A_662 = arith.constant 48 : i32
      %add3A_663 = arith.addi %add3A_661, %add3A_662 : i32
      %get3A_664 = arith.index_cast %add3A_663 : i32 to index
      %get3A_665 = tpu.vector_load %arg15[%get3A_664] {strides = array<i32>} : memref<8000xi32, #tpu.memory_space<vmem>>, vector<16xi32>,
      %get3A_666 = vector.shape_cast %get3A_665 : vector<16xi32> to vector<16xi32>
      %sub3A_667 = vector.broadcast %mul3A_0 : i32 to vector<16xi32>
      %sub3A_668 = arith.subi %get3A_666, %sub3A_667 : vector<16xi32>
      %add3A_669 = vector.broadcast %select_n3A_570 : i32 to vector<16xi32>
      %add3A_670 = arith.addi %sub3A_668, %add3A_669 : vector<16xi32>
      %ge3A_671 = arith.constant 0 : i32
      %ge3A_672 = vector.broadcast %ge3A_671 : i32 to vector<16xi32>
      %ge3A_673 = arith.cmpi sge, %add3A_670, %ge3A_672 : vector<16xi32>
      %lt3A_674 = arith.constant 5000 : i32
      %lt3A_675 = vector.broadcast %lt3A_674 : i32 to vector<16xi32>
      %lt3A_676 = arith.cmpi slt, %add3A_670, %lt3A_675 : vector<16xi32>
      %and3A_677 = arith.andi %ge3A_673, %lt3A_676 : vector<16xi1>
      %jit3A_678 = arith.constant 5000 : i32
      %broadcast_in_dim3A_679 = vector.broadcast %jit3A_678 : i32 to vector<16xi32>
      %select_n3A_680 = arith.select %and3A_677, %add3A_670, %broadcast_in_dim3A_679 : vector<16xi1>, vector<16xi32>
      %swap3A_681 = arith.constant 0 : i32
      %swap3A_682 = arith.index_cast %swap3A_681 : i32 to index
      %swap3A_683 = arith.constant 48 : index
      %swap3A_684 = tpu.vector_load %arg13[%swap3A_682, %swap3A_683] {strides = array<i32>} : memref<1x80xi32, #tpu.memory_space<vmem>>, vector<1x16xi32>,
      %swap3A_685 = vector.shape_cast %swap3A_684 : vector<1x16xi32> to vector<16xi32>
      %swap3A_686 = vector.shape_cast %select_n3A_680 : vector<16xi32> to vector<1x16xi32>
      tpu.vector_store %arg13[%swap3A_682, %swap3A_683], %swap3A_686 {strides = array<i32>} : memref<1x80xi32, #tpu.memory_space<vmem>>, vector<1x16xi32>,
      %mul3A_687 = arith.constant 80 : i32
      %mul3A_688 = arith.muli %select_n3A_565, %mul3A_687 : i32
      %add3A_689 = arith.constant 0 : i32
      %add3A_690 = arith.addi %mul3A_688, %add3A_689 : i32
      %add3A_691 = arith.constant 64 : i32
      %add3A_692 = arith.addi %add3A_690, %add3A_691 : i32
      %get3A_693 = arith.index_cast %add3A_692 : i32 to index
      %get3A_694 = tpu.vector_load %arg15[%get3A_693] {strides = array<i32>} : memref<8000xi32, #tpu.memory_space<vmem>>, vector<16xi32>,
      %get3A_695 = vector.shape_cast %get3A_694 : vector<16xi32> to vector<16xi32>
      %sub3A_696 = vector.broadcast %mul3A_0 : i32 to vector<16xi32>
      %sub3A_697 = arith.subi %get3A_695, %sub3A_696 : vector<16xi32>
      %add3A_698 = vector.broadcast %select_n3A_570 : i32 to vector<16xi32>
      %add3A_699 = arith.addi %sub3A_697, %add3A_698 : vector<16xi32>
      %ge3A_700 = arith.constant 0 : i32
      %ge3A_701 = vector.broadcast %ge3A_700 : i32 to vector<16xi32>
      %ge3A_702 = arith.cmpi sge, %add3A_699, %ge3A_701 : vector<16xi32>
      %lt3A_703 = arith.constant 5000 : i32
      %lt3A_704 = vector.broadcast %lt3A_703 : i32 to vector<16xi32>
      %lt3A_705 = arith.cmpi slt, %add3A_699, %lt3A_704 : vector<16xi32>
      %and3A_706 = arith.andi %ge3A_702, %lt3A_705 : vector<16xi1>
      %jit3A_707 = arith.constant 5000 : i32
      %broadcast_in_dim3A_708 = vector.broadcast %jit3A_707 : i32 to vector<16xi32>
      %select_n3A_709 = arith.select %and3A_706, %add3A_699, %broadcast_in_dim3A_708 : vector<16xi1>, vector<16xi32>
      %swap3A_710 = arith.constant 0 : i32
      %swap3A_711 = arith.index_cast %swap3A_710 : i32 to index
      %swap3A_712 = arith.constant 64 : index
      %swap3A_713 = tpu.vector_load %arg13[%swap3A_711, %swap3A_712] {strides = array<i32>} : memref<1x80xi32, #tpu.memory_space<vmem>>, vector<1x16xi32>,
      %swap3A_714 = vector.shape_cast %swap3A_713 : vector<1x16xi32> to vector<16xi32>
      %swap3A_715 = vector.shape_cast %select_n3A_709 : vector<16xi32> to vector<1x16xi32>
      tpu.vector_store %arg13[%swap3A_711, %swap3A_712], %swap3A_715 {strides = array<i32>} : memref<1x80xi32, #tpu.memory_space<vmem>>, vector<1x16xi32>,
      %add3A_716 = arith.constant 4 : i32
      %add3A_717 = arith.addi %add3A_95, %add3A_716 : i32
      %lt3A_718 = arith.constant 100 : i32
      %lt3A_719 = arith.cmpi slt, %add3A_717, %lt3A_718 : i32
      %jit3A_720 = arith.constant 99 : i32
      %select_n3A_721 = arith.select %lt3A_719, %add3A_717, %jit3A_720 : i32
      %lt3A_722 = arith.constant 100 : i32
      %lt3A_723 = arith.cmpi slt, %add3A_717, %lt3A_722 : i32
      %jit3A_724 = arith.constant 0 : i32
      %jit3A_725 = arith.constant 1048576 : i32
      %select_n3A_726 = arith.select %lt3A_723, %jit3A_724, %jit3A_725 : i32
      %mul3A_727 = arith.constant 80 : i32
      %mul3A_728 = arith.muli %select_n3A_721, %mul3A_727 : i32
      %add3A_729 = arith.constant 0 : i32
      %add3A_730 = arith.addi %mul3A_728, %add3A_729 : i32
      %add3A_731 = arith.constant 0 : i32
      %add3A_732 = arith.addi %add3A_730, %add3A_731 : i32
      %get3A_733 = arith.index_cast %add3A_732 : i32 to index
      %get3A_734 = tpu.vector_load %arg15[%get3A_733] {strides = array<i32>} : memref<8000xi32, #tpu.memory_space<vmem>>, vector<16xi32>,
      %get3A_735 = vector.shape_cast %get3A_734 : vector<16xi32> to vector<16xi32>
      %sub3A_736 = vector.broadcast %mul3A_0 : i32 to vector<16xi32>
      %sub3A_737 = arith.subi %get3A_735, %sub3A_736 : vector<16xi32>
      %add3A_738 = vector.broadcast %select_n3A_726 : i32 to vector<16xi32>
      %add3A_739 = arith.addi %sub3A_737, %add3A_738 : vector<16xi32>
      %ge3A_740 = arith.constant 0 : i32
      %ge3A_741 = vector.broadcast %ge3A_740 : i32 to vector<16xi32>
      %ge3A_742 = arith.cmpi sge, %add3A_739, %ge3A_741 : vector<16xi32>
      %lt3A_743 = arith.constant 5000 : i32
      %lt3A_744 = vector.broadcast %lt3A_743 : i32 to vector<16xi32>
      %lt3A_745 = arith.cmpi slt, %add3A_739, %lt3A_744 : vector<16xi32>
      %and3A_746 = arith.andi %ge3A_742, %lt3A_745 : vector<16xi1>
      %jit3A_747 = arith.constant 5000 : i32
      %broadcast_in_dim3A_748 = vector.broadcast %jit3A_747 : i32 to vector<16xi32>
      %select_n3A_749 = arith.select %and3A_746, %add3A_739, %broadcast_in_dim3A_748 : vector<16xi1>, vector<16xi32>
      %swap3A_750 = arith.constant 0 : i32
      %swap3A_751 = arith.index_cast %swap3A_750 : i32 to index
      %swap3A_752 = arith.constant 0 : index
      %swap3A_753 = tpu.vector_load %arg14[%swap3A_751, %swap3A_752] {strides = array<i32>} : memref<1x80xi32, #tpu.memory_space<vmem>>, vector<1x16xi32>,
      %swap3A_754 = vector.shape_cast %swap3A_753 : vector<1x16xi32> to vector<16xi32>
      %swap3A_755 = vector.shape_cast %select_n3A_749 : vector<16xi32> to vector<1x16xi32>
      tpu.vector_store %arg14[%swap3A_751, %swap3A_752], %swap3A_755 {strides = array<i32>} : memref<1x80xi32, #tpu.memory_space<vmem>>, vector<1x16xi32>,
      %mul3A_756 = arith.constant 80 : i32
      %mul3A_757 = arith.muli %select_n3A_721, %mul3A_756 : i32
      %add3A_758 = arith.constant 0 : i32
      %add3A_759 = arith.addi %mul3A_757, %add3A_758 : i32
      %add3A_760 = arith.constant 16 : i32
      %add3A_761 = arith.addi %add3A_759, %add3A_760 : i32
      %get3A_762 = arith.index_cast %add3A_761 : i32 to index
      %get3A_763 = tpu.vector_load %arg15[%get3A_762] {strides = array<i32>} : memref<8000xi32, #tpu.memory_space<vmem>>, vector<16xi32>,
      %get3A_764 = vector.shape_cast %get3A_763 : vector<16xi32> to vector<16xi32>
      %sub3A_765 = vector.broadcast %mul3A_0 : i32 to vector<16xi32>
      %sub3A_766 = arith.subi %get3A_764, %sub3A_765 : vector<16xi32>
      %add3A_767 = vector.broadcast %select_n3A_726 : i32 to vector<16xi32>
      %add3A_768 = arith.addi %sub3A_766, %add3A_767 : vector<16xi32>
      %ge3A_769 = arith.constant 0 : i32
      %ge3A_770 = vector.broadcast %ge3A_769 : i32 to vector<16xi32>
      %ge3A_771 = arith.cmpi sge, %add3A_768, %ge3A_770 : vector<16xi32>
      %lt3A_772 = arith.constant 5000 : i32
      %lt3A_773 = vector.broadcast %lt3A_772 : i32 to vector<16xi32>
      %lt3A_774 = arith.cmpi slt, %add3A_768, %lt3A_773 : vector<16xi32>
      %and3A_775 = arith.andi %ge3A_771, %lt3A_774 : vector<16xi1>
      %jit3A_776 = arith.constant 5000 : i32
      %broadcast_in_dim3A_777 = vector.broadcast %jit3A_776 : i32 to vector<16xi32>
      %select_n3A_778 = arith.select %and3A_775, %add3A_768, %broadcast_in_dim3A_777 : vector<16xi1>, vector<16xi32>
      %swap3A_779 = arith.constant 0 : i32
      %swap3A_780 = arith.index_cast %swap3A_779 : i32 to index
      %swap3A_781 = arith.constant 16 : index
      %swap3A_782 = tpu.vector_load %arg14[%swap3A_780, %swap3A_781] {strides = array<i32>} : memref<1x80xi32, #tpu.memory_space<vmem>>, vector<1x16xi32>,
      %swap3A_783 = vector.shape_cast %swap3A_782 : vector<1x16xi32> to vector<16xi32>
      %swap3A_784 = vector.shape_cast %select_n3A_778 : vector<16xi32> to vector<1x16xi32>
      tpu.vector_store %arg14[%swap3A_780, %swap3A_781], %swap3A_784 {strides = array<i32>} : memref<1x80xi32, #tpu.memory_space<vmem>>, vector<1x16xi32>,
      %mul3A_785 = arith.constant 80 : i32
      %mul3A_786 = arith.muli %select_n3A_721, %mul3A_785 : i32
      %add3A_787 = arith.constant 0 : i32
      %add3A_788 = arith.addi %mul3A_786, %add3A_787 : i32
      %add3A_789 = arith.constant 32 : i32
      %add3A_790 = arith.addi %add3A_788, %add3A_789 : i32
      %get3A_791 = arith.index_cast %add3A_790 : i32 to index
      %get3A_792 = tpu.vector_load %arg15[%get3A_791] {strides = array<i32>} : memref<8000xi32, #tpu.memory_space<vmem>>, vector<16xi32>,
      %get3A_793 = vector.shape_cast %get3A_792 : vector<16xi32> to vector<16xi32>
      %sub3A_794 = vector.broadcast %mul3A_0 : i32 to vector<16xi32>
      %sub3A_795 = arith.subi %get3A_793, %sub3A_794 : vector<16xi32>
      %add3A_796 = vector.broadcast %select_n3A_726 : i32 to vector<16xi32>
      %add3A_797 = arith.addi %sub3A_795, %add3A_796 : vector<16xi32>
      %ge3A_798 = arith.constant 0 : i32
      %ge3A_799 = vector.broadcast %ge3A_798 : i32 to vector<16xi32>
      %ge3A_800 = arith.cmpi sge, %add3A_797, %ge3A_799 : vector<16xi32>
      %lt3A_801 = arith.constant 5000 : i32
      %lt3A_802 = vector.broadcast %lt3A_801 : i32 to vector<16xi32>
      %lt3A_803 = arith.cmpi slt, %add3A_797, %lt3A_802 : vector<16xi32>
      %and3A_804 = arith.andi %ge3A_800, %lt3A_803 : vector<16xi1>
      %jit3A_805 = arith.constant 5000 : i32
      %broadcast_in_dim3A_806 = vector.broadcast %jit3A_805 : i32 to vector<16xi32>
      %select_n3A_807 = arith.select %and3A_804, %add3A_797, %broadcast_in_dim3A_806 : vector<16xi1>, vector<16xi32>
      %swap3A_808 = arith.constant 0 : i32
      %swap3A_809 = arith.index_cast %swap3A_808 : i32 to index
      %swap3A_810 = arith.constant 32 : index
      %swap3A_811 = tpu.vector_load %arg14[%swap3A_809, %swap3A_810] {strides = array<i32>} : memref<1x80xi32, #tpu.memory_space<vmem>>, vector<1x16xi32>,
      %swap3A_812 = vector.shape_cast %swap3A_811 : vector<1x16xi32> to vector<16xi32>
      %swap3A_813 = vector.shape_cast %select_n3A_807 : vector<16xi32> to vector<1x16xi32>
      tpu.vector_store %arg14[%swap3A_809, %swap3A_810], %swap3A_813 {strides = array<i32>} : memref<1x80xi32, #tpu.memory_space<vmem>>, vector<1x16xi32>,
      %mul3A_814 = arith.constant 80 : i32
      %mul3A_815 = arith.muli %select_n3A_721, %mul3A_814 : i32
      %add3A_816 = arith.constant 0 : i32
      %add3A_817 = arith.addi %mul3A_815, %add3A_816 : i32
      %add3A_818 = arith.constant 48 : i32
      %add3A_819 = arith.addi %add3A_817, %add3A_818 : i32
      %get3A_820 = arith.index_cast %add3A_819 : i32 to index
      %get3A_821 = tpu.vector_load %arg15[%get3A_820] {strides = array<i32>} : memref<8000xi32, #tpu.memory_space<vmem>>, vector<16xi32>,
      %get3A_822 = vector.shape_cast %get3A_821 : vector<16xi32> to vector<16xi32>
      %sub3A_823 = vector.broadcast %mul3A_0 : i32 to vector<16xi32>
      %sub3A_824 = arith.subi %get3A_822, %sub3A_823 : vector<16xi32>
      %add3A_825 = vector.broadcast %select_n3A_726 : i32 to vector<16xi32>
      %add3A_826 = arith.addi %sub3A_824, %add3A_825 : vector<16xi32>
      %ge3A_827 = arith.constant 0 : i32
      %ge3A_828 = vector.broadcast %ge3A_827 : i32 to vector<16xi32>
      %ge3A_829 = arith.cmpi sge, %add3A_826, %ge3A_828 : vector<16xi32>
      %lt3A_830 = arith.constant 5000 : i32
      %lt3A_831 = vector.broadcast %lt3A_830 : i32 to vector<16xi32>
      %lt3A_832 = arith.cmpi slt, %add3A_826, %lt3A_831 : vector<16xi32>
      %and3A_833 = arith.andi %ge3A_829, %lt3A_832 : vector<16xi1>
      %jit3A_834 = arith.constant 5000 : i32
      %broadcast_in_dim3A_835 = vector.broadcast %jit3A_834 : i32 to vector<16xi32>
      %select_n3A_836 = arith.select %and3A_833, %add3A_826, %broadcast_in_dim3A_835 : vector<16xi1>, vector<16xi32>
      %swap3A_837 = arith.constant 0 : i32
      %swap3A_838 = arith.index_cast %swap3A_837 : i32 to index
      %swap3A_839 = arith.constant 48 : index
      %swap3A_840 = tpu.vector_load %arg14[%swap3A_838, %swap3A_839] {strides = array<i32>} : memref<1x80xi32, #tpu.memory_space<vmem>>, vector<1x16xi32>,
      %swap3A_841 = vector.shape_cast %swap3A_840 : vector<1x16xi32> to vector<16xi32>
      %swap3A_842 = vector.shape_cast %select_n3A_836 : vector<16xi32> to vector<1x16xi32>
      tpu.vector_store %arg14[%swap3A_838, %swap3A_839], %swap3A_842 {strides = array<i32>} : memref<1x80xi32, #tpu.memory_space<vmem>>, vector<1x16xi32>,
      %mul3A_843 = arith.constant 80 : i32
      %mul3A_844 = arith.muli %select_n3A_721, %mul3A_843 : i32
      %add3A_845 = arith.constant 0 : i32
      %add3A_846 = arith.addi %mul3A_844, %add3A_845 : i32
      %add3A_847 = arith.constant 64 : i32
      %add3A_848 = arith.addi %add3A_846, %add3A_847 : i32
      %get3A_849 = arith.index_cast %add3A_848 : i32 to index
      %get3A_850 = tpu.vector_load %arg15[%get3A_849] {strides = array<i32>} : memref<8000xi32, #tpu.memory_space<vmem>>, vector<16xi32>,
      %get3A_851 = vector.shape_cast %get3A_850 : vector<16xi32> to vector<16xi32>
      %sub3A_852 = vector.broadcast %mul3A_0 : i32 to vector<16xi32>
      %sub3A_853 = arith.subi %get3A_851, %sub3A_852 : vector<16xi32>
      %add3A_854 = vector.broadcast %select_n3A_726 : i32 to vector<16xi32>
      %add3A_855 = arith.addi %sub3A_853, %add3A_854 : vector<16xi32>
      %ge3A_856 = arith.constant 0 : i32
      %ge3A_857 = vector.broadcast %ge3A_856 : i32 to vector<16xi32>
      %ge3A_858 = arith.cmpi sge, %add3A_855, %ge3A_857 : vector<16xi32>
      %lt3A_859 = arith.constant 5000 : i32
      %lt3A_860 = vector.broadcast %lt3A_859 : i32 to vector<16xi32>
      %lt3A_861 = arith.cmpi slt, %add3A_855, %lt3A_860 : vector<16xi32>
      %and3A_862 = arith.andi %ge3A_858, %lt3A_861 : vector<16xi1>
      %jit3A_863 = arith.constant 5000 : i32
      %broadcast_in_dim3A_864 = vector.broadcast %jit3A_863 : i32 to vector<16xi32>
      %select_n3A_865 = arith.select %and3A_862, %add3A_855, %broadcast_in_dim3A_864 : vector<16xi1>, vector<16xi32>
      %swap3A_866 = arith.constant 0 : i32
      %swap3A_867 = arith.index_cast %swap3A_866 : i32 to index
      %swap3A_868 = arith.constant 64 : index
      %swap3A_869 = tpu.vector_load %arg14[%swap3A_867, %swap3A_868] {strides = array<i32>} : memref<1x80xi32, #tpu.memory_space<vmem>>, vector<1x16xi32>,
      %swap3A_870 = vector.shape_cast %swap3A_869 : vector<1x16xi32> to vector<16xi32>
      %swap3A_871 = vector.shape_cast %select_n3A_865 : vector<16xi32> to vector<1x16xi32>
      tpu.vector_store %arg14[%swap3A_867, %swap3A_868], %swap3A_871 {strides = array<i32>} : memref<1x80xi32, #tpu.memory_space<vmem>>, vector<1x16xi32>,
      %dma_wait3A_872 = arith.constant 0 : i32
      %dma_wait3A_873 = arith.constant 0 : i32
      %dma_wait3A_874 = tpu.memref_slice %arg2[%dma_wait3A_872, %dma_wait3A_873] : memref<320000x128xf32, #tpu.memory_space<hbm>> -> memref<80x128xf32, #tpu.memory_space<hbm>>
      %dma_wait3A_875 = arith.constant 0 : i32
      %dma_wait3A_876 = arith.constant 0 : i32
      %dma_wait3A_877 = tpu.memref_slice %arg2[%dma_wait3A_875, %dma_wait3A_876] : memref<320000x128xf32, #tpu.memory_space<hbm>> -> memref<80x128xf32, #tpu.memory_space<hbm>>
      tpu.wait_dma2 semaphore(%arg18 : memref<!tpu.dma_semaphore, #tpu.memory_space<semaphore_mem>>) src(%dma_wait3A_877 : memref<80x128xf32, #tpu.memory_space<hbm>>) dst(%arg5 : memref<80x128xf32, #tpu.memory_space<vmem>>)
      %dma_start3A_878 = arith.constant 0 : i32
      %dma_start3A_879 = arith.constant 0 : i32
      %dma_start3A_880 = arith.constant 0 : i32
      %dma_start3A_881 = tpu.memref_slice %arg5[%dma_start3A_879, %dma_start3A_880] : memref<80x128xf32, #tpu.memory_space<vmem>> -> memref<80x128xf32, #tpu.memory_space<vmem>>
      %dma_start3A_882 = arith.constant 0 : i32
      %dma_start3A_883 = tpu.memref_slice %arg10[%dma_start3A_878, %dma_start3A_882] : memref<1x80xi32, #tpu.memory_space<vmem>> -> memref<1x80xi32, #tpu.memory_space<vmem>>
      %dma_start3A_884 = tpu.memref_squeeze %dma_start3A_883 : memref<1x80xi32, #tpu.memory_space<vmem>> -> memref<80xi32, #tpu.memory_space<vmem>>
      %dma_start3A_885 = arith.constant 0 : i32
      %dma_start3A_886 = arith.constant 0 : i32
      %dma_start3A_887 = tpu.memref_slice %arg17[%dma_start3A_885, %dma_start3A_886] : memref<5120x128xf32, #tpu.memory_space<vmem_shared>> -> memref<5120x128xf32, #tpu.memory_space<vmem_shared>>
      tpu.enqueue_indirect_dma source(%dma_start3A_881 : memref<80x128xf32, #tpu.memory_space<vmem>>) target(%dma_start3A_887 : memref<5120x128xf32, #tpu.memory_space<vmem_shared>>) offsets(%dma_start3A_884 : memref<80xi32, #tpu.memory_space<vmem>>) semaphore(%arg23 : memref<!tpu.dma_semaphore, #tpu.memory_space<semaphore_mem>>) {add = true}
      %dma_wait3A_888 = arith.constant 0 : i32
      %dma_wait3A_889 = arith.constant 0 : i32
      %dma_wait3A_890 = tpu.memref_slice %arg2[%dma_wait3A_888, %dma_wait3A_889] : memref<320000x128xf32, #tpu.memory_space<hbm>> -> memref<80x128xf32, #tpu.memory_space<hbm>>
      %dma_wait3A_891 = arith.constant 0 : i32
      %dma_wait3A_892 = arith.constant 0 : i32
      %dma_wait3A_893 = tpu.memref_slice %arg2[%dma_wait3A_891, %dma_wait3A_892] : memref<320000x128xf32, #tpu.memory_space<hbm>> -> memref<80x128xf32, #tpu.memory_space<hbm>>
      tpu.wait_dma2 semaphore(%arg19 : memref<!tpu.dma_semaphore, #tpu.memory_space<semaphore_mem>>) src(%dma_wait3A_893 : memref<80x128xf32, #tpu.memory_space<hbm>>) dst(%arg6 : memref<80x128xf32, #tpu.memory_space<vmem>>)
      %dma_start3A_894 = arith.constant 0 : i32
      %dma_start3A_895 = arith.constant 0 : i32
      %dma_start3A_896 = arith.constant 0 : i32
      %dma_start3A_897 = tpu.memref_slice %arg6[%dma_start3A_895, %dma_start3A_896] : memref<80x128xf32, #tpu.memory_space<vmem>> -> memref<80x128xf32, #tpu.memory_space<vmem>>
      %dma_start3A_898 = arith.constant 0 : i32
      %dma_start3A_899 = tpu.memref_slice %arg11[%dma_start3A_894, %dma_start3A_898] : memref<1x80xi32, #tpu.memory_space<vmem>> -> memref<1x80xi32, #tpu.memory_space<vmem>>
      %dma_start3A_900 = tpu.memref_squeeze %dma_start3A_899 : memref<1x80xi32, #tpu.memory_space<vmem>> -> memref<80xi32, #tpu.memory_space<vmem>>
      %dma_start3A_901 = arith.constant 0 : i32
      %dma_start3A_902 = arith.constant 0 : i32
      %dma_start3A_903 = tpu.memref_slice %arg17[%dma_start3A_901, %dma_start3A_902] : memref<5120x128xf32, #tpu.memory_space<vmem_shared>> -> memref<5120x128xf32, #tpu.memory_space<vmem_shared>>
      tpu.enqueue_indirect_dma source(%dma_start3A_897 : memref<80x128xf32, #tpu.memory_space<vmem>>) target(%dma_start3A_903 : memref<5120x128xf32, #tpu.memory_space<vmem_shared>>) offsets(%dma_start3A_900 : memref<80xi32, #tpu.memory_space<vmem>>) semaphore(%arg24 : memref<!tpu.dma_semaphore, #tpu.memory_space<semaphore_mem>>) {add = true}
      %dma_wait3A_904 = arith.constant 0 : i32
      %dma_wait3A_905 = arith.constant 0 : i32
      %dma_wait3A_906 = tpu.memref_slice %arg2[%dma_wait3A_904, %dma_wait3A_905] : memref<320000x128xf32, #tpu.memory_space<hbm>> -> memref<80x128xf32, #tpu.memory_space<hbm>>
      %dma_wait3A_907 = arith.constant 0 : i32
      %dma_wait3A_908 = arith.constant 0 : i32
      %dma_wait3A_909 = tpu.memref_slice %arg2[%dma_wait3A_907, %dma_wait3A_908] : memref<320000x128xf32, #tpu.memory_space<hbm>> -> memref<80x128xf32, #tpu.memory_space<hbm>>
      tpu.wait_dma2 semaphore(%arg20 : memref<!tpu.dma_semaphore, #tpu.memory_space<semaphore_mem>>) src(%dma_wait3A_909 : memref<80x128xf32, #tpu.memory_space<hbm>>) dst(%arg7 : memref<80x128xf32, #tpu.memory_space<vmem>>)
      %dma_start3A_910 = arith.constant 0 : i32
      %dma_start3A_911 = arith.constant 0 : i32
      %dma_start3A_912 = arith.constant 0 : i32
      %dma_start3A_913 = tpu.memref_slice %arg7[%dma_start3A_911, %dma_start3A_912] : memref<80x128xf32, #tpu.memory_space<vmem>> -> memref<80x128xf32, #tpu.memory_space<vmem>>
      %dma_start3A_914 = arith.constant 0 : i32
      %dma_start3A_915 = tpu.memref_slice %arg12[%dma_start3A_910, %dma_start3A_914] : memref<1x80xi32, #tpu.memory_space<vmem>> -> memref<1x80xi32, #tpu.memory_space<vmem>>
      %dma_start3A_916 = tpu.memref_squeeze %dma_start3A_915 : memref<1x80xi32, #tpu.memory_space<vmem>> -> memref<80xi32, #tpu.memory_space<vmem>>
      %dma_start3A_917 = arith.constant 0 : i32
      %dma_start3A_918 = arith.constant 0 : i32
      %dma_start3A_919 = tpu.memref_slice %arg17[%dma_start3A_917, %dma_start3A_918] : memref<5120x128xf32, #tpu.memory_space<vmem_shared>> -> memref<5120x128xf32, #tpu.memory_space<vmem_shared>>
      tpu.enqueue_indirect_dma source(%dma_start3A_913 : memref<80x128xf32, #tpu.memory_space<vmem>>) target(%dma_start3A_919 : memref<5120x128xf32, #tpu.memory_space<vmem_shared>>) offsets(%dma_start3A_916 : memref<80xi32, #tpu.memory_space<vmem>>) semaphore(%arg25 : memref<!tpu.dma_semaphore, #tpu.memory_space<semaphore_mem>>) {add = true}
      %dma_wait3A_920 = arith.constant 0 : i32
      %dma_wait3A_921 = arith.constant 0 : i32
      %dma_wait3A_922 = tpu.memref_slice %arg2[%dma_wait3A_920, %dma_wait3A_921] : memref<320000x128xf32, #tpu.memory_space<hbm>> -> memref<80x128xf32, #tpu.memory_space<hbm>>
      %dma_wait3A_923 = arith.constant 0 : i32
      %dma_wait3A_924 = arith.constant 0 : i32
      %dma_wait3A_925 = tpu.memref_slice %arg2[%dma_wait3A_923, %dma_wait3A_924] : memref<320000x128xf32, #tpu.memory_space<hbm>> -> memref<80x128xf32, #tpu.memory_space<hbm>>
      tpu.wait_dma2 semaphore(%arg21 : memref<!tpu.dma_semaphore, #tpu.memory_space<semaphore_mem>>) src(%dma_wait3A_925 : memref<80x128xf32, #tpu.memory_space<hbm>>) dst(%arg8 : memref<80x128xf32, #tpu.memory_space<vmem>>)
      %dma_start3A_926 = arith.constant 0 : i32
      %dma_start3A_927 = arith.constant 0 : i32
      %dma_start3A_928 = arith.constant 0 : i32
      %dma_start3A_929 = tpu.memref_slice %arg8[%dma_start3A_927, %dma_start3A_928] : memref<80x128xf32, #tpu.memory_space<vmem>> -> memref<80x128xf32, #tpu.memory_space<vmem>>
      %dma_start3A_930 = arith.constant 0 : i32
      %dma_start3A_931 = tpu.memref_slice %arg13[%dma_start3A_926, %dma_start3A_930] : memref<1x80xi32, #tpu.memory_space<vmem>> -> memref<1x80xi32, #tpu.memory_space<vmem>>
      %dma_start3A_932 = tpu.memref_squeeze %dma_start3A_931 : memref<1x80xi32, #tpu.memory_space<vmem>> -> memref<80xi32, #tpu.memory_space<vmem>>
      %dma_start3A_933 = arith.constant 0 : i32
      %dma_start3A_934 = arith.constant 0 : i32
      %dma_start3A_935 = tpu.memref_slice %arg17[%dma_start3A_933, %dma_start3A_934] : memref<5120x128xf32, #tpu.memory_space<vmem_shared>> -> memref<5120x128xf32, #tpu.memory_space<vmem_shared>>
      tpu.enqueue_indirect_dma source(%dma_start3A_929 : memref<80x128xf32, #tpu.memory_space<vmem>>) target(%dma_start3A_935 : memref<5120x128xf32, #tpu.memory_space<vmem_shared>>) offsets(%dma_start3A_932 : memref<80xi32, #tpu.memory_space<vmem>>) semaphore(%arg26 : memref<!tpu.dma_semaphore, #tpu.memory_space<semaphore_mem>>) {add = true}
      %dma_wait3A_936 = arith.constant 0 : i32
      %dma_wait3A_937 = arith.constant 0 : i32
      %dma_wait3A_938 = tpu.memref_slice %arg2[%dma_wait3A_936, %dma_wait3A_937] : memref<320000x128xf32, #tpu.memory_space<hbm>> -> memref<80x128xf32, #tpu.memory_space<hbm>>
      %dma_wait3A_939 = arith.constant 0 : i32
      %dma_wait3A_940 = arith.constant 0 : i32
      %dma_wait3A_941 = tpu.memref_slice %arg2[%dma_wait3A_939, %dma_wait3A_940] : memref<320000x128xf32, #tpu.memory_space<hbm>> -> memref<80x128xf32, #tpu.memory_space<hbm>>
      tpu.wait_dma2 semaphore(%arg22 : memref<!tpu.dma_semaphore, #tpu.memory_space<semaphore_mem>>) src(%dma_wait3A_941 : memref<80x128xf32, #tpu.memory_space<hbm>>) dst(%arg9 : memref<80x128xf32, #tpu.memory_space<vmem>>)
      %dma_start3A_942 = arith.constant 0 : i32
      %dma_start3A_943 = arith.constant 0 : i32
      %dma_start3A_944 = arith.constant 0 : i32
      %dma_start3A_945 = tpu.memref_slice %arg9[%dma_start3A_943, %dma_start3A_944] : memref<80x128xf32, #tpu.memory_space<vmem>> -> memref<80x128xf32, #tpu.memory_space<vmem>>
      %dma_start3A_946 = arith.constant 0 : i32
      %dma_start3A_947 = tpu.memref_slice %arg14[%dma_start3A_942, %dma_start3A_946] : memref<1x80xi32, #tpu.memory_space<vmem>> -> memref<1x80xi32, #tpu.memory_space<vmem>>
      %dma_start3A_948 = tpu.memref_squeeze %dma_start3A_947 : memref<1x80xi32, #tpu.memory_space<vmem>> -> memref<80xi32, #tpu.memory_space<vmem>>
      %dma_start3A_949 = arith.constant 0 : i32
      %dma_start3A_950 = arith.constant 0 : i32
      %dma_start3A_951 = tpu.memref_slice %arg17[%dma_start3A_949, %dma_start3A_950] : memref<5120x128xf32, #tpu.memory_space<vmem_shared>> -> memref<5120x128xf32, #tpu.memory_space<vmem_shared>>
      tpu.enqueue_indirect_dma source(%dma_start3A_945 : memref<80x128xf32, #tpu.memory_space<vmem>>) target(%dma_start3A_951 : memref<5120x128xf32, #tpu.memory_space<vmem_shared>>) offsets(%dma_start3A_948 : memref<80xi32, #tpu.memory_space<vmem>>) semaphore(%arg27 : memref<!tpu.dma_semaphore, #tpu.memory_space<semaphore_mem>>) {add = true}
      %dma_wait3A_952 = arith.constant 0 : i32
      %dma_wait3A_953 = arith.constant 0 : i32
      %dma_wait3A_954 = tpu.memref_slice %arg2[%dma_wait3A_952, %dma_wait3A_953] : memref<320000x128xf32, #tpu.memory_space<hbm>> -> memref<80x128xf32, #tpu.memory_space<hbm>>
      %dma_wait3A_955 = arith.constant 0 : i32
      %dma_wait3A_956 = arith.constant 0 : i32
      %dma_wait3A_957 = tpu.memref_slice %arg2[%dma_wait3A_955, %dma_wait3A_956] : memref<320000x128xf32, #tpu.memory_space<hbm>> -> memref<80x128xf32, #tpu.memory_space<hbm>>
      tpu.wait_dma2 semaphore(%arg23 : memref<!tpu.dma_semaphore, #tpu.memory_space<semaphore_mem>>) src(%dma_wait3A_957 : memref<80x128xf32, #tpu.memory_space<hbm>>) dst(%arg5 : memref<80x128xf32, #tpu.memory_space<vmem>>)
      %sub3A_958 = arith.constant 1 : i32
      %sub3A_959 = arith.subi %select_n3A, %sub3A_958 : i32
      %lt3A_960 = arith.cmpi slt, %while3A_92, %sub3A_959 : i32
      %convert_element_type3A_961 = arith.extui %lt3A_960 : i1 to i32
      %cond3A_962 = arith.constant 0 : i32
      %cond3A_963 = arith.cmpi ne, %convert_element_type3A_961, %cond3A_962 : i32
      scf.if %cond3A_963 {
        %add3A_1012 = arith.constant 5 : i32
        %add3A_1013 = arith.addi %add3A_95, %add3A_1012 : i32
        %add3A_1014 = arith.constant 0 : i32
        %add3A_1015 = arith.addi %add3A_1013, %add3A_1014 : i32
        %lt3A_1016 = arith.constant 100 : i32
        %lt3A_1017 = arith.cmpi slt, %add3A_1015, %lt3A_1016 : i32
        %jit3A_1018 = arith.constant 99 : i32
        %select_n3A_1019 = arith.select %lt3A_1017, %add3A_1015, %jit3A_1018 : i32
        %mul3A_1020 = arith.constant 80 : i32
        %mul3A_1021 = arith.muli %select_n3A_1019, %mul3A_1020 : i32
        %add3A_1022 = arith.addi %add3A_3, %mul3A_1021 : i32
        %dma_start3A_1023 = arith.constant 0 : i32
        %dma_start3A_1024 = tpu.memref_slice %arg2[%add3A_1022, %dma_start3A_1023] : memref<320000x128xf32, #tpu.memory_space<hbm>> -> memref<80x128xf32, #tpu.memory_space<hbm>>
        %dma_start3A_1025 = arith.constant 0 : i32
        %dma_start3A_1026 = tpu.memref_slice %arg2[%add3A_1022, %dma_start3A_1025] : memref<320000x128xf32, #tpu.memory_space<hbm>> -> memref<80x128xf32, #tpu.memory_space<hbm>>
        tpu.enqueue_dma source(%dma_start3A_1026 : memref<80x128xf32, #tpu.memory_space<hbm>>) target(%arg5 : memref<80x128xf32, #tpu.memory_space<vmem>>) target_semaphore(%arg18 : memref<!tpu.dma_semaphore, #tpu.memory_space<semaphore_mem>>)
      } else {
      }
      %dma_wait3A_964 = arith.constant 0 : i32
      %dma_wait3A_965 = arith.constant 0 : i32
      %dma_wait3A_966 = tpu.memref_slice %arg2[%dma_wait3A_964, %dma_wait3A_965] : memref<320000x128xf32, #tpu.memory_space<hbm>> -> memref<80x128xf32, #tpu.memory_space<hbm>>
      %dma_wait3A_967 = arith.constant 0 : i32
      %dma_wait3A_968 = arith.constant 0 : i32
      %dma_wait3A_969 = tpu.memref_slice %arg2[%dma_wait3A_967, %dma_wait3A_968] : memref<320000x128xf32, #tpu.memory_space<hbm>> -> memref<80x128xf32, #tpu.memory_space<hbm>>
      tpu.wait_dma2 semaphore(%arg24 : memref<!tpu.dma_semaphore, #tpu.memory_space<semaphore_mem>>) src(%dma_wait3A_969 : memref<80x128xf32, #tpu.memory_space<hbm>>) dst(%arg6 : memref<80x128xf32, #tpu.memory_space<vmem>>)
      %sub3A_970 = arith.constant 1 : i32
      %sub3A_971 = arith.subi %select_n3A, %sub3A_970 : i32
      %lt3A_972 = arith.cmpi slt, %while3A_92, %sub3A_971 : i32
      %convert_element_type3A_973 = arith.extui %lt3A_972 : i1 to i32
      %cond3A_974 = arith.constant 0 : i32
      %cond3A_975 = arith.cmpi ne, %convert_element_type3A_973, %cond3A_974 : i32
      scf.if %cond3A_975 {
        %add3A_1012 = arith.constant 5 : i32
        %add3A_1013 = arith.addi %add3A_95, %add3A_1012 : i32
        %add3A_1014 = arith.constant 1 : i32
        %add3A_1015 = arith.addi %add3A_1013, %add3A_1014 : i32
        %lt3A_1016 = arith.constant 100 : i32
        %lt3A_1017 = arith.cmpi slt, %add3A_1015, %lt3A_1016 : i32
        %jit3A_1018 = arith.constant 99 : i32
        %select_n3A_1019 = arith.select %lt3A_1017, %add3A_1015, %jit3A_1018 : i32
        %mul3A_1020 = arith.constant 80 : i32
        %mul3A_1021 = arith.muli %select_n3A_1019, %mul3A_1020 : i32
        %add3A_1022 = arith.addi %add3A_3, %mul3A_1021 : i32
        %dma_start3A_1023 = arith.constant 0 : i32
        %dma_start3A_1024 = tpu.memref_slice %arg2[%add3A_1022, %dma_start3A_1023] : memref<320000x128xf32, #tpu.memory_space<hbm>> -> memref<80x128xf32, #tpu.memory_space<hbm>>
        %dma_start3A_1025 = arith.constant 0 : i32
        %dma_start3A_1026 = tpu.memref_slice %arg2[%add3A_1022, %dma_start3A_1025] : memref<320000x128xf32, #tpu.memory_space<hbm>> -> memref<80x128xf32, #tpu.memory_space<hbm>>
        tpu.enqueue_dma source(%dma_start3A_1026 : memref<80x128xf32, #tpu.memory_space<hbm>>) target(%arg6 : memref<80x128xf32, #tpu.memory_space<vmem>>) target_semaphore(%arg19 : memref<!tpu.dma_semaphore, #tpu.memory_space<semaphore_mem>>)
      } else {
      }
      %dma_wait3A_976 = arith.constant 0 : i32
      %dma_wait3A_977 = arith.constant 0 : i32
      %dma_wait3A_978 = tpu.memref_slice %arg2[%dma_wait3A_976, %dma_wait3A_977] : memref<320000x128xf32, #tpu.memory_space<hbm>> -> memref<80x128xf32, #tpu.memory_space<hbm>>
      %dma_wait3A_979 = arith.constant 0 : i32
      %dma_wait3A_980 = arith.constant 0 : i32
      %dma_wait3A_981 = tpu.memref_slice %arg2[%dma_wait3A_979, %dma_wait3A_980] : memref<320000x128xf32, #tpu.memory_space<hbm>> -> memref<80x128xf32, #tpu.memory_space<hbm>>
      tpu.wait_dma2 semaphore(%arg25 : memref<!tpu.dma_semaphore, #tpu.memory_space<semaphore_mem>>) src(%dma_wait3A_981 : memref<80x128xf32, #tpu.memory_space<hbm>>) dst(%arg7 : memref<80x128xf32, #tpu.memory_space<vmem>>)
      %sub3A_982 = arith.constant 1 : i32
      %sub3A_983 = arith.subi %select_n3A, %sub3A_982 : i32
      %lt3A_984 = arith.cmpi slt, %while3A_92, %sub3A_983 : i32
      %convert_element_type3A_985 = arith.extui %lt3A_984 : i1 to i32
      %cond3A_986 = arith.constant 0 : i32
      %cond3A_987 = arith.cmpi ne, %convert_element_type3A_985, %cond3A_986 : i32
      scf.if %cond3A_987 {
        %add3A_1012 = arith.constant 5 : i32
        %add3A_1013 = arith.addi %add3A_95, %add3A_1012 : i32
        %add3A_1014 = arith.constant 2 : i32
        %add3A_1015 = arith.addi %add3A_1013, %add3A_1014 : i32
        %lt3A_1016 = arith.constant 100 : i32
        %lt3A_1017 = arith.cmpi slt, %add3A_1015, %lt3A_1016 : i32
        %jit3A_1018 = arith.constant 99 : i32
        %select_n3A_1019 = arith.select %lt3A_1017, %add3A_1015, %jit3A_1018 : i32
        %mul3A_1020 = arith.constant 80 : i32
        %mul3A_1021 = arith.muli %select_n3A_1019, %mul3A_1020 : i32
        %add3A_1022 = arith.addi %add3A_3, %mul3A_1021 : i32
        %dma_start3A_1023 = arith.constant 0 : i32
        %dma_start3A_1024 = tpu.memref_slice %arg2[%add3A_1022, %dma_start3A_1023] : memref<320000x128xf32, #tpu.memory_space<hbm>> -> memref<80x128xf32, #tpu.memory_space<hbm>>
        %dma_start3A_1025 = arith.constant 0 : i32
        %dma_start3A_1026 = tpu.memref_slice %arg2[%add3A_1022, %dma_start3A_1025] : memref<320000x128xf32, #tpu.memory_space<hbm>> -> memref<80x128xf32, #tpu.memory_space<hbm>>
        tpu.enqueue_dma source(%dma_start3A_1026 : memref<80x128xf32, #tpu.memory_space<hbm>>) target(%arg7 : memref<80x128xf32, #tpu.memory_space<vmem>>) target_semaphore(%arg20 : memref<!tpu.dma_semaphore, #tpu.memory_space<semaphore_mem>>)
      } else {
      }
      %dma_wait3A_988 = arith.constant 0 : i32
      %dma_wait3A_989 = arith.constant 0 : i32
      %dma_wait3A_990 = tpu.memref_slice %arg2[%dma_wait3A_988, %dma_wait3A_989] : memref<320000x128xf32, #tpu.memory_space<hbm>> -> memref<80x128xf32, #tpu.memory_space<hbm>>
      %dma_wait3A_991 = arith.constant 0 : i32
      %dma_wait3A_992 = arith.constant 0 : i32
      %dma_wait3A_993 = tpu.memref_slice %arg2[%dma_wait3A_991, %dma_wait3A_992] : memref<320000x128xf32, #tpu.memory_space<hbm>> -> memref<80x128xf32, #tpu.memory_space<hbm>>
      tpu.wait_dma2 semaphore(%arg26 : memref<!tpu.dma_semaphore, #tpu.memory_space<semaphore_mem>>) src(%dma_wait3A_993 : memref<80x128xf32, #tpu.memory_space<hbm>>) dst(%arg8 : memref<80x128xf32, #tpu.memory_space<vmem>>)
      %sub3A_994 = arith.constant 1 : i32
      %sub3A_995 = arith.subi %select_n3A, %sub3A_994 : i32
      %lt3A_996 = arith.cmpi slt, %while3A_92, %sub3A_995 : i32
      %convert_element_type3A_997 = arith.extui %lt3A_996 : i1 to i32
      %cond3A_998 = arith.constant 0 : i32
      %cond3A_999 = arith.cmpi ne, %convert_element_type3A_997, %cond3A_998 : i32
      scf.if %cond3A_999 {
        %add3A_1012 = arith.constant 5 : i32
        %add3A_1013 = arith.addi %add3A_95, %add3A_1012 : i32
        %add3A_1014 = arith.constant 3 : i32
        %add3A_1015 = arith.addi %add3A_1013, %add3A_1014 : i32
        %lt3A_1016 = arith.constant 100 : i32
        %lt3A_1017 = arith.cmpi slt, %add3A_1015, %lt3A_1016 : i32
        %jit3A_1018 = arith.constant 99 : i32
        %select_n3A_1019 = arith.select %lt3A_1017, %add3A_1015, %jit3A_1018 : i32
        %mul3A_1020 = arith.constant 80 : i32
        %mul3A_1021 = arith.muli %select_n3A_1019, %mul3A_1020 : i32
        %add3A_1022 = arith.addi %add3A_3, %mul3A_1021 : i32
        %dma_start3A_1023 = arith.constant 0 : i32
        %dma_start3A_1024 = tpu.memref_slice %arg2[%add3A_1022, %dma_start3A_1023] : memref<320000x128xf32, #tpu.memory_space<hbm>> -> memref<80x128xf32, #tpu.memory_space<hbm>>
        %dma_start3A_1025 = arith.constant 0 : i32
        %dma_start3A_1026 = tpu.memref_slice %arg2[%add3A_1022, %dma_start3A_1025] : memref<320000x128xf32, #tpu.memory_space<hbm>> -> memref<80x128xf32, #tpu.memory_space<hbm>>
        tpu.enqueue_dma source(%dma_start3A_1026 : memref<80x128xf32, #tpu.memory_space<hbm>>) target(%arg8 : memref<80x128xf32, #tpu.memory_space<vmem>>) target_semaphore(%arg21 : memref<!tpu.dma_semaphore, #tpu.memory_space<semaphore_mem>>)
      } else {
      }
      %dma_wait3A_1000 = arith.constant 0 : i32
      %dma_wait3A_1001 = arith.constant 0 : i32
      %dma_wait3A_1002 = tpu.memref_slice %arg2[%dma_wait3A_1000, %dma_wait3A_1001] : memref<320000x128xf32, #tpu.memory_space<hbm>> -> memref<80x128xf32, #tpu.memory_space<hbm>>
      %dma_wait3A_1003 = arith.constant 0 : i32
      %dma_wait3A_1004 = arith.constant 0 : i32
      %dma_wait3A_1005 = tpu.memref_slice %arg2[%dma_wait3A_1003, %dma_wait3A_1004] : memref<320000x128xf32, #tpu.memory_space<hbm>> -> memref<80x128xf32, #tpu.memory_space<hbm>>
      tpu.wait_dma2 semaphore(%arg27 : memref<!tpu.dma_semaphore, #tpu.memory_space<semaphore_mem>>) src(%dma_wait3A_1005 : memref<80x128xf32, #tpu.memory_space<hbm>>) dst(%arg9 : memref<80x128xf32, #tpu.memory_space<vmem>>)
      %sub3A_1006 = arith.constant 1 : i32
      %sub3A_1007 = arith.subi %select_n3A, %sub3A_1006 : i32
      %lt3A_1008 = arith.cmpi slt, %while3A_92, %sub3A_1007 : i32
      %convert_element_type3A_1009 = arith.extui %lt3A_1008 : i1 to i32
      %cond3A_1010 = arith.constant 0 : i32
      %cond3A_1011 = arith.cmpi ne, %convert_element_type3A_1009, %cond3A_1010 : i32
      scf.if %cond3A_1011 {
        %add3A_1012 = arith.constant 5 : i32
        %add3A_1013 = arith.addi %add3A_95, %add3A_1012 : i32
        %add3A_1014 = arith.constant 4 : i32
        %add3A_1015 = arith.addi %add3A_1013, %add3A_1014 : i32
        %lt3A_1016 = arith.constant 100 : i32
        %lt3A_1017 = arith.cmpi slt, %add3A_1015, %lt3A_1016 : i32
        %jit3A_1018 = arith.constant 99 : i32
        %select_n3A_1019 = arith.select %lt3A_1017, %add3A_1015, %jit3A_1018 : i32
        %mul3A_1020 = arith.constant 80 : i32
        %mul3A_1021 = arith.muli %select_n3A_1019, %mul3A_1020 : i32
        %add3A_1022 = arith.addi %add3A_3, %mul3A_1021 : i32
        %dma_start3A_1023 = arith.constant 0 : i32
        %dma_start3A_1024 = tpu.memref_slice %arg2[%add3A_1022, %dma_start3A_1023] : memref<320000x128xf32, #tpu.memory_space<hbm>> -> memref<80x128xf32, #tpu.memory_space<hbm>>
        %dma_start3A_1025 = arith.constant 0 : i32
        %dma_start3A_1026 = tpu.memref_slice %arg2[%add3A_1022, %dma_start3A_1025] : memref<320000x128xf32, #tpu.memory_space<hbm>> -> memref<80x128xf32, #tpu.memory_space<hbm>>
        tpu.enqueue_dma source(%dma_start3A_1026 : memref<80x128xf32, #tpu.memory_space<hbm>>) target(%arg9 : memref<80x128xf32, #tpu.memory_space<vmem>>) target_semaphore(%arg22 : memref<!tpu.dma_semaphore, #tpu.memory_space<semaphore_mem>>)
      } else {
      }
    }
    %barrier3A_75 = arith.constant 0 : index
    tpu.barrier barrier_id(%barrier3A_75)
    %mul3A_76 = arith.constant 320 : i32
    %mul3A_77 = arith.muli %arg1, %mul3A_76 : i32
    %add3A_78 = arith.constant 0 : i32
    %add3A_79 = arith.addi %mul3A_77, %add3A_78 : i32
    "tpu.region"() ({
      %run_scoped3A = tpu.sem_alloc : memref<!tpu.dma_semaphore, #tpu.memory_space<semaphore_mem>>
      %dma_start3A_92 = arith.constant 0 : i32
      %dma_start3A_93 = tpu.memref_slice %arg17[%add3A_79, %dma_start3A_92] : memref<5120x128xf32, #tpu.memory_space<vmem_shared>> -> memref<80x128xf32, #tpu.memory_space<vmem_shared>>
      %dma_start3A_94 = arith.constant 0 : i32
      %dma_start3A_95 = tpu.memref_slice %arg17[%add3A_79, %dma_start3A_94] : memref<5120x128xf32, #tpu.memory_space<vmem_shared>> -> memref<80x128xf32, #tpu.memory_space<vmem_shared>>
      tpu.enqueue_dma source(%dma_start3A_95 : memref<80x128xf32, #tpu.memory_space<vmem_shared>>) target(%arg16 : memref<80x128xf32, #tpu.memory_space<vmem>>) target_semaphore(%run_scoped3A : memref<!tpu.dma_semaphore, #tpu.memory_space<semaphore_mem>>)
      %dma_wait3A_96 = arith.constant 0 : i32
      %dma_wait3A_97 = tpu.memref_slice %arg17[%add3A_79, %dma_wait3A_96] : memref<5120x128xf32, #tpu.memory_space<vmem_shared>> -> memref<80x128xf32, #tpu.memory_space<vmem_shared>>
      %dma_wait3A_98 = arith.constant 0 : i32
      %dma_wait3A_99 = tpu.memref_slice %arg17[%add3A_79, %dma_wait3A_98] : memref<5120x128xf32, #tpu.memory_space<vmem_shared>> -> memref<80x128xf32, #tpu.memory_space<vmem_shared>>
      tpu.wait_dma2 semaphore(%run_scoped3A : memref<!tpu.dma_semaphore, #tpu.memory_space<semaphore_mem>>) src(%dma_wait3A_99 : memref<80x128xf32, #tpu.memory_space<vmem_shared>>) dst(%arg16 : memref<80x128xf32, #tpu.memory_space<vmem>>)
      tpu.yield
    }) : () -> ()
    "tpu.region"() ({
      %run_scoped3A = tpu.sem_alloc : memref<!tpu.dma_semaphore, #tpu.memory_space<semaphore_mem>>
      %dma_start3A_92 = arith.constant 0 : i32
      %dma_start3A_93 = tpu.memref_slice %arg4[%arg0, %add3A_79, %dma_start3A_92] : memref<2x5120x128xf32, #tpu.memory_space<hbm>> -> memref<1x80x128xf32, #tpu.memory_space<hbm>>
      %dma_start3A_94 = tpu.memref_squeeze %dma_start3A_93 : memref<1x80x128xf32, #tpu.memory_space<hbm>> -> memref<80x128xf32, #tpu.memory_space<hbm>>
      %dma_start3A_95 = arith.constant 0 : i32
      %dma_start3A_96 = tpu.memref_slice %arg4[%arg0, %add3A_79, %dma_start3A_95] : memref<2x5120x128xf32, #tpu.memory_space<hbm>> -> memref<1x80x128xf32, #tpu.memory_space<hbm>>
      %dma_start3A_97 = tpu.memref_squeeze %dma_start3A_96 : memref<1x80x128xf32, #tpu.memory_space<hbm>> -> memref<80x128xf32, #tpu.memory_space<hbm>>
      tpu.enqueue_dma source(%arg16 : memref<80x128xf32, #tpu.memory_space<vmem>>) target(%dma_start3A_97 : memref<80x128xf32, #tpu.memory_space<hbm>>) target_semaphore(%run_scoped3A : memref<!tpu.dma_semaphore, #tpu.memory_space<semaphore_mem>>)
      %dma_wait3A_98 = arith.constant 0 : i32
      %dma_wait3A_99 = tpu.memref_slice %arg4[%arg0, %add3A_79, %dma_wait3A_98] : memref<2x5120x128xf32, #tpu.memory_space<hbm>> -> memref<1x80x128xf32, #tpu.memory_space<hbm>>
      %dma_wait3A_100 = tpu.memref_squeeze %dma_wait3A_99 : memref<1x80x128xf32, #tpu.memory_space<hbm>> -> memref<80x128xf32, #tpu.memory_space<hbm>>
      %dma_wait3A_101 = arith.constant 0 : i32
      %dma_wait3A_102 = tpu.memref_slice %arg4[%arg0, %add3A_79, %dma_wait3A_101] : memref<2x5120x128xf32, #tpu.memory_space<hbm>> -> memref<1x80x128xf32, #tpu.memory_space<hbm>>
      %dma_wait3A_103 = tpu.memref_squeeze %dma_wait3A_102 : memref<1x80x128xf32, #tpu.memory_space<hbm>> -> memref<80x128xf32, #tpu.memory_space<hbm>>
      tpu.wait_dma2 semaphore(%run_scoped3A : memref<!tpu.dma_semaphore, #tpu.memory_space<semaphore_mem>>) src(%arg16 : memref<80x128xf32, #tpu.memory_space<vmem>>) dst(%dma_wait3A_103 : memref<80x128xf32, #tpu.memory_space<hbm>>)
      tpu.yield
    }) : () -> ()
    %mul3A_80 = arith.constant 320 : i32
    %mul3A_81 = arith.muli %arg1, %mul3A_80 : i32
    %add3A_82 = arith.constant 80 : i32
    %add3A_83 = arith.addi %mul3A_81, %add3A_82 : i32
    "tpu.region"() ({
      %run_scoped3A = tpu.sem_alloc : memref<!tpu.dma_semaphore, #tpu.memory_space<semaphore_mem>>
      %dma_start3A_92 = arith.constant 0 : i32
      %dma_start3A_93 = tpu.memref_slice %arg17[%add3A_83, %dma_start3A_92] : memref<5120x128xf32, #tpu.memory_space<vmem_shared>> -> memref<80x128xf32, #tpu.memory_space<vmem_shared>>
      %dma_start3A_94 = arith.constant 0 : i32
      %dma_start3A_95 = tpu.memref_slice %arg17[%add3A_83, %dma_start3A_94] : memref<5120x128xf32, #tpu.memory_space<vmem_shared>> -> memref<80x128xf32, #tpu.memory_space<vmem_shared>>
      tpu.enqueue_dma source(%dma_start3A_95 : memref<80x128xf32, #tpu.memory_space<vmem_shared>>) target(%arg16 : memref<80x128xf32, #tpu.memory_space<vmem>>) target_semaphore(%run_scoped3A : memref<!tpu.dma_semaphore, #tpu.memory_space<semaphore_mem>>)
      %dma_wait3A_96 = arith.constant 0 : i32
      %dma_wait3A_97 = tpu.memref_slice %arg17[%add3A_83, %dma_wait3A_96] : memref<5120x128xf32, #tpu.memory_space<vmem_shared>> -> memref<80x128xf32, #tpu.memory_space<vmem_shared>>
      %dma_wait3A_98 = arith.constant 0 : i32
      %dma_wait3A_99 = tpu.memref_slice %arg17[%add3A_83, %dma_wait3A_98] : memref<5120x128xf32, #tpu.memory_space<vmem_shared>> -> memref<80x128xf32, #tpu.memory_space<vmem_shared>>
      tpu.wait_dma2 semaphore(%run_scoped3A : memref<!tpu.dma_semaphore, #tpu.memory_space<semaphore_mem>>) src(%dma_wait3A_99 : memref<80x128xf32, #tpu.memory_space<vmem_shared>>) dst(%arg16 : memref<80x128xf32, #tpu.memory_space<vmem>>)
      tpu.yield
    }) : () -> ()
    "tpu.region"() ({
      %run_scoped3A = tpu.sem_alloc : memref<!tpu.dma_semaphore, #tpu.memory_space<semaphore_mem>>
      %dma_start3A_92 = arith.constant 0 : i32
      %dma_start3A_93 = tpu.memref_slice %arg4[%arg0, %add3A_83, %dma_start3A_92] : memref<2x5120x128xf32, #tpu.memory_space<hbm>> -> memref<1x80x128xf32, #tpu.memory_space<hbm>>
      %dma_start3A_94 = tpu.memref_squeeze %dma_start3A_93 : memref<1x80x128xf32, #tpu.memory_space<hbm>> -> memref<80x128xf32, #tpu.memory_space<hbm>>
      %dma_start3A_95 = arith.constant 0 : i32
      %dma_start3A_96 = tpu.memref_slice %arg4[%arg0, %add3A_83, %dma_start3A_95] : memref<2x5120x128xf32, #tpu.memory_space<hbm>> -> memref<1x80x128xf32, #tpu.memory_space<hbm>>
      %dma_start3A_97 = tpu.memref_squeeze %dma_start3A_96 : memref<1x80x128xf32, #tpu.memory_space<hbm>> -> memref<80x128xf32, #tpu.memory_space<hbm>>
      tpu.enqueue_dma source(%arg16 : memref<80x128xf32, #tpu.memory_space<vmem>>) target(%dma_start3A_97 : memref<80x128xf32, #tpu.memory_space<hbm>>) target_semaphore(%run_scoped3A : memref<!tpu.dma_semaphore, #tpu.memory_space<semaphore_mem>>)
      %dma_wait3A_98 = arith.constant 0 : i32
      %dma_wait3A_99 = tpu.memref_slice %arg4[%arg0, %add3A_83, %dma_wait3A_98] : memref<2x5120x128xf32, #tpu.memory_space<hbm>> -> memref<1x80x128xf32, #tpu.memory_space<hbm>>
      %dma_wait3A_100 = tpu.memref_squeeze %dma_wait3A_99 : memref<1x80x128xf32, #tpu.memory_space<hbm>> -> memref<80x128xf32, #tpu.memory_space<hbm>>
      %dma_wait3A_101 = arith.constant 0 : i32
      %dma_wait3A_102 = tpu.memref_slice %arg4[%arg0, %add3A_83, %dma_wait3A_101] : memref<2x5120x128xf32, #tpu.memory_space<hbm>> -> memref<1x80x128xf32, #tpu.memory_space<hbm>>
      %dma_wait3A_103 = tpu.memref_squeeze %dma_wait3A_102 : memref<1x80x128xf32, #tpu.memory_space<hbm>> -> memref<80x128xf32, #tpu.memory_space<hbm>>
      tpu.wait_dma2 semaphore(%run_scoped3A : memref<!tpu.dma_semaphore, #tpu.memory_space<semaphore_mem>>) src(%arg16 : memref<80x128xf32, #tpu.memory_space<vmem>>) dst(%dma_wait3A_103 : memref<80x128xf32, #tpu.memory_space<hbm>>)
      tpu.yield
    }) : () -> ()
    %mul3A_84 = arith.constant 320 : i32
    %mul3A_85 = arith.muli %arg1, %mul3A_84 : i32
    %add3A_86 = arith.constant 160 : i32
    %add3A_87 = arith.addi %mul3A_85, %add3A_86 : i32
    "tpu.region"() ({
      %run_scoped3A = tpu.sem_alloc : memref<!tpu.dma_semaphore, #tpu.memory_space<semaphore_mem>>
      %dma_start3A_92 = arith.constant 0 : i32
      %dma_start3A_93 = tpu.memref_slice %arg17[%add3A_87, %dma_start3A_92] : memref<5120x128xf32, #tpu.memory_space<vmem_shared>> -> memref<80x128xf32, #tpu.memory_space<vmem_shared>>
      %dma_start3A_94 = arith.constant 0 : i32
      %dma_start3A_95 = tpu.memref_slice %arg17[%add3A_87, %dma_start3A_94] : memref<5120x128xf32, #tpu.memory_space<vmem_shared>> -> memref<80x128xf32, #tpu.memory_space<vmem_shared>>
      tpu.enqueue_dma source(%dma_start3A_95 : memref<80x128xf32, #tpu.memory_space<vmem_shared>>) target(%arg16 : memref<80x128xf32, #tpu.memory_space<vmem>>) target_semaphore(%run_scoped3A : memref<!tpu.dma_semaphore, #tpu.memory_space<semaphore_mem>>)
      %dma_wait3A_96 = arith.constant 0 : i32
      %dma_wait3A_97 = tpu.memref_slice %arg17[%add3A_87, %dma_wait3A_96] : memref<5120x128xf32, #tpu.memory_space<vmem_shared>> -> memref<80x128xf32, #tpu.memory_space<vmem_shared>>
      %dma_wait3A_98 = arith.constant 0 : i32
      %dma_wait3A_99 = tpu.memref_slice %arg17[%add3A_87, %dma_wait3A_98] : memref<5120x128xf32, #tpu.memory_space<vmem_shared>> -> memref<80x128xf32, #tpu.memory_space<vmem_shared>>
      tpu.wait_dma2 semaphore(%run_scoped3A : memref<!tpu.dma_semaphore, #tpu.memory_space<semaphore_mem>>) src(%dma_wait3A_99 : memref<80x128xf32, #tpu.memory_space<vmem_shared>>) dst(%arg16 : memref<80x128xf32, #tpu.memory_space<vmem>>)
      tpu.yield
    }) : () -> ()
    "tpu.region"() ({
      %run_scoped3A = tpu.sem_alloc : memref<!tpu.dma_semaphore, #tpu.memory_space<semaphore_mem>>
      %dma_start3A_92 = arith.constant 0 : i32
      %dma_start3A_93 = tpu.memref_slice %arg4[%arg0, %add3A_87, %dma_start3A_92] : memref<2x5120x128xf32, #tpu.memory_space<hbm>> -> memref<1x80x128xf32, #tpu.memory_space<hbm>>
      %dma_start3A_94 = tpu.memref_squeeze %dma_start3A_93 : memref<1x80x128xf32, #tpu.memory_space<hbm>> -> memref<80x128xf32, #tpu.memory_space<hbm>>
      %dma_start3A_95 = arith.constant 0 : i32
      %dma_start3A_96 = tpu.memref_slice %arg4[%arg0, %add3A_87, %dma_start3A_95] : memref<2x5120x128xf32, #tpu.memory_space<hbm>> -> memref<1x80x128xf32, #tpu.memory_space<hbm>>
      %dma_start3A_97 = tpu.memref_squeeze %dma_start3A_96 : memref<1x80x128xf32, #tpu.memory_space<hbm>> -> memref<80x128xf32, #tpu.memory_space<hbm>>
      tpu.enqueue_dma source(%arg16 : memref<80x128xf32, #tpu.memory_space<vmem>>) target(%dma_start3A_97 : memref<80x128xf32, #tpu.memory_space<hbm>>) target_semaphore(%run_scoped3A : memref<!tpu.dma_semaphore, #tpu.memory_space<semaphore_mem>>)
      %dma_wait3A_98 = arith.constant 0 : i32
      %dma_wait3A_99 = tpu.memref_slice %arg4[%arg0, %add3A_87, %dma_wait3A_98] : memref<2x5120x128xf32, #tpu.memory_space<hbm>> -> memref<1x80x128xf32, #tpu.memory_space<hbm>>
      %dma_wait3A_100 = tpu.memref_squeeze %dma_wait3A_99 : memref<1x80x128xf32, #tpu.memory_space<hbm>> -> memref<80x128xf32, #tpu.memory_space<hbm>>
      %dma_wait3A_101 = arith.constant 0 : i32
      %dma_wait3A_102 = tpu.memref_slice %arg4[%arg0, %add3A_87, %dma_wait3A_101] : memref<2x5120x128xf32, #tpu.memory_space<hbm>> -> memref<1x80x128xf32, #tpu.memory_space<hbm>>
      %dma_wait3A_103 = tpu.memref_squeeze %dma_wait3A_102 : memref<1x80x128xf32, #tpu.memory_space<hbm>> -> memref<80x128xf32, #tpu.memory_space<hbm>>
      tpu.wait_dma2 semaphore(%run_scoped3A : memref<!tpu.dma_semaphore, #tpu.memory_space<semaphore_mem>>) src(%arg16 : memref<80x128xf32, #tpu.memory_space<vmem>>) dst(%dma_wait3A_103 : memref<80x128xf32, #tpu.memory_space<hbm>>)
      tpu.yield
    }) : () -> ()
    %mul3A_88 = arith.constant 320 : i32
    %mul3A_89 = arith.muli %arg1, %mul3A_88 : i32
    %add3A_90 = arith.constant 240 : i32
    %add3A_91 = arith.addi %mul3A_89, %add3A_90 : i32
    "tpu.region"() ({
      %run_scoped3A = tpu.sem_alloc : memref<!tpu.dma_semaphore, #tpu.memory_space<semaphore_mem>>
      %dma_start3A_92 = arith.constant 0 : i32
      %dma_start3A_93 = tpu.memref_slice %arg17[%add3A_91, %dma_start3A_92] : memref<5120x128xf32, #tpu.memory_space<vmem_shared>> -> memref<80x128xf32, #tpu.memory_space<vmem_shared>>
      %dma_start3A_94 = arith.constant 0 : i32
      %dma_start3A_95 = tpu.memref_slice %arg17[%add3A_91, %dma_start3A_94] : memref<5120x128xf32, #tpu.memory_space<vmem_shared>> -> memref<80x128xf32, #tpu.memory_space<vmem_shared>>
      tpu.enqueue_dma source(%dma_start3A_95 : memref<80x128xf32, #tpu.memory_space<vmem_shared>>) target(%arg16 : memref<80x128xf32, #tpu.memory_space<vmem>>) target_semaphore(%run_scoped3A : memref<!tpu.dma_semaphore, #tpu.memory_space<semaphore_mem>>)
      %dma_wait3A_96 = arith.constant 0 : i32
      %dma_wait3A_97 = tpu.memref_slice %arg17[%add3A_91, %dma_wait3A_96] : memref<5120x128xf32, #tpu.memory_space<vmem_shared>> -> memref<80x128xf32, #tpu.memory_space<vmem_shared>>
      %dma_wait3A_98 = arith.constant 0 : i32
      %dma_wait3A_99 = tpu.memref_slice %arg17[%add3A_91, %dma_wait3A_98] : memref<5120x128xf32, #tpu.memory_space<vmem_shared>> -> memref<80x128xf32, #tpu.memory_space<vmem_shared>>
      tpu.wait_dma2 semaphore(%run_scoped3A : memref<!tpu.dma_semaphore, #tpu.memory_space<semaphore_mem>>) src(%dma_wait3A_99 : memref<80x128xf32, #tpu.memory_space<vmem_shared>>) dst(%arg16 : memref<80x128xf32, #tpu.memory_space<vmem>>)
      tpu.yield
    }) : () -> ()
    "tpu.region"() ({
      %run_scoped3A = tpu.sem_alloc : memref<!tpu.dma_semaphore, #tpu.memory_space<semaphore_mem>>
      %dma_start3A_92 = arith.constant 0 : i32
      %dma_start3A_93 = tpu.memref_slice %arg4[%arg0, %add3A_91, %dma_start3A_92] : memref<2x5120x128xf32, #tpu.memory_space<hbm>> -> memref<1x80x128xf32, #tpu.memory_space<hbm>>
      %dma_start3A_94 = tpu.memref_squeeze %dma_start3A_93 : memref<1x80x128xf32, #tpu.memory_space<hbm>> -> memref<80x128xf32, #tpu.memory_space<hbm>>
      %dma_start3A_95 = arith.constant 0 : i32
      %dma_start3A_96 = tpu.memref_slice %arg4[%arg0, %add3A_91, %dma_start3A_95] : memref<2x5120x128xf32, #tpu.memory_space<hbm>> -> memref<1x80x128xf32, #tpu.memory_space<hbm>>
      %dma_start3A_97 = tpu.memref_squeeze %dma_start3A_96 : memref<1x80x128xf32, #tpu.memory_space<hbm>> -> memref<80x128xf32, #tpu.memory_space<hbm>>
      tpu.enqueue_dma source(%arg16 : memref<80x128xf32, #tpu.memory_space<vmem>>) target(%dma_start3A_97 : memref<80x128xf32, #tpu.memory_space<hbm>>) target_semaphore(%run_scoped3A : memref<!tpu.dma_semaphore, #tpu.memory_space<semaphore_mem>>)
      %dma_wait3A_98 = arith.constant 0 : i32
      %dma_wait3A_99 = tpu.memref_slice %arg4[%arg0, %add3A_91, %dma_wait3A_98] : memref<2x5120x128xf32, #tpu.memory_space<hbm>> -> memref<1x80x128xf32, #tpu.memory_space<hbm>>
      %dma_wait3A_100 = tpu.memref_squeeze %dma_wait3A_99 : memref<1x80x128xf32, #tpu.memory_space<hbm>> -> memref<80x128xf32, #tpu.memory_space<hbm>>
      %dma_wait3A_101 = arith.constant 0 : i32
      %dma_wait3A_102 = tpu.memref_slice %arg4[%arg0, %add3A_91, %dma_wait3A_101] : memref<2x5120x128xf32, #tpu.memory_space<hbm>> -> memref<1x80x128xf32, #tpu.memory_space<hbm>>
      %dma_wait3A_103 = tpu.memref_squeeze %dma_wait3A_102 : memref<1x80x128xf32, #tpu.memory_space<hbm>> -> memref<80x128xf32, #tpu.memory_space<hbm>>
      tpu.wait_dma2 semaphore(%run_scoped3A : memref<!tpu.dma_semaphore, #tpu.memory_space<semaphore_mem>>) src(%arg16 : memref<80x128xf32, #tpu.memory_space<vmem>>) dst(%dma_wait3A_103 : memref<80x128xf32, #tpu.memory_space<hbm>>)
      tpu.yield
    }) : () -> ()
    return
  }
}

module attributes {stable_mosaic.version = 14 : i64} {
  func.func @body(%arg0: memref<2x5120x128xf32, #tpu.memory_space<vmem>>, %arg1: memref<10256x128xf32, #tpu.memory_space<vmem>>, %arg2: memref<10000x128xf32, #tpu.memory_space<vmem>>) attributes {dimension_semantics = [], scalar_prefetch = 0 : i64, scratch_operands = 0 : i64, tpu.core_type = #tpu.core_type<tc>} {
    %get3A = arith.constant 0 : index
    %get3A_0 = arith.constant 0 : index
    %get3A_1 = arith.constant 0 : index
    %get3A_2 = vector.load %arg0[%get3A, %get3A_0, %get3A_1] : memref<2x5120x128xf32, #tpu.memory_space<vmem>>, vector<1x5000x128xf32>
    %get3A_3 = vector.shape_cast %get3A_2 : vector<1x5000x128xf32> to vector<5000x128xf32>
    %get3A_4 = arith.constant 0 : index
    %get3A_5 = arith.constant 0 : index
    %get3A_6 = vector.load %arg1[%get3A_4, %get3A_5] : memref<10256x128xf32, #tpu.memory_space<vmem>>, vector<5000x128xf32>
    %add3A = arith.addf %get3A_3, %get3A_6 : vector<5000x128xf32>
    %swap3A = arith.constant 0 : index
    %swap3A_7 = arith.constant 0 : index
    %swap3A_8 = vector.load %arg2[%swap3A, %swap3A_7] : memref<10000x128xf32, #tpu.memory_space<vmem>>, vector<5000x128xf32>
    tpu.vector_store %arg2[%swap3A, %swap3A_7], %add3A {strides = array<i32>} : memref<10000x128xf32, #tpu.memory_space<vmem>>, vector<5000x128xf32>,
    %get3A_9 = arith.constant 1 : index
    %get3A_10 = arith.constant 0 : index
    %get3A_11 = arith.constant 0 : index
    %get3A_12 = vector.load %arg0[%get3A_9, %get3A_10, %get3A_11] : memref<2x5120x128xf32, #tpu.memory_space<vmem>>, vector<1x5000x128xf32>
    %get3A_13 = vector.shape_cast %get3A_12 : vector<1x5000x128xf32> to vector<5000x128xf32>
    %get3A_14 = arith.constant 5000 : index
    %get3A_15 = arith.constant 0 : index
    %get3A_16 = vector.load %arg1[%get3A_14, %get3A_15] : memref<10256x128xf32, #tpu.memory_space<vmem>>, vector<5000x128xf32>
    %add3A_17 = arith.addf %get3A_13, %get3A_16 : vector<5000x128xf32>
    %swap3A_18 = arith.constant 5000 : index
    %swap3A_19 = arith.constant 0 : index
    %swap3A_20 = vector.load %arg2[%swap3A_18, %swap3A_19] : memref<10000x128xf32, #tpu.memory_space<vmem>>, vector<5000x128xf32>
    tpu.vector_store %arg2[%swap3A_18, %swap3A_19], %add3A_17 {strides = array<i32>} : memref<10000x128xf32, #tpu.memory_space<vmem>>, vector<5000x128xf32>,
    return
  }
}

module attributes {stable_mosaic.version = 14 : i64} {
  func.func @body(%arg0: i32, %arg1: memref<1x3200x128xf32, #tpu.memory_space<vmem>>, %arg2: memref<1x1x3200xi32, #tpu.memory_space<vmem>>, %arg3: memref<10256x128xf32, #tpu.memory_space<vmem>>) attributes {dimension_semantics = [#tpu.dimension_semantics<arbitrary>], iteration_bounds = array<i64: 60>, scalar_prefetch = 0 : i64, scratch_operands = 0 : i64, tpu.core_type = #tpu.core_type<tc>, window_params = [{transform_indices = @transform_0, window_bounds = array<i64: 1, 3200, 128>}, {transform_indices = @transform_1, window_bounds = array<i64: 1, 1, 3200>}, {pipeline_mode = #tpu.pipeline_mode<synchronous>, transform_indices = @transform_2, window_bounds = array<i64: 10256, 128>}]} {
    %eq3A = arith.constant 0 : i32
    %eq3A_0 = arith.cmpi eq, %arg0, %eq3A : i32
    %convert_element_type3A = arith.extui %eq3A_0 : i1 to i32
    %cond3A = arith.constant 0 : i32
    %cond3A_1 = arith.cmpi ne, %convert_element_type3A, %cond3A : i32
    scf.if %cond3A_1 {
      %broadcast_in_dim3A = arith.constant 0.000000e+00 : f32
      %broadcast_in_dim3A_46 = vector.broadcast %broadcast_in_dim3A : f32 to vector<10256x128xf32>
      %swap3A = arith.constant 0 : index
      %swap3A_47 = arith.constant 0 : index
      %swap3A_48 = vector.load %arg3[%swap3A, %swap3A_47] : memref<10256x128xf32, #tpu.memory_space<vmem>>, vector<10256x128xf32>
      tpu.vector_store %arg3[%swap3A, %swap3A_47], %broadcast_in_dim3A_46 {strides = array<i32>} : memref<10256x128xf32, #tpu.memory_space<vmem>>, vector<10256x128xf32>,
    } else {
    }
    %get3A = arith.constant 0 : index
    %get3A_2 = arith.constant 0 : index
    %get3A_3 = arith.constant 0 : index
    %get3A_4 = vector.load %arg2[%get3A, %get3A_2, %get3A_3] : memref<1x1x3200xi32, #tpu.memory_space<vmem>>, vector<1x1x3200xi32>
    %get3A_5 = vector.shape_cast %get3A_4 : vector<1x1x3200xi32> to vector<3200xi32>
    %reduce_min3A = vector.shape_cast %get3A_5 : vector<3200xi32> to vector<1x3200xi32>
    %reduce_min3A_6 = arith.constant dense<2147483647> : vector<1xi32>
    %reduce_min3A_7 = vector.multi_reduction <minsi>, %reduce_min3A, %reduce_min3A_6 [1] : vector<1x3200xi32> to vector<1xi32>
    %reduce_min3A_8 = vector.shape_cast %reduce_min3A_7 : vector<1xi32> to vector<1x1xi32>
    %reduce_min3A_9 = vector.extract %reduce_min3A_8[0, 0] : i32 from vector<1x1xi32>
    %reduce_max3A = vector.shape_cast %get3A_5 : vector<3200xi32> to vector<1x3200xi32>
    %reduce_max3A_10 = arith.constant dense<-2147483648> : vector<1xi32>
    %reduce_max3A_11 = vector.multi_reduction <maxsi>, %reduce_max3A, %reduce_max3A_10 [1] : vector<1x3200xi32> to vector<1xi32>
    %reduce_max3A_12 = vector.shape_cast %reduce_max3A_11 : vector<1xi32> to vector<1x1xi32>
    %reduce_max3A_13 = vector.extract %reduce_max3A_12[0, 0] : i32 from vector<1x1xi32>
    %get3A_14 = arith.constant 0 : index
    %get3A_15 = arith.constant 0 : index
    %get3A_16 = arith.constant 0 : index
    %get3A_17 = vector.load %arg1[%get3A_14, %get3A_15, %get3A_16] : memref<1x3200x128xf32, #tpu.memory_space<vmem>>, vector<1x3200x128xf32>
    %get3A_18 = vector.shape_cast %get3A_17 : vector<1x3200x128xf32> to vector<3200x128xf32>
    %sub3A = arith.subi %reduce_max3A_13, %reduce_min3A_9 : i32
    %jit3A = arith.constant 128 : i32
    %div3A = arith.divsi %sub3A, %jit3A : i32
    %sign3A = arith.constant 0 : i32
    %sign3A_19 = arith.cmpi sgt, %sub3A, %sign3A : i32
    %sign3A_20 = arith.extui %sign3A_19 : i1 to i32
    %sign3A_21 = arith.constant 0 : i32
    %sign3A_22 = arith.cmpi slt, %sub3A, %sign3A_21 : i32
    %sign3A_23 = arith.extui %sign3A_22 : i1 to i32
    %sign3A_24 = arith.subi %sign3A_20, %sign3A_23 : i32
    %sign3A_25 = arith.constant 0 : i32
    %sign3A_26 = arith.cmpi sgt, %jit3A, %sign3A_25 : i32
    %sign3A_27 = arith.extui %sign3A_26 : i1 to i32
    %sign3A_28 = arith.constant 0 : i32
    %sign3A_29 = arith.cmpi slt, %jit3A, %sign3A_28 : i32
    %sign3A_30 = arith.extui %sign3A_29 : i1 to i32
    %sign3A_31 = arith.subi %sign3A_27, %sign3A_30 : i32
    %ne3A = arith.cmpi ne, %sign3A_24, %sign3A_31 : i32
    %rem3A = arith.remsi %sub3A, %jit3A : i32
    %ne3A_32 = arith.constant 0 : i32
    %ne3A_33 = arith.cmpi ne, %rem3A, %ne3A_32 : i32
    %and3A = arith.andi %ne3A, %ne3A_33 : i1
    %sub3A_34 = arith.constant 1 : i32
    %sub3A_35 = arith.subi %div3A, %sub3A_34 : i32
    %select_n3A = arith.select %and3A, %sub3A_35, %div3A : i32
    %add3A = arith.constant 1 : i32
    %add3A_36 = arith.addi %select_n3A, %add3A : i32
    %while3A = arith.constant 0 : i32
    %while3A_37 = arith.constant 0 : i32
    %while3A_38 = arith.subi %add3A_36, %while3A_37 : i32
    %while3A_39 = arith.addi %while3A_37, %while3A_38 : i32
    %while3A_40 = arith.constant 1 : i32
    %while3A_41 = arith.divsi %while3A_38, %while3A_40 : i32
    %while3A_42 = arith.muli %while3A_41, %while3A_40 : i32
    %while3A_43 = arith.addi %while3A_37, %while3A_42 : i32
    %while3A_44 = arith.constant 1 : i32
    scf.for %while3A_46 = %while3A_37 to %while3A_43 step %while3A_44  : i32 {
      %mul3A = arith.constant 128 : i32
      %mul3A_47 = arith.muli %while3A_46, %mul3A : i32
      %add3A_48 = arith.addi %reduce_min3A_9, %mul3A_47 : i32
      %iota3A = tpu.iota {dimensions = array<i32: 1>} : vector<3200x128xi32>
      %add3A_49 = vector.broadcast %add3A_48 : i32 to vector<3200x128xi32>
      %add3A_50 = arith.addi %add3A_49, %iota3A : vector<3200x128xi32>
      %broadcast_in_dim3A = vector.shape_cast %get3A_5 : vector<3200xi32> to vector<3200x1xi32>
      %eq3A_51 = vector.broadcast %broadcast_in_dim3A : vector<3200x1xi32> to vector<3200x128xi32>
      %eq3A_52 = arith.cmpi eq, %eq3A_51, %add3A_50 : vector<3200x128xi32>
      %convert_element_type3A_53 = arith.extui %eq3A_52 : vector<3200x128xi1> to vector<3200x128xi32>
      %convert_element_type3A_54 = arith.sitofp %convert_element_type3A_53 : vector<3200x128xi32> to vector<3200x128xf32>
      %dot_general3A = arith.constant dense<0.000000e+00> : vector<128x128xf32>
      %dot_general3A_55 = tpu.matmul %convert_element_type3A_54, %get3A_18, %dot_general3A {dimension_numbers = #tpu.dot_dimension_numbers<[0], [0], [1], [1], [0, 1, 1, 1], [], []>, transpose_lhs_hint = false} : vector<3200x128xf32>, vector<3200x128xf32>, vector<128x128xf32> -> vector<128x128xf32>
      %get3A_56 = arith.index_cast %add3A_48 : i32 to index
      %get3A_57 = arith.constant 0 : index
      %get3A_58 = vector.load %arg3[%get3A_56, %get3A_57] : memref<10256x128xf32, #tpu.memory_space<vmem>>, vector<128x128xf32>
      %add3A_59 = arith.addf %get3A_58, %dot_general3A_55 : vector<128x128xf32>
      %swap3A = arith.index_cast %add3A_48 : i32 to index
      %swap3A_60 = arith.constant 0 : index
      %swap3A_61 = vector.load %arg3[%swap3A, %swap3A_60] : memref<10256x128xf32, #tpu.memory_space<vmem>>, vector<128x128xf32>
      tpu.vector_store %arg3[%swap3A, %swap3A_60], %add3A_59 {strides = array<i32>} : memref<10256x128xf32, #tpu.memory_space<vmem>>, vector<128x128xf32>,
    }
    %while3A_45 = arith.constant 1 : i32
    scf.for %while3A_46 = %while3A_43 to %while3A_39 step %while3A_45  : i32 {
      %mul3A = arith.constant 128 : i32
      %mul3A_47 = arith.muli %while3A_46, %mul3A : i32
      %add3A_48 = arith.addi %reduce_min3A_9, %mul3A_47 : i32
      %iota3A = tpu.iota {dimensions = array<i32: 1>} : vector<3200x128xi32>
      %add3A_49 = vector.broadcast %add3A_48 : i32 to vector<3200x128xi32>
      %add3A_50 = arith.addi %add3A_49, %iota3A : vector<3200x128xi32>
      %broadcast_in_dim3A = vector.shape_cast %get3A_5 : vector<3200xi32> to vector<3200x1xi32>
      %eq3A_51 = vector.broadcast %broadcast_in_dim3A : vector<3200x1xi32> to vector<3200x128xi32>
      %eq3A_52 = arith.cmpi eq, %eq3A_51, %add3A_50 : vector<3200x128xi32>
      %convert_element_type3A_53 = arith.extui %eq3A_52 : vector<3200x128xi1> to vector<3200x128xi32>
      %convert_element_type3A_54 = arith.sitofp %convert_element_type3A_53 : vector<3200x128xi32> to vector<3200x128xf32>
      %dot_general3A = arith.constant dense<0.000000e+00> : vector<128x128xf32>
      %dot_general3A_55 = tpu.matmul %convert_element_type3A_54, %get3A_18, %dot_general3A {dimension_numbers = #tpu.dot_dimension_numbers<[0], [0], [1], [1], [0, 1, 1, 1], [], []>, transpose_lhs_hint = false} : vector<3200x128xf32>, vector<3200x128xf32>, vector<128x128xf32> -> vector<128x128xf32>
      %get3A_56 = arith.index_cast %add3A_48 : i32 to index
      %get3A_57 = arith.constant 0 : index
      %get3A_58 = vector.load %arg3[%get3A_56, %get3A_57] : memref<10256x128xf32, #tpu.memory_space<vmem>>, vector<128x128xf32>
      %add3A_59 = arith.addf %get3A_58, %dot_general3A_55 : vector<128x128xf32>
      %swap3A = arith.index_cast %add3A_48 : i32 to index
      %swap3A_60 = arith.constant 0 : index
      %swap3A_61 = vector.load %arg3[%swap3A, %swap3A_60] : memref<10256x128xf32, #tpu.memory_space<vmem>>, vector<128x128xf32>
      tpu.vector_store %arg3[%swap3A, %swap3A_60], %add3A_59 {strides = array<i32>} : memref<10256x128xf32, #tpu.memory_space<vmem>>, vector<128x128xf32>,
    }
    return
  }
  func.func @transform_0(%arg0: i32) -> (i32, i32, i32) {
    %lt3A = arith.constant 30 : i32
    %lt3A_0 = arith.cmpi slt, %arg0, %lt3A : i32
    %add3A = arith.constant 40 : i32
    %add3A_1 = arith.addi %arg0, %add3A : i32
    %select_n3A = arith.select %lt3A_0, %arg0, %add3A_1 : i32
    %c0_i32 = arith.constant 0 : i32
    %c0_i32_2 = arith.constant 0 : i32
    %c0_i32_3 = arith.constant 0 : i32
    return %select_n3A, %c0_i32, %c0_i32_2 : i32, i32, i32
  }
  func.func @transform_1(%arg0: i32) -> (i32, i32, i32) {
    %lt3A = arith.constant 30 : i32
    %lt3A_0 = arith.cmpi slt, %arg0, %lt3A : i32
    %add3A = arith.constant 40 : i32
    %add3A_1 = arith.addi %arg0, %add3A : i32
    %select_n3A = arith.select %lt3A_0, %arg0, %add3A_1 : i32
    %c0_i32 = arith.constant 0 : i32
    %c0_i32_2 = arith.constant 0 : i32
    %c0_i32_3 = arith.constant 0 : i32
    return %select_n3A, %c0_i32, %c0_i32_2 : i32, i32, i32
  }
  func.func @transform_2(%arg0: i32) -> (i32, i32) {
    %c0_i32 = arith.constant 0 : i32
    %c0_i32_0 = arith.constant 0 : i32
    %c0_i32_1 = arith.constant 0 : i32
    return %c0_i32, %c0_i32_0 : i32, i32
  }
}

</mosaic_0001>

<sc_bundles>
// kernel: kernel.5.cloned.1.call-start
scs
__scs_entry_jumppad:
0x0: {  	(pc) =	sbr.rel $0x88, $3  }
0x1: {  	(tag) =	ssettag $0x0;
	lr =	simm.s32 $0x1  }
0x2: {  	[smem:$0x3F9F] =	sst lr;
	_ =	strace $0xD0000000  }
0x3: {  	_ = 	snop  }
0x4: {  	_ = 	snop  }
0x5: {  	_ = 	snop  }
0x6: {  	_ = 	snop  }
0x7: {  	_ = 	snop  }
__scs_overlays_trampoline_lowered:
0x8: {  	[smem:$0x3FAE] =	sst s0  }
0x9: {  	[smem:$0x3FAF] =	sst s1  }
0xa: {  	[smem:$0x3FB0] =	sst s2  }
0xb: {  	[smem:$0x3FB1] =	sst s3  }
0xc: {  	[smem:$0x3FB2] =	sst s4  }
0xd: {  	[smem:$0x3FB3] =	sst s5  }
0xe: {  	[smem:$0x3FB4] =	sst s6  }
0xf: {  	[smem:$0x3FB5] =	sst s7  }
0x10: {  	[smem:$0x3FB6] =	sst s8  }
0x11: {  	[smem:$0x3FB7] =	sst s9;
	s0 =	simm.s32 @!p0 $0x0  }
0x12: {  	s1 =	sld [smem:$0x3F9D];
	s0 =	simm.s32 @p0 $0x1  }
0x13: {  	[smem:$0x3FB8] =	sst s0;
	s0 =	simm.s32 @!p1 $0x0  }
0x14: {  	s2 =	sld [smem:$0x3F9C];
	s0 =	simm.s32 @p1 $0x1  }
0x15: {  	[smem:$0x3FB9] =	sst s0;
	s0 =	simm.s32 @!p2 $0x0  }
0x16: {  	s3 =	sld [smem:$0x3FDB];
	s0 =	simm.s32 @p2 $0x1  }
0x17: {  	s4 =	simm.s32 $0x1BF5;
	[smem:$0x3FBB] =	sst s0  }
0x18: {  	s0 =	sld [smem:$0x3F9E];
	_ =	swait.ge [sflag:s4], $0x0  }
0x19: {  	s7 =	sld [smem:$0x3F9F]  }
0x1a: {  	s8 =	sadd.s32 $0xFFFFE003, lr  }
0x1b: {  	s9 =	sadd.s32 $0xFFFFFEF7, lr;
	s5 =	simm.s32 $0xFFFFFFFF;
	p2 =	slt.u32 s8, $0xFFFFF086  }
0x1c: {  	p1 =	slt.u32 s9, $0xF7A;
	s5 =	simm.s32 @!p2 $0x0  }
0x1d: {  	s5 =	simm.s32 @p1 $0x1;
	p0 =	seq.s32 s7, s2  }
0x1e: {  	s7 =	smul.u32 @!p0 $0xF7A, s2;
	p2 =	seq.s32 @!p0 s5, $0x0  }
0x1f: {  	s9 =	smul.u32 $0xF7A, s1;
	s8 =	simm.s32 @!p0 $0x1BF5;
	p2 =	por !p2, p0  }
0x20: {  	[sflag:s8] =	ssyncset.s32 @!p0 $0xFFFFF086;
	s6 =	sadd.s32 @!p0 s3, s7;
	s7 =	simm.s32 @!p0 $0x108  }
0x21: {  	s3 =	sadd.s32 s3, s9;
	s6 =	sadd.s32 @!p0 $0x88, s6;
	s7 =	simm.s32 @p2 $0x1082  }
0x22: {  	[simem:s7], [sflag:s8] =	dma.local @!p0 [hbm:s6], $0xF7A  }
0x23: {  	s9 =	sor.u32 $0xD0000000, s2;
	s6 =	simm.s32 $0x108;
	_ =	swait.ge @!p0 [sflag:s8], $0x0  }
0x24: {  	s3 =	sadd.s32 $0x88, s3;
	s6 =	simm.s32 @!p1 $0x1082;
	[sflag:s4] =	ssyncset.s32 $0xFFFFF086  }
0x25: {  	[simem:s6], [sflag:s4] =	dma.local [hbm:s3], $0xF7A  }
0x26: {  	[smem:$0x3F9F] =	sst s1;
	(tag) =	ssettag s2;
	_ =	strace s9  }
0x27: {  	s1 =	sld [smem:$0x3FAF]  }
0x28: {  	s2 =	sld [smem:$0x3FB0]  }
0x29: {  	s4 =	sld [smem:$0x3FB2]  }
0x2a: {  	p0 =	seq.s32 s5, $0x0;
	s5 =	sld [smem:$0x3FB3]  }
0x2b: {  	s6 =	sld [smem:$0x3FB4]  }
0x2c: {  	s7 =	sld [smem:$0x3FB5]  }
0x2d: {  	s3 =	simm.s32 $0x108;
	s8 =	sld [smem:$0x3FB6]  }
0x2e: {  	s3 =	simm.s32 @!p0 $0x1082;
	s9 =	sld [smem:$0x3FB7]  }
0x2f: {  	lr =	sadd.s32 s0, s3;
	s0 =	sld [smem:$0x3FAE]  }
0x30: {  	s3 =	sld [smem:$0x3FB1]  }
0x31: {  	[smem:$0x3FBA] =	sst s10  }
0x32: {  	s10 =	sld [smem:$0x3FB8];
	_ =	sdelay $0x3  }
0x33: {  	p0 =	seq.s32 s10, $0x1;
	s10 =	sld [smem:$0x3FBA];
	_ =	sdelay $0x3  }
0x34: {  	[smem:$0x3FBA] =	sst s10  }
0x35: {  	s10 =	sld [smem:$0x3FB9];
	_ =	sdelay $0x3  }
0x36: {  	p1 =	seq.s32 s10, $0x1;
	s10 =	sld [smem:$0x3FBA];
	_ =	sdelay $0x3  }
0x37: {  	[smem:$0x3FBA] =	sst s10  }
0x38: {  	s10 =	sld [smem:$0x3FBB]  }
0x39: {  	_ = 	snop;
	(pc) =	sbr.ind lr, $3  }
0x3a: {  	_ = 	snop  }
0x3b: {  	_ = 	snop  }
0x3c: {  	p2 =	seq.s32 s10, $0x1;
	s10 =	sld [smem:$0x3FBA]  }
0x3d: {  	_ =	shalt  }
0x3e: {  	_ =	shalt  }
0x3f: {  	_ =	shalt  }
0x40: {  	_ =	shalt  }
0x41: {  	_ =	shalt  }
0x42: {  	_ =	shalt  }
0x43: {  	_ =	shalt  }
0x44: {  	_ =	shalt  }
0x45: {  	_ =	shalt  }
0x46: {  	_ =	shalt  }
0x47: {  	_ =	shalt  }
0x48: {  	_ =	shalt  }
0x49: {  	_ =	shalt  }
0x4a: {  	_ =	shalt  }
0x4b: {  	_ =	shalt  }
0x4c: {  	_ =	shalt  }
0x4d: {  	_ =	shalt  }
0x4e: {  	_ =	shalt  }
0x4f: {  	_ =	shalt  }
0x50: {  	_ =	shalt  }
0x51: {  	_ =	shalt  }
0x52: {  	_ =	shalt  }
0x53: {  	_ =	shalt  }
0x54: {  	_ =	shalt  }
0x55: {  	_ =	shalt  }
0x56: {  	_ =	shalt  }
0x57: {  	_ =	shalt  }
0x58: {  	_ =	shalt  }
0x59: {  	_ =	shalt  }
0x5a: {  	_ =	shalt  }
0x5b: {  	_ =	shalt  }
0x5c: {  	_ =	shalt  }
0x5d: {  	_ =	shalt  }
0x5e: {  	_ =	shalt  }
0x5f: {  	_ =	shalt  }
0x60: {  	_ =	shalt  }
0x61: {  	_ =	shalt  }
0x62: {  	_ =	shalt  }
0x63: {  	_ =	shalt  }
0x64: {  	_ =	shalt  }
0x65: {  	_ =	shalt  }
0x66: {  	_ =	shalt  }
0x67: {  	_ =	shalt  }
0x68: {  	_ =	shalt  }
0x69: {  	_ =	shalt  }
0x6a: {  	_ =	shalt  }
0x6b: {  	_ =	shalt  }
0x6c: {  	_ =	shalt  }
0x6d: {  	_ =	shalt  }
0x6e: {  	_ =	shalt  }
0x6f: {  	_ =	shalt  }
0x70: {  	_ =	shalt  }
0x71: {  	_ =	shalt  }
0x72: {  	_ =	shalt  }
0x73: {  	_ =	shalt  }
0x74: {  	_ =	shalt  }
0x75: {  	_ =	shalt  }
0x76: {  	_ =	shalt  }
0x77: {  	_ =	shalt  }
0x78: {  	_ =	shalt  }
0x79: {  	_ =	shalt  }
0x7a: {  	_ =	shalt  }
0x7b: {  	_ =	shalt  }
0x7c: {  	_ =	shalt  }
0x7d: {  	_ =	shalt  }
0x7e: {  	_ =	shalt  }
0x7f: {  	_ =	shalt  }
0x80: {  	_ =	shalt  }
0x81: {  	_ =	shalt  }
0x82: {  	_ =	shalt  }
0x83: {  	_ =	shalt  }
0x84: {  	_ =	shalt  }
0x85: {  	_ =	shalt  }
0x86: {  	_ =	shalt  }
0x87: {  	_ =	shalt  }
.Lfunc_end0:
.L_simem_size_0:
called_computation_lowered:
.L_overlay_start_0:
0x88: {  	s2 =	sld [smem:$0x3FD9]  }
0x89: {  	s3 =	sld [smem:$0x3FFE];
	_ =	sdelay $0x1  }
0x8a: {  	s1 =	srdreg.scid  }
0x8b: {  	s0 =	sand.u32 $0x1, s1  }
0x8c: {  	s17 =	sshll.u32 s0, $0xA;
	s2 =	sadd.s32 s3, s2  }
0x8d: {  	s2 =	sadd.s32 s2, s17  }
0x8e: {  	[smem:$0x3FC6] =	sst s2  }
0x8f: {  	_ = 	snop  }
0x90: {  	s2 =	sld [smem:$0x3FC9]  }
0x91: {  	s18 =	sld [smem:$0x3FC8];
	(tm) =	ssettm $0x1  }
0x92: {  	s4 =	sld [smem:$0x3FFB];
	_ =	sdelay $0x3  }
0x93: {  	_ =	strace s4  }
0x94: {  	s4 =	sld [smem:$0x3FFC];
	_ =	sdelay $0x3  }
0x95: {  	_ =	strace s4  }
0x96: {  	s4 =	sld [smem:$0x3FFD];
	_ =	sdelay $0x3  }
0x97: {  	_ =	strace s4  }
0x98: {  	_ =	strace $0x8FFFFFFF  }
0x99: {  	s19 =	sld [smem:$0x3FDB];
	_ =	sdelay $0x1  }
0x9a: {  	s5 =	simm.s32 $_scs_section_size  }
0x9b: {  	s6 =	simm.s32 $_size__tile_overlayer_lowered;
	s7 =	simm.s32 $_tile_overlayer_lowered  }
0x9c: {  	s22 =	simm.s32 $0x1BFF;
	s21 =	sshll.u32 s7, $0x1;
	s4 =	sadd.s32 s5, s19  }
0x9d: {  	s8 =	simm.s32 $0x0;
	s20 =	sshll.u32 s6, $0x1;
	s6 =	sadd.s32 s21, s4  }
0x9e: {  	[timem:s8], [sflag:s22] =	dma.local [hbm:s6], s20  }
0x9f: {  	_ =	swait.ge [sflag:s22], s20  }
0xa0: {  	s5 =	ssub.s32 $0x0, s20;
	[sflag:s22] =	ssyncset.done $0x0  }
0xa1: {  	[sflag:s22] =	ssyncadd.s32 s5;
	_ =	sdelay $0x1  }
0xa2: {  	s23 =	simm.s32 $0x1B8B  }
0xa3: {  	_ =	swait.ge [sflag:s23], $0x1  }
0xa4: {  	[sflag:s23] =	ssyncset.done $0x0  }
0xa5: {  	s25 =	simm.s32 $0x1B8E;
	s24 =	sld [smem:$0x3FFE];
	[sflag:s23] =	ssyncadd.s32 $0xFFFFFFFF  }
0xa6: {  	s26 =	simm.s32 $execute0_lowered;
	[smem:$0x3FD2] =	sst s25  }
0xa7: {  	s6 =	sshll.u32 s26, $0x1;
	_ =	strace $0x80000046;
	[dreg:$0x1] =	wrdreg $0xFFFFFFFF  }
0xa8: {  	s28 =	simm.s32 $_size_execute0_lowered;
	s4 =	sadd.s32 s4, s6;
	[dreg:$0x0] =	wrdreg $0x0  }
0xa9: {  	s6 =	sshll.u32 s28, $0x1;
	[dreg:$0x2] =	wrdreg s4  }
0xaa: {  	[dreg:$0x3] =	wrdreg s6  }
0xab: {  	[dreg:$0x4] =	wrdreg $0xC0  }
0xac: {  	_ =	task [dreg:s8], $0x5FFFF  }
0xad: {  	[dreg:$0x1] =	wrdreg $0xFFFFFFFF  }
0xae: {  	[dreg:$0x0] =	wrdreg $0x60  }
0xaf: {  	[dreg:$0x2] =	wrdreg s2  }
0xb0: {  	[dreg:$0x3] =	wrdreg s18  }
0xb1: {  	[dreg:$0x4] =	wrdreg s24  }
0xb2: {  	[dreg:$0x5] =	wrdreg $0x112000  }
0xb3: {  	[dreg:$0x6] =	wrdreg $0x9  }
0xb4: {  	_ =	task.clear_ibuf [dreg:s8], $0x7FFFF;
	_ =	strace $0x90000046  }
0xb5: {  	s29 =	simm.s32 $0x9;
	_ =	strace $0x80000048  }
0xb6: {  	_ =	swait.ge [sflag:s29], $0x1  }
0xb7: {  	[sflag:s29] =	ssyncadd.s32 $0xFFFFFFFF  }
0xb8: {  	_ =	strace $0x90000048  }
0xb9: {  	_ =	sfence  }
0xba: {  	s30 =	sld [smem:$0x0];
	_ =	sdelay $0x2  }
0xbb: {  	s31 =	sshll.u32 s1, $0xD;
	s1 =	sshrl.u32 s1, $0x2  }
0xbc: {  	s3 =	sand.u32 $0x4000, s31;
	s1 =	sadd.s32 s1, s30  }
0xbd: {  	s0 =	sor.u32 s3, s0;
	s1 =	sshll.u32 s1, $0x11  }
0xbe: {  	s0 =	sor.u32 s1, s0  }
0xbf: {  	s0 =	sadd.s32 $0x8F2B, s0  }
0xc0: {  	[sflag:s0] =	ssyncadd.remote.s32 $0x1  }
0xc1: {  	_ =	sfence.sel $0xFFFF  }
0xc2: {  	[dreg:$0x0] =	wrdreg $0xFFFFFFFF;
	(pc) =	sbr.abs _section_cstart, $3  }
0xc3: {  	[dreg:$0x1] =	wrdreg $0xFFFFFFFF  }
0xc4: {  	_ =	task.clear_ibuf [dreg:s8], $0x2FFFF;
	_ =	strace $0x9FFFFFFF  }
0xc5: {  	(tm) =	ssettm $0x7FFFFFFF  }
tec
execute0_lowered:
.L_overlay_start_1:
0x0: {  	(tag) =	ssettag $0x1  }
0x1: {  	s1 =	rddreg [dreg:$0x0]  }
0x2: {  	s0 =	rddreg [dreg:$0x1]  }
0x3: {  	s3 =	rddreg [dreg:$0x2]  }
0x4: {  	s2 =	rddreg [dreg:$0x3]  }
0x5: {  	s4 =	simm.s32 $0x0;
	s5 =	srdreg.scid;
	s11 =	stileid.u32  }
0x6: {  	s22 =	simm.s32 $0xC800;
	s28 =	simm.s32 $0x50;
	s8 =	smul.u32 $0x1F40, s11  }
0x7: {  	s29 =	simm.s32 $0x2;
	s30 =	simm.s32 $0x3;
	s10 =	smul.u32 $0x28000, s11  }
0x8: {  	s31 =	simm.s32 $0x4;
	s7 =	sand.u32 $0x1, s5;
	s23 =	smul.u32 $0xA000, s11  }
0x9: {  	[smem:$0x7FF] =	sst s4;
	s3 =	sadd.s32 $0x800, s3;
	s5 =	smul.u32 $0x1388, s7  }
0xa: {  	_ =	strace $0x80000047;
	s6 =	ssub.s32 $0x2, s7;
	s7 =	smul.u32 $0xA0000, s7  }
0xb: {  	[dreg:$0x6] =	wrdreg s22;
	s9 =	sshrl.u32 s6, $0x1;
	s10 =	sshrl.u32 s10, $0x2  }
0xc: {  	s25 =	sadd.s32 $0x2800, s23;
	s26 =	sadd.s32 $0x5000, s23;
	s9 =	ssub.s32 s6, s9  }
0xd: {  	s6 =	sadd.s32 $0x17700, s8;
	s13 =	sadd.s32 s10, s2;
	s17 =	sadd.s32 s23, s7  }
0xe: {  	s15 =	sadd.s32 s26, s2;
	s8 =	sadd.s32 $0x7800, s23;
	s23 =	simm.s32 $0xC880  }
0xf: {  	s10 =	sadd.s32 s7, s26;
	s26 =	simm.s32 $0xCA00;
	[dreg:$0x7] =	wrdreg s23  }
0x10: {  	s22 =	simm.s32 $0x1;
	s14 =	sadd.s32 s25, s2;
	[dreg:$0xa] =	wrdreg s26  }
0x11: {  	s12 =	sadd.s32 $0x1388, s5;
	s24 =	sshrl.u32 s6, $0x3;
	[dreg:$0xc] =	wrdreg s13  }
0x12: {  	s11 =	sshrl.u32 s17, $0x3;
	s16 =	sadd.s32 s8, s2;
	[dreg:$0xd] =	wrdreg s14  }
0x13: {  	s18 =	sshrl.u32 s10, $0x3;
	s21 =	smax.u32 s9, $0x1;
	[dreg:$0xe] =	wrdreg s15  }
0x14: {  	s17 =	simm.s32 $0xEA00;
	s23 =	simm.s32 $0x2800;
	[dreg:$0x14] =	wrdreg s21  }
0x15: {  	s26 =	simm.s32 $0xA000;
	s0 =	sadd.s32 s0, s24;
	[dreg:$0xf] =	wrdreg s16  }
0x16: {  	s11 =	sadd.s32 s3, s11;
	s19 =	sadd.s32 s3, s18;
	[dreg:$0xb] =	wrdreg s0  }
0x17: {  	s24 =	simm.s32 $0xC900;
	s18 =	simm.s32 $0x0;
	[dreg:$0x10] =	wrdreg s11  }
0x18: {  	s0 =	sadd.s32 s7, s25;
	s7 =	sadd.s32 s7, s8;
	[dreg:$0x12] =	wrdreg s19  }
.Ltmp0:
0x19: {  	[dreg:$0x8] =	wrdreg s24;
	s25 =	simm.s32 $0xC980;
	(pc) =	sbr.rel .LBB2_1-.Ltmp0, $4  }
0x1a: {  	s24 =	simm.s32 $0x5000;
	s0 =	sshrl.u32 s0, $0x3;
	s7 =	sshrl.u32 s7, $0x3  }
0x1b: {  	[dreg:$0x9] =	wrdreg s25;
	s25 =	simm.s32 $0x7800;
	s0 =	sadd.s32 s3, s0  }
0x1c: {  	s20 =	sadd.s32 s3, s7;
	s3 =	simm.s32 $0x6;
	[dreg:$0x11] =	wrdreg s0  }
0x1d: {  	v0 =	vimm.f32 $0.0e+00;
	[dreg:$0x13] =	wrdreg s20;
	s20 =	simm.s32 $0xC;
	s0 =	simm.s32 $0x5  }
.LBB2_7:
0x1e: {  	_ = 	snop  }
.LBB2_12:
0x1f: {  	p1 =	por !p2, !p0  }
0x20: {  	[tilespmem:s17], [sflag:$0x3] =	stream.linear.gather @!p1 [hbm4b:s10+s21], $0x2800, $0x38;
	[tilespmem:$0x1B200] =	vst v63  }
0x21: {  	s7 =	smul.u32 @!p1 $0x50, s9;
	_ =	swait.ge @!p1 [sflag:s8], $0x2800  }
0x22: {  	s9 =	simm.s32 @!p1 $0xA;
	[sflag:s8] =	ssyncset.done @!p1 $0x0  }
0x23: {  	s7 =	sadd.s32 @!p1 s6, s7;
	[sflag:s8] =	ssyncadd.s32 @!p1 $0xFFFFD800;
	s8 =	simm.s32 @!p1 $0x7800  }
0x24: {  	[tilespmem:s8], [sflag:$0x4] =	stream.linear.gather @!p1 [hbm4b:s11+s21], $0x2800, $0x38;
	[tilespmem:$0x1B200] =	vst v63  }
0x25: {  	s7 =	sshll.u32 @!p1 s7, $0x4;
	_ =	swait.ge @!p1 [sflag:s9], $0x2800  }
0x26: {  	p0 =	por p2, !p0;
	s7 =	sadd.s32 @!p1 s1, s7;
	[sflag:s9] =	ssyncset.done @!p1 $0x0  }
0x27: {  	s8 =	simm.s32 @!p1 $0xA000;
	[sflag:s9] =	ssyncadd.s32 @!p1 $0xFFFFD800;
	s9 =	simm.s32 @!p0 $0x7  }
0x28: {  	[tilespmem:s8], [sflag:$0x5] =	stream.linear.gather @!p1 [hbm4b:s7+s21], $0x2800, $0x38;
	[tilespmem:$0x1B200] =	vst v63  }
0x29: {  	_ =	swait.ge @!p0 [sflag:s9], $0x2800  }
0x2a: {  	[sflag:s9] =	ssyncset.done @!p0 $0x0  }
0x2b: {  	s7 =	simm.s32 @!p0 $0x8;
	[sflag:s9] =	ssyncadd.s32 @!p0 $0xFFFFD800  }
0x2c: {  	_ =	swait.ge @!p0 [sflag:s7], $0x2800  }
0x2d: {  	[sflag:s7] =	ssyncset.done @!p0 $0x0  }
0x2e: {  	[sflag:s7] =	ssyncadd.s32 @!p0 $0xFFFFD800;
	s7 =	simm.s32 @!p0 $0x9  }
0x2f: {  	_ =	swait.ge @!p0 [sflag:s7], $0x2800  }
0x30: {  	p1 =	slt.s32 s16, $0x63;
	s8 =	smov.u32 s16;
	[sflag:s7] =	ssyncset.done @!p0 $0x0  }
0x31: {  	s8 =	simm.s32 @!p1 $0x63;
	[sflag:s7] =	ssyncadd.s32 @!p0 $0xFFFFD800;
	s7 =	simm.s32 @!p0 $0xA  }
0x32: {  	s8 =	smul.u32 $0x140, s8;
	_ =	swait.ge @!p0 [sflag:s7], $0x2800  }
0x33: {  	[sflag:s7] =	ssyncset.done @!p0 $0x0  }
0x34: {  	s8 =	sshra.s32 s8, $0x2;
	[sflag:s7] =	ssyncadd.s32 @!p0 $0xFFFFD800  }
0x35: {  	v1 =	vld [tilespmem:s8+$0xCA80];
	_ =	sdelay $0x1  }
0x36: {  	p0 =	slt.s32 s16, $0x64;
	s7 =	simm.s32 $0x0  }
0x37: {  	s7 =	simm.s32 @!p0 $0x100000  }
0x38: {  	s7 =	ssub.s32 s7, s5  }
0x39: {  	v1 =	vadd.s32 s7, v1  }
0x3a: {  	v1 =	vmin.u32 v1, $0x1388  }
0x3b: {  	[tilespmem:$0xC800] =	vst v1  }
0x3c: {  	v1 =	vld [tilespmem:s8+$0xCA90];
	_ =	sdelay $0x4  }
0x3d: {  	v1 =	vadd.s32 s7, v1  }
0x3e: {  	v1 =	vmin.u32 v1, $0x1388  }
0x3f: {  	[tilespmem:$0xC810] =	vst v1  }
0x40: {  	v1 =	vld [tilespmem:s8+$0xCAA0];
	_ =	sdelay $0x4  }
0x41: {  	v1 =	vadd.s32 s7, v1  }
0x42: {  	v1 =	vmin.u32 v1, $0x1388  }
0x43: {  	[tilespmem:$0xC820] =	vst v1  }
0x44: {  	v1 =	vld [tilespmem:s8+$0xCAB0];
	_ =	sdelay $0x4  }
0x45: {  	v1 =	vadd.s32 s7, v1  }
0x46: {  	v1 =	vmin.u32 v1, $0x1388  }
0x47: {  	[tilespmem:$0xC830] =	vst v1  }
0x48: {  	v1 =	vld [tilespmem:s8+$0xCAC0];
	_ =	sdelay $0x1  }
0x49: {  	s8 =	sadd.s32 $0x1, s16  }
0x4a: {  	p1 =	slt.s32 s8, $0x63  }
0x4b: {  	p0 =	slt.s32 s8, $0x64;
	s8 =	simm.s32 @!p1 $0x63  }
0x4c: {  	s11 =	smul.u32 $0x140, s8;
	v1 =	vadd.s32 s7, v1  }
0x4d: {  	v1 =	vmin.u32 v1, $0x1388  }
0x4e: {  	s7 =	sshra.s32 s11, $0x2;
	[tilespmem:$0xC840] =	vst v1  }
0x4f: {  	v1 =	vld [tilespmem:s7+$0xCA80];
	_ =	sdelay $0x1  }
0x50: {  	s8 =	simm.s32 $0x0  }
0x51: {  	s8 =	simm.s32 @!p0 $0x100000  }
0x52: {  	s8 =	ssub.s32 s8, s5  }
0x53: {  	v1 =	vadd.s32 s8, v1  }
0x54: {  	v1 =	vmin.u32 v1, $0x1388  }
0x55: {  	[tilespmem:$0xC880] =	vst v1  }
0x56: {  	v1 =	vld [tilespmem:s7+$0xCA90];
	_ =	sdelay $0x4  }
0x57: {  	v1 =	vadd.s32 s8, v1  }
0x58: {  	v1 =	vmin.u32 v1, $0x1388  }
0x59: {  	[tilespmem:$0xC890] =	vst v1  }
0x5a: {  	v1 =	vld [tilespmem:s7+$0xCAA0];
	_ =	sdelay $0x4  }
0x5b: {  	v1 =	vadd.s32 s8, v1  }
0x5c: {  	v1 =	vmin.u32 v1, $0x1388  }
0x5d: {  	[tilespmem:$0xC8A0] =	vst v1  }
0x5e: {  	v1 =	vld [tilespmem:s7+$0xCAB0];
	_ =	sdelay $0x4  }
0x5f: {  	v1 =	vadd.s32 s8, v1  }
0x60: {  	v1 =	vmin.u32 v1, $0x1388  }
0x61: {  	[tilespmem:$0xC8B0] =	vst v1  }
0x62: {  	v1 =	vld [tilespmem:s7+$0xCAC0];
	_ =	sdelay $0x1  }
0x63: {  	s7 =	sadd.s32 $0x2, s16  }
0x64: {  	p1 =	slt.s32 s7, $0x63  }
0x65: {  	p0 =	slt.s32 s7, $0x64;
	s7 =	simm.s32 @!p1 $0x63  }
0x66: {  	s7 =	smul.u32 $0x140, s7;
	v1 =	vadd.s32 s8, v1  }
0x67: {  	v1 =	vmin.u32 v1, $0x1388  }
0x68: {  	s7 =	sshra.s32 s7, $0x2;
	[tilespmem:$0xC8C0] =	vst v1  }
0x69: {  	v1 =	vld [tilespmem:s7+$0xCA80];
	_ =	sdelay $0x1  }
0x6a: {  	s8 =	simm.s32 $0x0  }
0x6b: {  	s8 =	simm.s32 @!p0 $0x100000  }
0x6c: {  	s8 =	ssub.s32 s8, s5  }
0x6d: {  	v1 =	vadd.s32 s8, v1  }
0x6e: {  	v1 =	vmin.u32 v1, $0x1388  }
0x6f: {  	[tilespmem:$0xC900] =	vst v1  }
0x70: {  	v1 =	vld [tilespmem:s7+$0xCA90];
	_ =	sdelay $0x4  }
0x71: {  	v1 =	vadd.s32 s8, v1  }
0x72: {  	v1 =	vmin.u32 v1, $0x1388  }
0x73: {  	[tilespmem:$0xC910] =	vst v1  }
0x74: {  	v1 =	vld [tilespmem:s7+$0xCAA0];
	_ =	sdelay $0x4  }
0x75: {  	v1 =	vadd.s32 s8, v1  }
0x76: {  	v1 =	vmin.u32 v1, $0x1388  }
0x77: {  	[tilespmem:$0xC920] =	vst v1  }
0x78: {  	v1 =	vld [tilespmem:s7+$0xCAB0];
	_ =	sdelay $0x4  }
0x79: {  	v1 =	vadd.s32 s8, v1  }
0x7a: {  	v1 =	vmin.u32 v1, $0x1388  }
0x7b: {  	[tilespmem:$0xC930] =	vst v1  }
0x7c: {  	v1 =	vld [tilespmem:s7+$0xCAC0];
	_ =	sdelay $0x1  }
0x7d: {  	s7 =	sadd.s32 $0x3, s16  }
0x7e: {  	p1 =	slt.s32 s7, $0x63  }
0x7f: {  	p0 =	slt.s32 s7, $0x64;
	s7 =	simm.s32 @!p1 $0x63  }
0x80: {  	s7 =	smul.u32 $0x140, s7;
	v1 =	vadd.s32 s8, v1  }
0x81: {  	v1 =	vmin.u32 v1, $0x1388  }
0x82: {  	s7 =	sshra.s32 s7, $0x2;
	[tilespmem:$0xC940] =	vst v1  }
0x83: {  	v1 =	vld [tilespmem:s7+$0xCA80];
	_ =	sdelay $0x1  }
0x84: {  	s8 =	simm.s32 $0x0  }
0x85: {  	s8 =	simm.s32 @!p0 $0x100000  }
0x86: {  	s8 =	ssub.s32 s8, s5  }
0x87: {  	v1 =	vadd.s32 s8, v1  }
0x88: {  	v1 =	vmin.u32 v1, $0x1388  }
0x89: {  	[tilespmem:$0xC980] =	vst v1  }
0x8a: {  	v1 =	vld [tilespmem:s7+$0xCA90];
	_ =	sdelay $0x4  }
0x8b: {  	v1 =	vadd.s32 s8, v1  }
0x8c: {  	v1 =	vmin.u32 v1, $0x1388  }
0x8d: {  	[tilespmem:$0xC990] =	vst v1  }
0x8e: {  	v1 =	vld [tilespmem:s7+$0xCAA0];
	_ =	sdelay $0x4  }
0x8f: {  	v1 =	vadd.s32 s8, v1  }
0x90: {  	v1 =	vmin.u32 v1, $0x1388  }
0x91: {  	[tilespmem:$0xC9A0] =	vst v1  }
0x92: {  	v1 =	vld [tilespmem:s7+$0xCAB0];
	_ =	sdelay $0x4  }
0x93: {  	v1 =	vadd.s32 s8, v1  }
0x94: {  	v1 =	vmin.u32 v1, $0x1388  }
0x95: {  	[tilespmem:$0xC9B0] =	vst v1  }
0x96: {  	v1 =	vld [tilespmem:s7+$0xCAC0];
	_ =	sdelay $0x1  }
0x97: {  	s7 =	sadd.s32 $0x4, s16  }
0x98: {  	p1 =	slt.s32 s7, $0x63  }
0x99: {  	p0 =	slt.s32 s7, $0x64;
	s7 =	simm.s32 @!p1 $0x63  }
0x9a: {  	s7 =	smul.u32 $0x140, s7;
	v1 =	vadd.s32 s8, v1  }
0x9b: {  	v1 =	vmin.u32 v1, $0x1388  }
0x9c: {  	s7 =	sshra.s32 s7, $0x2;
	[tilespmem:$0xC9C0] =	vst v1  }
0x9d: {  	v1 =	vld [tilespmem:s7+$0xCA80];
	_ =	sdelay $0x1  }
0x9e: {  	s8 =	simm.s32 $0x0  }
0x9f: {  	s8 =	simm.s32 @!p0 $0x100000  }
0xa0: {  	s8 =	ssub.s32 s8, s5  }
0xa1: {  	v1 =	vadd.s32 s8, v1  }
0xa2: {  	v1 =	vmin.u32 v1, $0x1388  }
0xa3: {  	[tilespmem:$0xCA00] =	vst v1  }
0xa4: {  	v1 =	vld [tilespmem:s7+$0xCA90];
	_ =	sdelay $0x4  }
0xa5: {  	v1 =	vadd.s32 s8, v1  }
0xa6: {  	v1 =	vmin.u32 v1, $0x1388  }
0xa7: {  	[tilespmem:$0xCA10] =	vst v1  }
0xa8: {  	v1 =	vld [tilespmem:s7+$0xCAA0];
	_ =	sdelay $0x4  }
0xa9: {  	v1 =	vadd.s32 s8, v1  }
0xaa: {  	v1 =	vmin.u32 v1, $0x1388  }
0xab: {  	[tilespmem:$0xCA20] =	vst v1  }
0xac: {  	v1 =	vld [tilespmem:s7+$0xCAB0];
	_ =	sdelay $0x4  }
0xad: {  	v1 =	vadd.s32 s8, v1  }
0xae: {  	v1 =	vmin.u32 v1, $0x1388  }
0xaf: {  	[tilespmem:$0xCA30] =	vst v1  }
0xb0: {  	v1 =	vld [tilespmem:s7+$0xCAC0];
	_ =	sdelay $0x4  }
0xb1: {  	v1 =	vadd.s32 s8, v1  }
0xb2: {  	v1 =	vmin.u32 v1, $0x1388  }
0xb3: {  	[tilespmem:$0xCA40] =	vst v1  }
0xb4: {  	_ =	swait.ge [sflag:s22], $0x2800  }
0xb5: {  	[sflag:s22] =	ssyncset.done $0x0  }
0xb6: {  	s13 =	rddreg [dreg:$0x6];
	[sflag:s22] =	ssyncadd.s32 $0xFFFFD800  }
0xb7: {  	[spmem:s2] =	stream.indirect.scatter.add.f32 [tilespmem:s4], [sflag:$0x6], $0x80, s13, s28, $0xb8;
	[tilespmem:$0x1B200] =	vst v63  }
0xb8: {  	_ =	swait.ge [sflag:s29], $0x2800  }
0xb9: {  	[sflag:s29] =	ssyncset.done $0x0  }
0xba: {  	s15 =	rddreg [dreg:$0x7];
	[sflag:s29] =	ssyncadd.s32 $0xFFFFD800  }
0xbb: {  	[spmem:s2] =	stream.indirect.scatter.add.f32 [tilespmem:s23], [sflag:$0x7], $0x80, s15, s28, $0xb8;
	[tilespmem:$0x1B200] =	vst v63  }
0xbc: {  	_ =	swait.ge [sflag:s30], $0x2800  }
0xbd: {  	[sflag:s30] =	ssyncset.done $0x0  }
0xbe: {  	s17 =	rddreg [dreg:$0x8];
	[sflag:s30] =	ssyncadd.s32 $0xFFFFD800  }
0xbf: {  	[spmem:s2] =	stream.indirect.scatter.add.f32 [tilespmem:s24], [sflag:$0x8], $0x80, s17, s28, $0xb8;
	[tilespmem:$0x1B200] =	vst v63  }
0xc0: {  	_ =	swait.ge [sflag:s31], $0x2800  }
0xc1: {  	[sflag:s31] =	ssyncset.done $0x0  }
0xc2: {  	s18 =	rddreg [dreg:$0x9];
	[sflag:s31] =	ssyncadd.s32 $0xFFFFD800  }
0xc3: {  	[spmem:s2] =	stream.indirect.scatter.add.f32 [tilespmem:s25], [sflag:$0x9], $0x80, s18, s28, $0xb8;
	[tilespmem:$0x1B200] =	vst v63  }
0xc4: {  	_ =	swait.ge [sflag:s0], $0x2800  }
0xc5: {  	[sflag:s0] =	ssyncset.done $0x0  }
0xc6: {  	s19 =	rddreg [dreg:$0xa];
	[sflag:s0] =	ssyncadd.s32 $0xFFFFD800  }
0xc7: {  	[spmem:s2] =	stream.indirect.scatter.add.f32 [tilespmem:s26], [sflag:$0xA], $0x80, s19, s28, $0xb8;
	[tilespmem:$0x1B200] =	vst v63  }
0xc8: {  	_ =	swait.ge [sflag:s3], $0x2800  }
0xc9: {  	s21 =	rddreg [dreg:$0x5];
	[sflag:s3] =	ssyncset.done $0x0  }
0xca: {  	p0 =	slt.s32 s14, s21;
	[sflag:s3] =	ssyncadd.s32 $0xFFFFD800  }
0xcb: {  	s7 =	sadd.s32 @p0 $0x6, s16;
	s8 =	sadd.s32 @p0 $0x7, s16;
	s9 =	sadd.s32 @p0 $0x5, s16  }
0xcc: {  	s10 =	simm.s32 @p0 $0x9;
	s11 =	sadd.s32 @p0 $0x8, s16;
	p2 =	slt.s32 @p0 s9, $0x63  }
0xcd: {  	s13 =	simm.s32 @p0 $0x2800;
	s14 =	sadd.s32 @p0 $0x9, s16;
	p2 =	por !p2, !p0  }
0xce: {  	s15 =	simm.s32 @p0 $0x0;
	p1 =	slt.s32 @p0 s7, $0x63;
	s9 =	simm.s32 @p2 $0x63  }
0xcf: {  	p3 =	slt.s32 @p0 s8, $0x63;
	p1 =	por !p1, !p0;
	s9 =	smul.u32 @p0 $0x50, s9  }
0xd0: {  	s16 =	simm.s32 @p0 $0x7;
	s7 =	simm.s32 @p1 $0x63;
	p1 =	por !p3, !p0  }
0xd1: {  	s7 =	smul.u32 @p0 $0x50, s7;
	s8 =	simm.s32 @p1 $0x63;
	s9 =	sadd.s32 @p0 s6, s9  }
0xd2: {  	p1 =	slt.s32 @p0 s11, $0x63;
	s8 =	smul.u32 @p0 $0x50, s8;
	s9 =	sshll.u32 @p0 s9, $0x4  }
0xd3: {  	p1 =	por !p1, !p0;
	s7 =	sadd.s32 @p0 s6, s7;
	s9 =	sadd.s32 @p0 s1, s9  }
0xd4: {  	[tilespmem:s15], [sflag:$0x1] =	stream.linear.gather @p0 [hbm4b:s9+s15], $0x2800, $0x38;
	[tilespmem:$0x1B200] =	vst v63  }
0xd5: {  	s11 =	simm.s32 @p1 $0x63;
	s7 =	sshll.u32 @p0 s7, $0x4;
	_ =	swait.ge @p0 [sflag:s16], $0x2800  }
0xd6: {  	s8 =	sadd.s32 @p0 s6, s8;
	s7 =	sadd.s32 @p0 s1, s7;
	[sflag:s16] =	ssyncset.done @p0 $0x0  }
0xd7: {  	s9 =	smul.u32 @p0 $0x50, s11;
	s11 =	simm.s32 @p0 $0x8;
	[sflag:s16] =	ssyncadd.s32 @p0 $0xFFFFD800  }
0xd8: {  	[tilespmem:s13], [sflag:$0x2] =	stream.linear.gather @p0 [hbm4b:s7+s15], $0x2800, $0x38;
	[tilespmem:$0x1B200] =	vst v63  }
0xd9: {  	p1 =	slt.s32 @p0 s14, $0x63;
	s8 =	sshll.u32 @p0 s8, $0x4;
	_ =	swait.ge @p0 [sflag:s11], $0x2800  }
0xda: {  	p1 =	por !p1, !p0;
	s7 =	sadd.s32 @p0 s1, s8;
	[sflag:s11] =	ssyncset.done @p0 $0x0  }
0xdb: {  	s8 =	sadd.s32 @p0 s6, s9;
	s9 =	simm.s32 @p0 $0x5000;
	[sflag:s11] =	ssyncadd.s32 @p0 $0xFFFFD800  }
0xdc: {  	[tilespmem:s9], [sflag:$0x3] =	stream.linear.gather @p0 [hbm4b:s7+s15], $0x2800, $0x38;
	[tilespmem:$0x1B200] =	vst v63  }
0xdd: {  	s14 =	simm.s32 @p1 $0x63;
	s7 =	sshll.u32 @p0 s8, $0x4;
	_ =	swait.ge @p0 [sflag:s10], $0x2800  }
0xde: {  	s8 =	smul.u32 @p0 $0x50, s14;
	s9 =	simm.s32 @p0 $0xA;
	[sflag:s10] =	ssyncset.done @p0 $0x0  }
0xdf: {  	s7 =	sadd.s32 @p0 s1, s7;
	[sflag:s10] =	ssyncadd.s32 @p0 $0xFFFFD800;
	s10 =	simm.s32 @p0 $0x7800  }
0xe0: {  	[tilespmem:s10], [sflag:$0x4] =	stream.linear.gather @p0 [hbm4b:s7+s15], $0x2800, $0x38;
	[tilespmem:$0x1B200] =	vst v63  }
0xe1: {  	s8 =	sadd.s32 @p0 s6, s8;
	_ =	swait.ge @p0 [sflag:s9], $0x2800  }
0xe2: {  	s7 =	sshll.u32 @p0 s8, $0x4;
	s8 =	simm.s32 @p0 $0xA000;
	[sflag:s9] =	ssyncset.done @p0 $0x0  }
0xe3: {  	s7 =	sadd.s32 @p0 s1, s7;
	[sflag:s9] =	ssyncadd.s32 @p0 $0xFFFFD800;
	s9 =	simm.s32 @!p0 $0x7  }
0xe4: {  	[tilespmem:s8], [sflag:$0x5] =	stream.linear.gather @p0 [hbm4b:s7+s15], $0x2800, $0x38;
	[tilespmem:$0x1B200] =	vst v63  }
0xe5: {  	_ =	swait.ge @!p0 [sflag:s9], $0x2800  }
0xe6: {  	[sflag:s9] =	ssyncset.done @!p0 $0x0  }
0xe7: {  	s7 =	simm.s32 @!p0 $0x8;
	[sflag:s9] =	ssyncadd.s32 @!p0 $0xFFFFD800  }
0xe8: {  	_ =	swait.ge @!p0 [sflag:s7], $0x2800  }
0xe9: {  	[sflag:s7] =	ssyncset.done @!p0 $0x0  }
0xea: {  	[sflag:s7] =	ssyncadd.s32 @!p0 $0xFFFFD800;
	s7 =	simm.s32 @!p0 $0x9  }
0xeb: {  	_ =	swait.ge @!p0 [sflag:s7], $0x2800  }
0xec: {  	[sflag:s7] =	ssyncset.done @!p0 $0x0  }
0xed: {  	[sflag:s7] =	ssyncadd.s32 @!p0 $0xFFFFD800;
	s7 =	simm.s32 @!p0 $0xA  }
0xee: {  	_ =	swait.ge @!p0 [sflag:s7], $0x2800  }
0xef: {  	s13 =	rddreg [dreg:$0xc]  }
0xf0: {  	s14 =	rddreg [dreg:$0xd]  }
0xf1: {  	s15 =	rddreg [dreg:$0xe]  }
0xf2: {  	[sflag:s7] =	ssyncset.done @!p0 $0x0;
	s16 =	rddreg [dreg:$0xf]  }
0xf3: {  	s17 =	simm.s32 $0xEA00;
	s18 =	rddreg [dreg:$0x15];
	[sflag:s7] =	ssyncadd.s32 @!p0 $0xFFFFD800  }
.LBB2_13:
0xf4: {  	[bflag:$0x0] =	sbarrier.arrive $0xFFFF  }
0xf5: {  	[tilespmem:s17], [sflag:$0xC] =	stream.linear.gather [spmem:s13], $0x2800, $0x38;
	[tilespmem:$0x1B200] =	vst v63  }
0xf6: {  	_ =	swait.ge [sflag:s20], $0x2800  }
0xf7: {  	[sflag:s20] =	ssyncset.done $0x0  }
0xf8: {  	s7 =	rddreg [dreg:$0x10];
	[sflag:s20] =	ssyncadd.s32 $0xFFFFD800  }
0xf9: {  	[hbm4b:s7+s4] =	stream.linear.scatter [tilespmem:s17], [sflag:$0xC], $0x2800, $0x38;
	[tilespmem:$0x1B200] =	vst v63  }
0xfa: {  	_ =	swait.ge [sflag:s20], $0x2800  }
0xfb: {  	[sflag:s20] =	ssyncset.done $0x0  }
0xfc: {  	[sflag:s20] =	ssyncadd.s32 $0xFFFFD800  }
0xfd: {  	[tilespmem:s17], [sflag:$0xC] =	stream.linear.gather [spmem:s14], $0x2800, $0x38;
	[tilespmem:$0x1B200] =	vst v63  }
0xfe: {  	_ =	swait.ge [sflag:s20], $0x2800  }
0xff: {  	[sflag:s20] =	ssyncset.done $0x0  }
0x100: {  	s10 =	rddreg [dreg:$0x11];
	[sflag:s20] =	ssyncadd.s32 $0xFFFFD800  }
0x101: {  	[hbm4b:s10+s4] =	stream.linear.scatter [tilespmem:s17], [sflag:$0xC], $0x2800, $0x38;
	[tilespmem:$0x1B200] =	vst v63  }
0x102: {  	_ =	swait.ge [sflag:s20], $0x2800  }
0x103: {  	[sflag:s20] =	ssyncset.done $0x0  }
0x104: {  	[sflag:s20] =	ssyncadd.s32 $0xFFFFD800  }
0x105: {  	[tilespmem:s17], [sflag:$0xC] =	stream.linear.gather [spmem:s15], $0x2800, $0x38;
	[tilespmem:$0x1B200] =	vst v63  }
0x106: {  	_ =	swait.ge [sflag:s20], $0x2800  }
0x107: {  	[sflag:s20] =	ssyncset.done $0x0  }
0x108: {  	s11 =	rddreg [dreg:$0x12];
	[sflag:s20] =	ssyncadd.s32 $0xFFFFD800  }
0x109: {  	[hbm4b:s11+s4] =	stream.linear.scatter [tilespmem:s17], [sflag:$0xC], $0x2800, $0x38;
	[tilespmem:$0x1B200] =	vst v63  }
0x10a: {  	_ =	swait.ge [sflag:s20], $0x2800  }
0x10b: {  	[sflag:s20] =	ssyncset.done $0x0  }
0x10c: {  	[sflag:s20] =	ssyncadd.s32 $0xFFFFD800  }
0x10d: {  	[tilespmem:s17], [sflag:$0xC] =	stream.linear.gather [spmem:s16], $0x2800, $0x38;
	[tilespmem:$0x1B200] =	vst v63  }
0x10e: {  	_ =	swait.ge [sflag:s20], $0x2800  }
0x10f: {  	[sflag:s20] =	ssyncset.done $0x0  }
0x110: {  	s19 =	rddreg [dreg:$0x13];
	[sflag:s20] =	ssyncadd.s32 $0xFFFFD800  }
0x111: {  	[hbm4b:s19+s4] =	stream.linear.scatter [tilespmem:s17], [sflag:$0xC], $0x2800, $0x38;
	[tilespmem:$0x1B200] =	vst v63  }
0x112: {  	_ =	swait.ge [sflag:s20], $0x2800  }
0x113: {  	s18 =	sadd.s32 $0x1, s18;
	s21 =	rddreg [dreg:$0x14]  }
0x114: {  	p0 =	sne.s32 s18, s21  }
.Ltmp1:
0x115: {  	_ = 	snop;
	(pc) =	sbr.rel @!p0 .LBB2_14-.Ltmp1, $3  }
0x116: {  	_ =	sdelay $0x1  }
0x117: {  	[sflag:s20] =	ssyncset.done $0x0  }
0x118: {  	[sflag:s20] =	ssyncadd.s32 $0xFFFFD800  }
.LBB2_1:
0x119: {  	s7 =	rddreg [dreg:$0xb];
	s8 =	simm.s32 $0xCA80  }
0x11a: {  	[tilespmem:s8], [sflag:$0xB] =	stream.linear.gather [hbm4b:s7+s4], $0x1F40, $0x38;
	[tilespmem:$0x1B200] =	vst v63  }
0x11b: {  	s7 =	simm.s32 $0x0;
	s8 =	simm.s32 $0x200  }
.LBB2_2:
0x11c: {  	p0 =	sne.s32 s8, $0x9E00;
	[tilespmem:s7+$0xEA70] =	vst v0  }
0x11d: {  	[tilespmem:s7+$0xEA00] =	vst v0  }
0x11e: {  	[tilespmem:s7+$0xEA10] =	vst v0  }
.Ltmp2:
0x11f: {  	[tilespmem:s7+$0xEA20] =	vst v0;
	(pc) =	sbr.rel @p0 .LBB2_2-.Ltmp2, $4  }
0x120: {  	[tilespmem:s7+$0xEA30] =	vst v0  }
0x121: {  	[tilespmem:s7+$0xEA40] =	vst v0  }
0x122: {  	[tilespmem:s7+$0xEA50] =	vst v0  }
0x123: {  	[tilespmem:s7+$0xEA60] =	vst v0;
	s7 =	sshra.s32 s8, $0x2;
	s8 =	sadd.s32 $0x200, s8  }
0x124: {  	[tilespmem:s7+$0xEA70] =	vst v0  }
0x125: {  	[tilespmem:s7+$0xEA00] =	vst v0  }
0x126: {  	[tilespmem:s7+$0xEA10] =	vst v0  }
0x127: {  	[tilespmem:s7+$0xEA20] =	vst v0  }
0x128: {  	[tilespmem:s7+$0xEA30] =	vst v0  }
0x129: {  	[tilespmem:s7+$0xEA40] =	vst v0  }
0x12a: {  	[tilespmem:s7+$0xEA50] =	vst v0  }
0x12b: {  	[tilespmem:s7+$0xEA60] =	vst v0  }
0x12c: {  	[spmem:s13] =	stream.linear.scatter [tilespmem:s17], [sflag:$0xC], $0x2800, $0x38;
	[tilespmem:$0x1B200] =	vst v63  }
0x12d: {  	_ =	swait.ge [sflag:s20], $0x2800  }
0x12e: {  	[sflag:s20] =	ssyncset.done $0x0  }
0x12f: {  	[sflag:s20] =	ssyncadd.s32 $0xFFFFD800  }
0x130: {  	[spmem:s14] =	stream.linear.scatter [tilespmem:s17], [sflag:$0xC], $0x2800, $0x38;
	[tilespmem:$0x1B200] =	vst v63  }
0x131: {  	_ =	swait.ge [sflag:s20], $0x2800  }
0x132: {  	[sflag:s20] =	ssyncset.done $0x0  }
0x133: {  	[sflag:s20] =	ssyncadd.s32 $0xFFFFD800  }
0x134: {  	[spmem:s15] =	stream.linear.scatter [tilespmem:s17], [sflag:$0xC], $0x2800, $0x38;
	[tilespmem:$0x1B200] =	vst v63  }
0x135: {  	_ =	swait.ge [sflag:s20], $0x2800  }
0x136: {  	[sflag:s20] =	ssyncset.done $0x0  }
0x137: {  	[sflag:s20] =	ssyncadd.s32 $0xFFFFD800  }
0x138: {  	[spmem:s16] =	stream.linear.scatter [tilespmem:s17], [sflag:$0xC], $0x2800, $0x38;
	[tilespmem:$0x1B200] =	vst v63  }
0x139: {  	_ =	swait.ge [sflag:s20], $0x2800  }
0x13a: {  	[sflag:s20] =	ssyncset.done $0x0  }
0x13b: {  	[sflag:s20] =	ssyncadd.s32 $0xFFFFD800  }
0x13c: {  	s10 =	simm.s32 $0xB;
	[bflag:$0x0] =	sbarrier.arrive $0xFFFF  }
0x13d: {  	_ =	swait.ge [sflag:s10], $0x1F40  }
0x13e: {  	[sflag:s10] =	ssyncset.done $0x0  }
0x13f: {  	s11 =	simm.s32 $0x0;
	[sflag:s10] =	ssyncadd.s32 $0xFFFFE0C0  }
0x140: {  	v1 =	vld [tilespmem:s11+$0xCAC0]  }
0x141: {  	v2 =	vld [tilespmem:s11+$0xCA80];
	_ =	sdelay $0x3  }
0x142: {  	(v2sf) =	vpush v1, $0xF  }
0x143: {  	(v2sf) =	vpush v2, $0x0;
	_ =	sdelay $0x5  }
0x144: {  	s19 =	simm.s32 $0x50  }
0x145: {  	v1 =	vld [tilespmem:s19+$0xCAC0]  }
0x146: {  	s21 =	simm.s32 $0xA0;
	v2 =	vld [tilespmem:s19+$0xCA80]  }
0x147: {  	v3 =	vld [tilespmem:s21+$0xCAC0]  }
0x148: {  	v4 =	vld [tilespmem:s21+$0xCA80];
	_ =	sdelay $0x1  }
0x149: {  	(v2sf) =	vpush v1, $0xF  }
0x14a: {  	(v2sf) =	vpush v2, $0x0  }
0x14b: {  	s10 =	spop (v2sf);
	(v2sf) =	vpush v3, $0xF  }
0x14c: {  	s11 =	spop (v2sf);
	(v2sf) =	vpush v4, $0x0;
	_ =	sdelay $0x3  }
0x14d: {  	s9 =	simm.s32 $0xF0  }
0x14e: {  	v1 =	vld [tilespmem:s9+$0xCAC0]  }
0x14f: {  	s7 =	simm.s32 $0x0;
	v2 =	vld [tilespmem:s9+$0xCA80]  }
0x150: {  	s8 =	simm.s32 $0x500;
	p0 =	slt.s32 s10, s5;
	s10 =	simm.s32 $0x1  }
0x151: {  	s9 =	simm.s32 $0x0;
	s10 =	simm.s32 @!p0 $0x0;
	p0 =	sge.s32 s11, s12  }
.LBB2_4:
0x152: {  	s7 =	sadd.s32 s10, s7;
	s10 =	simm.s32 $0x1  }
0x153: {  	s11 =	sshra.s32 s8, $0x2;
	(v2sf) =	vpush v1, $0xF;
	p1 =	sne.s32 s8, $0x7BC0;
	s10 =	simm.s32 @!p0 $0x0  }
.Ltmp3:
0x154: {  	s8 =	sadd.s32 $0x140, s8;
	v1 =	vld [tilespmem:s11+$0xCAC0];
	(v2sf) =	vpush v2, $0x0;
	s9 =	sadd.s32 s10, s9;
	(pc) =	sbr.rel @p1 .LBB2_4-.Ltmp3, $4  }
0x155: {  	v2 =	vld [tilespmem:s11+$0xCA80]  }
0x156: {  	s10 =	spop (v2sf)  }
0x157: {  	p0 =	slt.s32 s10, s5;
	s11 =	spop (v2sf);
	s10 =	simm.s32 $0x1  }
0x158: {  	s10 =	simm.s32 @!p0 $0x0;
	p0 =	sge.s32 s11, s12  }
0x159: {  	(v2sf) =	vpush v1, $0xF  }
0x15a: {  	(v2sf) =	vpush v2, $0x0;
	_ =	sdelay $0x7  }
0x15b: {  	s7 =	sadd.s32 s10, s7;
	s8 =	simm.s32 $0x1;
	s11 =	spop (v2sf)  }
0x15c: {  	s10 =	simm.s32 $0x1;
	s8 =	simm.s32 @!p0 $0x0;
	p0 =	slt.s32 s11, s5  }
0x15d: {  	s19 =	spop (v2sf);
	s8 =	sadd.s32 s8, s9;
	s10 =	simm.s32 @!p0 $0x0  }
0x15e: {  	p0 =	sge.s32 s19, s12;
	s9 =	simm.s32 $0x1;
	s7 =	sadd.s32 s10, s7  }
0x15f: {  	s9 =	simm.s32 @!p0 $0x0;
	s10 =	simm.s32 $0x1;
	s11 =	spop (v2sf)  }
0x160: {  	s8 =	sadd.s32 s9, s8;
	s9 =	simm.s32 $0x1;
	s21 =	spop (v2sf)  }
0x161: {  	p1 =	slt.s32 s11, s5;
	p0 =	sge.s32 s21, s12;
	s19 =	spop (v2sf)  }
0x162: {  	s11 =	simm.s32 $0x1;
	s9 =	simm.s32 @!p0 $0x0;
	s21 =	spop (v2sf)  }
0x163: {  	s8 =	sadd.s32 s9, s8;
	s9 =	simm.s32 $0x1;
	p0 =	sge.s32 s21, s12  }
0x164: {  	s11 =	simm.s32 @!p1 $0x0;
	p1 =	slt.s32 s19, s5;
	s9 =	simm.s32 @!p0 $0x0  }
0x165: {  	s7 =	sadd.s32 s11, s7;
	s10 =	simm.s32 @!p1 $0x0;
	s8 =	sadd.s32 s9, s8  }
0x166: {  	s7 =	sadd.s32 s10, s7;
	s8 =	ssub.s32 $0x64, s8  }
0x167: {  	s7 =	ssub.s32 s8, s7  }
0x168: {  	s9 =	sadd.s32 $0x4, s7  }
0x169: {  	s19 =	smulhi.u32 $0x66666667, s9;
	s21 =	sshra.s32 s9, $0x1F  }
0x16a: {  	s11 =	smul.u32 $0x66666667, s21;
	_ =	sdelay $0x1  }
0x16b: {  	s10 =	sadd.s32 s11, s19  }
0x16c: {  	s11 =	sshrl.u32 s10, $0x1F;
	s10 =	sshra.s32 s10, $0x1  }
0x16d: {  	s10 =	sadd.s32 s11, s10  }
0x16e: {  	s11 =	smul.u32 $0xFFFFFFFB, s10  }
0x16f: {  	s7 =	ssub.s32 $0xFFFFFFFC, s7  }
0x170: {  	p5 =	slt.s32 s9, $0x1;
	p6 =	sne.s32 s11, s7  }
0x171: {  	p0 =	por !p5, !p6  }
0x172: {  	s7 =	simm.s32 $0x1;
	p0 =	por !p0, !p0  }
0x173: {  	s7 =	simm.s32 @!p0 $0x0  }
0x174: {  	s7 =	ssub.s32 s10, s7  }
0x175: {  	p0 =	slt.s32 s7, $0x1  }
.Ltmp4:
0x176: {  	_ = 	snop;
	(pc) =	sbr.rel @p0 .LBB2_13-.Ltmp4, $1  }
0x177: {  	_ =	sdelay $0x3  }
0x178: {  	s9 =	smul.u32 $0xFFFFFFFB, s7;
	_ =	sdelay $0x1  }
0x179: {  	s16 =	sadd.s32 s8, s9  }
0x17a: {  	p0 =	sgt.s32 s16, $0x0  }
0x17b: {  	s16 =	simm.s32 @!p0 $0x0  }
0x17c: {  	s11 =	smin.u32 s16, $0x63  }
0x17d: {  	s19 =	sadd.s32 $0x1, s16;
	s8 =	smul.u32 $0x50, s11  }
0x17e: {  	s14 =	simm.s32 $0x0;
	s10 =	sadd.s32 $0x2, s16;
	p0 =	slt.s32 s19, $0x63  }
0x17f: {  	s11 =	smov.u32 s19;
	s9 =	smov.u32 s10;
	s8 =	sadd.s32 s6, s8  }
0x180: {  	s11 =	simm.s32 @!p0 $0x63;
	p0 =	slt.s32 s10, $0x63;
	s8 =	sshll.u32 s8, $0x4  }
0x181: {  	s13 =	smul.u32 $0x50, s11;
	s9 =	simm.s32 @!p0 $0x63;
	s8 =	sadd.s32 s1, s8  }
0x182: {  	[tilespmem:s14], [sflag:$0x1] =	stream.linear.gather [hbm4b:s8+s14], $0x2800, $0x38;
	[tilespmem:$0x1B200] =	vst v63  }
0x183: {  	s8 =	sadd.s32 s6, s13;
	s13 =	smul.u32 $0x50, s9  }
0x184: {  	s8 =	sshll.u32 s8, $0x4  }
0x185: {  	s8 =	sadd.s32 s1, s8;
	s15 =	sadd.s32 s6, s13  }
0x186: {  	[tilespmem:s23], [sflag:$0x2] =	stream.linear.gather [hbm4b:s8+s14], $0x2800, $0x38;
	[tilespmem:$0x1B200] =	vst v63  }
0x187: {  	s8 =	sshll.u32 s15, $0x4  }
0x188: {  	s8 =	sadd.s32 s1, s8  }
0x189: {  	[tilespmem:s24], [sflag:$0x3] =	stream.linear.gather [hbm4b:s8+s14], $0x2800, $0x38;
	[tilespmem:$0x1B200] =	vst v63  }
0x18a: {  	s8 =	sadd.s32 $0x3, s16  }
0x18b: {  	p0 =	slt.s32 s8, $0x63;
	s21 =	smov.u32 s8  }
0x18c: {  	s21 =	simm.s32 @!p0 $0x63  }
0x18d: {  	s17 =	smul.u32 $0x50, s21  }
0x18e: {  	s15 =	sadd.s32 $0x4, s16  }
0x18f: {  	p0 =	slt.s32 s15, $0x63;
	s13 =	sadd.s32 s6, s17;
	s17 =	smov.u32 s15  }
0x190: {  	[dreg:$0x15] =	wrdreg s18;
	s13 =	sshll.u32 s13, $0x4;
	s17 =	simm.s32 @!p0 $0x63  }
0x191: {  	p1 =	sne.s32 s7, $0x1;
	s13 =	sadd.s32 s1, s13;
	s18 =	smul.u32 $0x50, s17  }
0x192: {  	[tilespmem:s25], [sflag:$0x4] =	stream.linear.gather [hbm4b:s13+s14], $0x2800, $0x38;
	[tilespmem:$0x1B200] =	vst v63  }
.Ltmp5:
0x193: {  	s18 =	sadd.s32 s6, s18;
	(pc) =	sbr.rel @!p1 .LBB2_7-.Ltmp5, $4  }
0x194: {  	s13 =	sshll.u32 s18, $0x4  }
0x195: {  	s18 =	sadd.s32 $0xFFFFFFFF, s7;
	s13 =	sadd.s32 s1, s13  }
0x196: {  	[tilespmem:s26], [sflag:$0x5] =	stream.linear.gather [hbm4b:s13+s14], $0x2800, $0x38;
	[tilespmem:$0x1B200] =	vst v63  }
0x197: {  	p0 =	por $0x0, $0x0;
	[dreg:$0x5] =	wrdreg s18;
	s13 =	simm.s32 $0x1  }
0x198: {  	p0 =	slt.s32 s16, $0x63;
	s14 =	smov.u32 s16  }
0x199: {  	s14 =	simm.s32 @!p0 $0x63  }
0x19a: {  	s14 =	smul.u32 $0x140, s14;
	_ =	sdelay $0x1  }
0x19b: {  	s14 =	sshra.s32 s14, $0x2  }
0x19c: {  	v1 =	vld [tilespmem:s14+$0xCA80];
	_ =	sdelay $0x1  }
0x19d: {  	s18 =	simm.s32 $0x0;
	p0 =	slt.s32 s16, $0x64  }
0x19e: {  	s18 =	simm.s32 @!p0 $0x100000  }
0x19f: {  	s18 =	ssub.s32 s18, s5  }
0x1a0: {  	v1 =	vadd.s32 s18, v1  }
0x1a1: {  	v1 =	vmin.u32 v1, $0x1388  }
0x1a2: {  	[tilespmem:$0xC800] =	vst v1  }
0x1a3: {  	v1 =	vld [tilespmem:s14+$0xCA90];
	_ =	sdelay $0x4  }
0x1a4: {  	v1 =	vadd.s32 s18, v1  }
0x1a5: {  	v1 =	vmin.u32 v1, $0x1388  }
0x1a6: {  	[tilespmem:$0xC810] =	vst v1  }
0x1a7: {  	v1 =	vld [tilespmem:s14+$0xCAA0];
	_ =	sdelay $0x4  }
0x1a8: {  	v1 =	vadd.s32 s18, v1  }
0x1a9: {  	v1 =	vmin.u32 v1, $0x1388  }
0x1aa: {  	[tilespmem:$0xC820] =	vst v1  }
0x1ab: {  	v1 =	vld [tilespmem:s14+$0xCAB0];
	_ =	sdelay $0x4  }
0x1ac: {  	v1 =	vadd.s32 s18, v1  }
0x1ad: {  	v1 =	vmin.u32 v1, $0x1388  }
0x1ae: {  	[tilespmem:$0xC830] =	vst v1  }
0x1af: {  	v1 =	vld [tilespmem:s14+$0xCAC0];
	_ =	sdelay $0x4  }
0x1b0: {  	s11 =	smul.u32 $0x140, s11;
	v1 =	vadd.s32 s18, v1  }
0x1b1: {  	v1 =	vmin.u32 v1, $0x1388  }
0x1b2: {  	s11 =	sshra.s32 s11, $0x2;
	[tilespmem:$0xC840] =	vst v1  }
0x1b3: {  	v1 =	vld [tilespmem:s11+$0xCA80];
	_ =	sdelay $0x1  }
0x1b4: {  	p0 =	slt.s32 s19, $0x64;
	s14 =	simm.s32 $0x0  }
0x1b5: {  	s14 =	simm.s32 @!p0 $0x100000  }
0x1b6: {  	s14 =	ssub.s32 s14, s5  }
0x1b7: {  	v1 =	vadd.s32 s14, v1  }
0x1b8: {  	v1 =	vmin.u32 v1, $0x1388  }
0x1b9: {  	[tilespmem:$0xC880] =	vst v1  }
0x1ba: {  	v1 =	vld [tilespmem:s11+$0xCA90];
	_ =	sdelay $0x4  }
0x1bb: {  	v1 =	vadd.s32 s14, v1  }
0x1bc: {  	v1 =	vmin.u32 v1, $0x1388  }
0x1bd: {  	[tilespmem:$0xC890] =	vst v1  }
0x1be: {  	v1 =	vld [tilespmem:s11+$0xCAA0];
	_ =	sdelay $0x4  }
0x1bf: {  	v1 =	vadd.s32 s14, v1  }
0x1c0: {  	v1 =	vmin.u32 v1, $0x1388  }
0x1c1: {  	[tilespmem:$0xC8A0] =	vst v1  }
0x1c2: {  	v1 =	vld [tilespmem:s11+$0xCAB0];
	_ =	sdelay $0x4  }
0x1c3: {  	v1 =	vadd.s32 s14, v1  }
0x1c4: {  	v1 =	vmin.u32 v1, $0x1388  }
0x1c5: {  	[tilespmem:$0xC8B0] =	vst v1  }
0x1c6: {  	v1 =	vld [tilespmem:s11+$0xCAC0];
	_ =	sdelay $0x4  }
0x1c7: {  	s9 =	smul.u32 $0x140, s9;
	v1 =	vadd.s32 s14, v1  }
0x1c8: {  	v1 =	vmin.u32 v1, $0x1388  }
0x1c9: {  	s9 =	sshra.s32 s9, $0x2;
	[tilespmem:$0xC8C0] =	vst v1  }
0x1ca: {  	v1 =	vld [tilespmem:s9+$0xCA80];
	_ =	sdelay $0x1  }
0x1cb: {  	p0 =	slt.s32 s10, $0x64;
	s10 =	simm.s32 $0x0  }
0x1cc: {  	s10 =	simm.s32 @!p0 $0x100000  }
0x1cd: {  	s10 =	ssub.s32 s10, s5  }
0x1ce: {  	v1 =	vadd.s32 s10, v1  }
0x1cf: {  	v1 =	vmin.u32 v1, $0x1388  }
0x1d0: {  	[tilespmem:$0xC900] =	vst v1  }
0x1d1: {  	v1 =	vld [tilespmem:s9+$0xCA90];
	_ =	sdelay $0x4  }
0x1d2: {  	v1 =	vadd.s32 s10, v1  }
0x1d3: {  	v1 =	vmin.u32 v1, $0x1388  }
0x1d4: {  	[tilespmem:$0xC910] =	vst v1  }
0x1d5: {  	v1 =	vld [tilespmem:s9+$0xCAA0];
	_ =	sdelay $0x4  }
0x1d6: {  	v1 =	vadd.s32 s10, v1  }
0x1d7: {  	v1 =	vmin.u32 v1, $0x1388  }
0x1d8: {  	[tilespmem:$0xC920] =	vst v1  }
0x1d9: {  	v1 =	vld [tilespmem:s9+$0xCAB0];
	_ =	sdelay $0x4  }
0x1da: {  	v1 =	vadd.s32 s10, v1  }
0x1db: {  	v1 =	vmin.u32 v1, $0x1388  }
0x1dc: {  	[tilespmem:$0xC930] =	vst v1  }
0x1dd: {  	v1 =	vld [tilespmem:s9+$0xCAC0];
	_ =	sdelay $0x4  }
0x1de: {  	v1 =	vadd.s32 s10, v1;
	s10 =	smul.u32 $0x140, s21  }
0x1df: {  	v1 =	vmin.u32 v1, $0x1388  }
0x1e0: {  	[tilespmem:$0xC940] =	vst v1;
	s9 =	sshra.s32 s10, $0x2  }
0x1e1: {  	v1 =	vld [tilespmem:s9+$0xCA80];
	_ =	sdelay $0x1  }
0x1e2: {  	p0 =	slt.s32 s8, $0x64;
	s8 =	simm.s32 $0x0  }
0x1e3: {  	s8 =	simm.s32 @!p0 $0x100000  }
0x1e4: {  	s8 =	ssub.s32 s8, s5  }
0x1e5: {  	v1 =	vadd.s32 s8, v1  }
0x1e6: {  	v1 =	vmin.u32 v1, $0x1388  }
0x1e7: {  	[tilespmem:$0xC980] =	vst v1  }
0x1e8: {  	v1 =	vld [tilespmem:s9+$0xCA90];
	_ =	sdelay $0x4  }
0x1e9: {  	v1 =	vadd.s32 s8, v1  }
0x1ea: {  	v1 =	vmin.u32 v1, $0x1388  }
0x1eb: {  	[tilespmem:$0xC990] =	vst v1  }
0x1ec: {  	v1 =	vld [tilespmem:s9+$0xCAA0];
	_ =	sdelay $0x4  }
0x1ed: {  	v1 =	vadd.s32 s8, v1  }
0x1ee: {  	v1 =	vmin.u32 v1, $0x1388  }
0x1ef: {  	[tilespmem:$0xC9A0] =	vst v1  }
0x1f0: {  	v1 =	vld [tilespmem:s9+$0xCAB0];
	_ =	sdelay $0x4  }
0x1f1: {  	v1 =	vadd.s32 s8, v1  }
0x1f2: {  	v1 =	vmin.u32 v1, $0x1388  }
0x1f3: {  	[tilespmem:$0xC9B0] =	vst v1  }
0x1f4: {  	v1 =	vld [tilespmem:s9+$0xCAC0];
	_ =	sdelay $0x4  }
0x1f5: {  	s11 =	smul.u32 $0x140, s17;
	v1 =	vadd.s32 s8, v1  }
0x1f6: {  	v1 =	vmin.u32 v1, $0x1388  }
0x1f7: {  	s8 =	sshra.s32 s11, $0x2;
	[tilespmem:$0xC9C0] =	vst v1  }
0x1f8: {  	v1 =	vld [tilespmem:s8+$0xCA80];
	_ =	sdelay $0x1  }
0x1f9: {  	p0 =	slt.s32 s15, $0x64;
	s9 =	simm.s32 $0x0  }
0x1fa: {  	s9 =	simm.s32 @!p0 $0x100000  }
0x1fb: {  	s9 =	ssub.s32 s9, s5  }
0x1fc: {  	v1 =	vadd.s32 s9, v1  }
0x1fd: {  	v1 =	vmin.u32 v1, $0x1388  }
0x1fe: {  	[tilespmem:$0xCA00] =	vst v1  }
0x1ff: {  	v1 =	vld [tilespmem:s8+$0xCA90];
	_ =	sdelay $0x4  }
0x200: {  	v1 =	vadd.s32 s9, v1  }
0x201: {  	v1 =	vmin.u32 v1, $0x1388  }
0x202: {  	[tilespmem:$0xCA10] =	vst v1  }
0x203: {  	v1 =	vld [tilespmem:s8+$0xCAA0];
	_ =	sdelay $0x4  }
0x204: {  	v1 =	vadd.s32 s9, v1  }
0x205: {  	v1 =	vmin.u32 v1, $0x1388  }
0x206: {  	[tilespmem:$0xCA20] =	vst v1  }
0x207: {  	v1 =	vld [tilespmem:s8+$0xCAB0];
	_ =	sdelay $0x4  }
0x208: {  	v1 =	vadd.s32 s9, v1  }
0x209: {  	v1 =	vmin.u32 v1, $0x1388  }
0x20a: {  	[tilespmem:$0xCA30] =	vst v1  }
0x20b: {  	v1 =	vld [tilespmem:s8+$0xCAC0];
	_ =	sdelay $0x4  }
0x20c: {  	v1 =	vadd.s32 s9, v1  }
0x20d: {  	v1 =	vmin.u32 v1, $0x1388  }
0x20e: {  	[tilespmem:$0xCA40] =	vst v1  }
0x20f: {  	_ =	swait.ge [sflag:s22], $0x2800  }
0x210: {  	[sflag:s22] =	ssyncset.done $0x0  }
0x211: {  	s14 =	rddreg [dreg:$0x6];
	[sflag:s22] =	ssyncadd.s32 $0xFFFFD800  }
0x212: {  	[spmem:s2] =	stream.indirect.scatter.add.f32 [tilespmem:s4], [sflag:$0x6], $0x80, s14, s28, $0xb8;
	[tilespmem:$0x1B200] =	vst v63  }
0x213: {  	_ =	swait.ge [sflag:s29], $0x2800  }
0x214: {  	[sflag:s29] =	ssyncset.done $0x0  }
0x215: {  	s15 =	rddreg [dreg:$0x7];
	[sflag:s29] =	ssyncadd.s32 $0xFFFFD800  }
0x216: {  	[spmem:s2] =	stream.indirect.scatter.add.f32 [tilespmem:s23], [sflag:$0x7], $0x80, s15, s28, $0xb8;
	[tilespmem:$0x1B200] =	vst v63  }
0x217: {  	_ =	swait.ge [sflag:s30], $0x2800  }
0x218: {  	[sflag:s30] =	ssyncset.done $0x0  }
0x219: {  	s17 =	rddreg [dreg:$0x8];
	[sflag:s30] =	ssyncadd.s32 $0xFFFFD800  }
0x21a: {  	[spmem:s2] =	stream.indirect.scatter.add.f32 [tilespmem:s24], [sflag:$0x8], $0x80, s17, s28, $0xb8;
	[tilespmem:$0x1B200] =	vst v63  }
0x21b: {  	_ =	swait.ge [sflag:s31], $0x2800  }
0x21c: {  	[sflag:s31] =	ssyncset.done $0x0  }
0x21d: {  	s18 =	rddreg [dreg:$0x9];
	[sflag:s31] =	ssyncadd.s32 $0xFFFFD800  }
0x21e: {  	[spmem:s2] =	stream.indirect.scatter.add.f32 [tilespmem:s25], [sflag:$0x9], $0x80, s18, s28, $0xb8;
	[tilespmem:$0x1B200] =	vst v63  }
0x21f: {  	_ =	swait.ge [sflag:s0], $0x2800  }
0x220: {  	[sflag:s0] =	ssyncset.done $0x0  }
0x221: {  	s19 =	rddreg [dreg:$0xa];
	[sflag:s0] =	ssyncadd.s32 $0xFFFFD800  }
0x222: {  	[spmem:s2] =	stream.indirect.scatter.add.f32 [tilespmem:s26], [sflag:$0xA], $0x80, s19, s28, $0xb8;
	[tilespmem:$0x1B200] =	vst v63  }
0x223: {  	_ =	swait.ge [sflag:s3], $0x2800  }
0x224: {  	p1 =	sne.s32 s7, $0x2;
	s21 =	rddreg [dreg:$0x5];
	[sflag:s3] =	ssyncset.done $0x0  }
0x225: {  	s14 =	simm.s32 $0x2;
	p2 =	sgt.s32 s21, $0x0;
	[sflag:s3] =	ssyncadd.s32 $0xFFFFD800  }
0x226: {  	s8 =	sadd.s32 @p2 $0x5, s16;
	s9 =	sadd.s32 @p2 $0x6, s16;
	s10 =	sadd.s32 @p2 $0x7, s16  }
0x227: {  	s21 =	simm.s32 @p2 $0x0;
	s11 =	sadd.s32 @p2 $0x8, s16;
	p0 =	slt.s32 @p2 s8, $0x63  }
0x228: {  	s15 =	simm.s32 @p2 $0x7;
	p3 =	slt.s32 @p2 s10, $0x63;
	p0 =	por !p0, !p2  }
0x229: {  	p3 =	por !p3, !p2;
	s8 =	simm.s32 @p0 $0x63;
	p0 =	slt.s32 @p2 s9, $0x63  }
0x22a: {  	s10 =	simm.s32 @p3 $0x63;
	s8 =	smul.u32 @p2 $0x50, s8;
	p0 =	por !p0, !p2  }
0x22b: {  	s17 =	simm.s32 @p2 $0x5000;
	s10 =	smul.u32 @p2 $0x50, s10;
	s9 =	simm.s32 @p0 $0x63  }
0x22c: {  	p0 =	slt.s32 @p2 s11, $0x63;
	s8 =	sadd.s32 @p2 s6, s8;
	s9 =	smul.u32 @p2 $0x50, s9  }
0x22d: {  	p0 =	por !p0, !p2;
	s10 =	sadd.s32 @p2 s6, s10;
	s8 =	sshll.u32 @p2 s8, $0x4  }
0x22e: {  	s11 =	simm.s32 @p0 $0x63;
	s10 =	sshll.u32 @p2 s10, $0x4;
	s8 =	sadd.s32 @p2 s1, s8  }
0x22f: {  	[tilespmem:s21], [sflag:$0x1] =	stream.linear.gather @p2 [hbm4b:s8+s21], $0x2800, $0x38;
	[tilespmem:$0x1B200] =	vst v63  }
0x230: {  	s9 =	sadd.s32 @p2 s6, s9;
	s11 =	smul.u32 @p2 $0x50, s11;
	_ =	swait.ge @p2 [sflag:s15], $0x2800  }
0x231: {  	s8 =	simm.s32 @p2 $0x2800;
	s9 =	sshll.u32 @p2 s9, $0x4;
	[sflag:s15] =	ssyncset.done @p2 $0x0  }
0x232: {  	s9 =	sadd.s32 @p2 s1, s9;
	s11 =	sadd.s32 @p2 s6, s11;
	[sflag:s15] =	ssyncadd.s32 @p2 $0xFFFFD800  }
0x233: {  	[tilespmem:s8], [sflag:$0x2] =	stream.linear.gather @p2 [hbm4b:s9+s21], $0x2800, $0x38;
	[tilespmem:$0x1B200] =	vst v63  }
.Ltmp6:
0x234: {  	s10 =	sadd.s32 @p2 s1, s10;
	s11 =	sshll.u32 @p2 s11, $0x4;
	(pc) =	sbr.rel @!p1 .LBB2_9-.Ltmp6, $4  }
0x235: {  	s15 =	sadd.s32 $0x5, s16;
	s9 =	sadd.s32 @p2 $0x9, s16;
	s16 =	simm.s32 @p2 $0x8  }
0x236: {  	s11 =	sadd.s32 @p2 s1, s11;
	p0 =	slt.s32 @p2 s9, $0x63;
	_ =	swait.ge @p2 [sflag:s16], $0x2800  }
0x237: {  	s8 =	simm.s32 @p2 $0x9;
	p0 =	por !p0, !p2;
	[sflag:s16] =	ssyncset.done @p2 $0x0  }
0x238: {  	s9 =	simm.s32 @p0 $0x63;
	[sflag:s16] =	ssyncadd.s32 @p2 $0xFFFFD800;
	p0 =	por $0x1, $0x1  }
.LBB2_10:
0x239: {  	[tilespmem:s17], [sflag:$0x3] =	stream.linear.gather @p2 [hbm4b:s10+s21], $0x2800, $0x38;
	[tilespmem:$0x1B200] =	vst v63  }
0x23a: {  	_ =	swait.ge @p2 [sflag:s8], $0x2800  }
0x23b: {  	s9 =	smul.u32 @p2 $0x50, s9;
	[sflag:s8] =	ssyncset.done @p2 $0x0  }
0x23c: {  	s10 =	simm.s32 @p2 $0xA;
	[sflag:s8] =	ssyncadd.s32 @p2 $0xFFFFD800;
	s8 =	simm.s32 @p2 $0x7800  }
0x23d: {  	[tilespmem:s8], [sflag:$0x4] =	stream.linear.gather @p2 [hbm4b:s11+s21], $0x2800, $0x38;
	[tilespmem:$0x1B200] =	vst v63  }
0x23e: {  	s9 =	sadd.s32 @p2 s6, s9;
	_ =	swait.ge @p2 [sflag:s10], $0x2800  }
0x23f: {  	s8 =	sshll.u32 @p2 s9, $0x4;
	s9 =	simm.s32 @p2 $0xA000;
	[sflag:s10] =	ssyncset.done @p2 $0x0  }
0x240: {  	s8 =	sadd.s32 @p2 s1, s8;
	[sflag:s10] =	ssyncadd.s32 @p2 $0xFFFFD800;
	s10 =	simm.s32 @!p2 $0x7  }
0x241: {  	[tilespmem:s9], [sflag:$0x5] =	stream.linear.gather @p2 [hbm4b:s8+s21], $0x2800, $0x38;
	[tilespmem:$0x1B200] =	vst v63  }
0x242: {  	_ =	swait.ge @!p2 [sflag:s10], $0x2800  }
0x243: {  	[sflag:s10] =	ssyncset.done @!p2 $0x0  }
0x244: {  	s8 =	simm.s32 @!p2 $0x8;
	[sflag:s10] =	ssyncadd.s32 @!p2 $0xFFFFD800  }
0x245: {  	_ =	swait.ge @!p2 [sflag:s8], $0x2800  }
0x246: {  	[sflag:s8] =	ssyncset.done @!p2 $0x0  }
0x247: {  	[sflag:s8] =	ssyncadd.s32 @!p2 $0xFFFFD800;
	s8 =	simm.s32 @!p2 $0x9  }
0x248: {  	_ =	swait.ge @!p2 [sflag:s8], $0x2800  }
0x249: {  	p3 =	slt.s32 s15, $0x63;
	s9 =	smov.u32 s15;
	[sflag:s8] =	ssyncset.done @!p2 $0x0  }
0x24a: {  	s9 =	simm.s32 @!p3 $0x63;
	[sflag:s8] =	ssyncadd.s32 @!p2 $0xFFFFD800;
	s8 =	simm.s32 @!p2 $0xA  }
0x24b: {  	s9 =	smul.u32 $0x140, s9;
	_ =	swait.ge @!p2 [sflag:s8], $0x2800  }
0x24c: {  	[sflag:s8] =	ssyncset.done @!p2 $0x0  }
0x24d: {  	s9 =	sshra.s32 s9, $0x2;
	[sflag:s8] =	ssyncadd.s32 @!p2 $0xFFFFD800  }
0x24e: {  	v1 =	vld [tilespmem:s9+$0xCA80];
	_ =	sdelay $0x1  }
0x24f: {  	p2 =	slt.s32 s15, $0x64;
	s8 =	simm.s32 $0x0  }
0x250: {  	s8 =	simm.s32 @!p2 $0x100000  }
0x251: {  	s8 =	ssub.s32 s8, s5  }
0x252: {  	v1 =	vadd.s32 s8, v1  }
0x253: {  	v1 =	vmin.u32 v1, $0x1388  }
0x254: {  	[tilespmem:$0xC800] =	vst v1  }
0x255: {  	v1 =	vld [tilespmem:s9+$0xCA90];
	_ =	sdelay $0x4  }
0x256: {  	v1 =	vadd.s32 s8, v1  }
0x257: {  	v1 =	vmin.u32 v1, $0x1388  }
0x258: {  	[tilespmem:$0xC810] =	vst v1  }
0x259: {  	v1 =	vld [tilespmem:s9+$0xCAA0];
	_ =	sdelay $0x4  }
0x25a: {  	v1 =	vadd.s32 s8, v1  }
0x25b: {  	v1 =	vmin.u32 v1, $0x1388  }
0x25c: {  	[tilespmem:$0xC820] =	vst v1  }
0x25d: {  	v1 =	vld [tilespmem:s9+$0xCAB0];
	_ =	sdelay $0x4  }
0x25e: {  	v1 =	vadd.s32 s8, v1  }
0x25f: {  	v1 =	vmin.u32 v1, $0x1388  }
0x260: {  	[tilespmem:$0xC830] =	vst v1  }
0x261: {  	v1 =	vld [tilespmem:s9+$0xCAC0];
	_ =	sdelay $0x1  }
0x262: {  	s9 =	sadd.s32 $0x1, s15  }
0x263: {  	p3 =	slt.s32 s9, $0x63  }
0x264: {  	p2 =	slt.s32 s9, $0x64;
	s9 =	simm.s32 @!p3 $0x63  }
0x265: {  	s9 =	smul.u32 $0x140, s9;
	v1 =	vadd.s32 s8, v1  }
0x266: {  	v1 =	vmin.u32 v1, $0x1388  }
0x267: {  	s8 =	sshra.s32 s9, $0x2;
	[tilespmem:$0xC840] =	vst v1  }
0x268: {  	v1 =	vld [tilespmem:s8+$0xCA80];
	_ =	sdelay $0x1  }
0x269: {  	s10 =	simm.s32 $0x0  }
0x26a: {  	s10 =	simm.s32 @!p2 $0x100000  }
0x26b: {  	s11 =	ssub.s32 s10, s5  }
0x26c: {  	v1 =	vadd.s32 s11, v1  }
0x26d: {  	v1 =	vmin.u32 v1, $0x1388  }
0x26e: {  	[tilespmem:$0xC880] =	vst v1  }
0x26f: {  	v1 =	vld [tilespmem:s8+$0xCA90];
	_ =	sdelay $0x4  }
0x270: {  	v1 =	vadd.s32 s11, v1  }
0x271: {  	v1 =	vmin.u32 v1, $0x1388  }
0x272: {  	[tilespmem:$0xC890] =	vst v1  }
0x273: {  	v1 =	vld [tilespmem:s8+$0xCAA0];
	_ =	sdelay $0x4  }
0x274: {  	v1 =	vadd.s32 s11, v1  }
0x275: {  	v1 =	vmin.u32 v1, $0x1388  }
0x276: {  	[tilespmem:$0xC8A0] =	vst v1  }
0x277: {  	v1 =	vld [tilespmem:s8+$0xCAB0];
	_ =	sdelay $0x4  }
0x278: {  	v1 =	vadd.s32 s11, v1  }
0x279: {  	v1 =	vmin.u32 v1, $0x1388  }
0x27a: {  	[tilespmem:$0xC8B0] =	vst v1  }
0x27b: {  	v1 =	vld [tilespmem:s8+$0xCAC0];
	_ =	sdelay $0x1  }
0x27c: {  	s8 =	sadd.s32 $0x2, s15  }
0x27d: {  	p3 =	slt.s32 s8, $0x63  }
0x27e: {  	p2 =	slt.s32 s8, $0x64;
	s8 =	simm.s32 @!p3 $0x63  }
0x27f: {  	s8 =	smul.u32 $0x140, s8;
	v1 =	vadd.s32 s11, v1  }
0x280: {  	v1 =	vmin.u32 v1, $0x1388  }
0x281: {  	s8 =	sshra.s32 s8, $0x2;
	[tilespmem:$0xC8C0] =	vst v1  }
0x282: {  	v1 =	vld [tilespmem:s8+$0xCA80];
	_ =	sdelay $0x1  }
0x283: {  	s10 =	simm.s32 $0x0  }
0x284: {  	s10 =	simm.s32 @!p2 $0x100000  }
0x285: {  	s18 =	ssub.s32 s10, s5  }
0x286: {  	v1 =	vadd.s32 s18, v1  }
0x287: {  	v1 =	vmin.u32 v1, $0x1388  }
0x288: {  	[tilespmem:$0xC900] =	vst v1  }
0x289: {  	v1 =	vld [tilespmem:s8+$0xCA90];
	_ =	sdelay $0x4  }
0x28a: {  	v1 =	vadd.s32 s18, v1  }
0x28b: {  	v1 =	vmin.u32 v1, $0x1388  }
0x28c: {  	[tilespmem:$0xC910] =	vst v1  }
0x28d: {  	v1 =	vld [tilespmem:s8+$0xCAA0];
	_ =	sdelay $0x4  }
0x28e: {  	v1 =	vadd.s32 s18, v1  }
0x28f: {  	v1 =	vmin.u32 v1, $0x1388  }
0x290: {  	[tilespmem:$0xC920] =	vst v1  }
0x291: {  	v1 =	vld [tilespmem:s8+$0xCAB0];
	_ =	sdelay $0x4  }
0x292: {  	v1 =	vadd.s32 s18, v1  }
0x293: {  	v1 =	vmin.u32 v1, $0x1388  }
0x294: {  	[tilespmem:$0xC930] =	vst v1  }
0x295: {  	v1 =	vld [tilespmem:s8+$0xCAC0];
	_ =	sdelay $0x1  }
0x296: {  	s8 =	sadd.s32 $0x3, s15  }
0x297: {  	p3 =	slt.s32 s8, $0x63  }
0x298: {  	p2 =	slt.s32 s8, $0x64;
	s8 =	simm.s32 @!p3 $0x63  }
0x299: {  	s8 =	smul.u32 $0x140, s8;
	v1 =	vadd.s32 s18, v1  }
0x29a: {  	v1 =	vmin.u32 v1, $0x1388  }
0x29b: {  	s8 =	sshra.s32 s8, $0x2;
	[tilespmem:$0xC940] =	vst v1  }
0x29c: {  	v1 =	vld [tilespmem:s8+$0xCA80];
	_ =	sdelay $0x1  }
0x29d: {  	s10 =	simm.s32 $0x0  }
0x29e: {  	s10 =	simm.s32 @!p2 $0x100000  }
0x29f: {  	s19 =	ssub.s32 s10, s5  }
0x2a0: {  	v1 =	vadd.s32 s19, v1  }
0x2a1: {  	v1 =	vmin.u32 v1, $0x1388  }
0x2a2: {  	[tilespmem:$0xC980] =	vst v1  }
0x2a3: {  	v1 =	vld [tilespmem:s8+$0xCA90];
	_ =	sdelay $0x4  }
0x2a4: {  	v1 =	vadd.s32 s19, v1  }
0x2a5: {  	v1 =	vmin.u32 v1, $0x1388  }
0x2a6: {  	[tilespmem:$0xC990] =	vst v1  }
0x2a7: {  	v1 =	vld [tilespmem:s8+$0xCAA0];
	_ =	sdelay $0x4  }
0x2a8: {  	v1 =	vadd.s32 s19, v1  }
0x2a9: {  	v1 =	vmin.u32 v1, $0x1388  }
0x2aa: {  	[tilespmem:$0xC9A0] =	vst v1  }
0x2ab: {  	v1 =	vld [tilespmem:s8+$0xCAB0];
	_ =	sdelay $0x4  }
0x2ac: {  	v1 =	vadd.s32 s19, v1  }
0x2ad: {  	v1 =	vmin.u32 v1, $0x1388  }
0x2ae: {  	[tilespmem:$0xC9B0] =	vst v1  }
0x2af: {  	v1 =	vld [tilespmem:s8+$0xCAC0];
	_ =	sdelay $0x1  }
0x2b0: {  	s8 =	sadd.s32 $0x4, s15  }
0x2b1: {  	p3 =	slt.s32 s8, $0x63  }
0x2b2: {  	p2 =	slt.s32 s8, $0x64;
	s8 =	simm.s32 @!p3 $0x63  }
0x2b3: {  	s8 =	smul.u32 $0x140, s8;
	v1 =	vadd.s32 s19, v1  }
0x2b4: {  	v1 =	vmin.u32 v1, $0x1388  }
0x2b5: {  	s8 =	sshra.s32 s8, $0x2;
	[tilespmem:$0xC9C0] =	vst v1  }
0x2b6: {  	v1 =	vld [tilespmem:s8+$0xCA80];
	_ =	sdelay $0x1  }
0x2b7: {  	s10 =	simm.s32 $0x0  }
0x2b8: {  	s10 =	simm.s32 @!p2 $0x100000  }
0x2b9: {  	s21 =	ssub.s32 s10, s5  }
0x2ba: {  	v1 =	vadd.s32 s21, v1  }
0x2bb: {  	v1 =	vmin.u32 v1, $0x1388  }
0x2bc: {  	[tilespmem:$0xCA00] =	vst v1  }
0x2bd: {  	v1 =	vld [tilespmem:s8+$0xCA90];
	_ =	sdelay $0x4  }
0x2be: {  	v1 =	vadd.s32 s21, v1  }
0x2bf: {  	v1 =	vmin.u32 v1, $0x1388  }
0x2c0: {  	[tilespmem:$0xCA10] =	vst v1  }
0x2c1: {  	v1 =	vld [tilespmem:s8+$0xCAA0];
	_ =	sdelay $0x4  }
0x2c2: {  	v1 =	vadd.s32 s21, v1  }
0x2c3: {  	v1 =	vmin.u32 v1, $0x1388  }
0x2c4: {  	[tilespmem:$0xCA20] =	vst v1  }
0x2c5: {  	v1 =	vld [tilespmem:s8+$0xCAB0];
	_ =	sdelay $0x4  }
0x2c6: {  	v1 =	vadd.s32 s21, v1  }
0x2c7: {  	v1 =	vmin.u32 v1, $0x1388  }
0x2c8: {  	[tilespmem:$0xCA30] =	vst v1  }
0x2c9: {  	v1 =	vld [tilespmem:s8+$0xCAC0];
	_ =	sdelay $0x4  }
0x2ca: {  	v1 =	vadd.s32 s21, v1  }
0x2cb: {  	v1 =	vmin.u32 v1, $0x1388  }
0x2cc: {  	[tilespmem:$0xCA40] =	vst v1  }
0x2cd: {  	_ =	swait.ge [sflag:s22], $0x2800  }
0x2ce: {  	[sflag:s22] =	ssyncset.done $0x0  }
0x2cf: {  	s9 =	rddreg [dreg:$0x6];
	[sflag:s22] =	ssyncadd.s32 $0xFFFFD800  }
0x2d0: {  	[spmem:s2] =	stream.indirect.scatter.add.f32 [tilespmem:s4], [sflag:$0x6], $0x80, s9, s28, $0xb8;
	[tilespmem:$0x1B200] =	vst v63  }
0x2d1: {  	_ =	swait.ge [sflag:s29], $0x2800  }
0x2d2: {  	[sflag:s29] =	ssyncset.done $0x0  }
0x2d3: {  	s10 =	rddreg [dreg:$0x7];
	[sflag:s29] =	ssyncadd.s32 $0xFFFFD800  }
0x2d4: {  	[spmem:s2] =	stream.indirect.scatter.add.f32 [tilespmem:s23], [sflag:$0x7], $0x80, s10, s28, $0xb8;
	[tilespmem:$0x1B200] =	vst v63  }
0x2d5: {  	_ =	swait.ge [sflag:s30], $0x2800  }
0x2d6: {  	[sflag:s30] =	ssyncset.done $0x0  }
0x2d7: {  	s11 =	rddreg [dreg:$0x8];
	[sflag:s30] =	ssyncadd.s32 $0xFFFFD800  }
0x2d8: {  	[spmem:s2] =	stream.indirect.scatter.add.f32 [tilespmem:s24], [sflag:$0x8], $0x80, s11, s28, $0xb8;
	[tilespmem:$0x1B200] =	vst v63  }
0x2d9: {  	_ =	swait.ge [sflag:s31], $0x2800  }
0x2da: {  	[sflag:s31] =	ssyncset.done $0x0  }
0x2db: {  	s18 =	rddreg [dreg:$0x9];
	[sflag:s31] =	ssyncadd.s32 $0xFFFFD800  }
0x2dc: {  	[spmem:s2] =	stream.indirect.scatter.add.f32 [tilespmem:s25], [sflag:$0x9], $0x80, s18, s28, $0xb8;
	[tilespmem:$0x1B200] =	vst v63  }
0x2dd: {  	_ =	swait.ge [sflag:s0], $0x2800  }
0x2de: {  	[sflag:s0] =	ssyncset.done $0x0  }
0x2df: {  	s19 =	rddreg [dreg:$0xa];
	[sflag:s0] =	ssyncadd.s32 $0xFFFFD800  }
0x2e0: {  	[spmem:s2] =	stream.indirect.scatter.add.f32 [tilespmem:s26], [sflag:$0xA], $0x80, s19, s28, $0xb8;
	[tilespmem:$0x1B200] =	vst v63  }
0x2e1: {  	s17 =	smov.u32 s14;
	s14 =	sadd.s32 $0x1, s14;
	_ =	swait.ge [sflag:s3], $0x2800  }
0x2e2: {  	s16 =	smov.u32 s15;
	p1 =	sne.s32 s7, s14;
	s21 =	rddreg [dreg:$0x5]  }
0x2e3: {  	s15 =	sadd.s32 $0x5, s15;
	[sflag:s3] =	ssyncset.done $0x0;
	p2 =	slt.s32 s13, s21  }
0x2e4: {  	[sflag:s3] =	ssyncadd.s32 $0xFFFFD800;
	s13 =	smov.u32 s17;
	s9 =	sadd.s32 @p2 $0x6, s16  }
0x2e5: {  	s10 =	sadd.s32 @p2 $0x7, s16;
	s8 =	simm.s32 @p2 $0x9;
	s11 =	sadd.s32 @p2 $0x5, s16  }
0x2e6: {  	s17 =	sadd.s32 @p2 $0x8, s16;
	s19 =	simm.s32 @p2 $0x2800;
	p3 =	slt.s32 @p2 s9, $0x63  }
0x2e7: {  	s21 =	simm.s32 @p2 $0x0;
	p5 =	slt.s32 @p2 s11, $0x63;
	p3 =	por !p3, !p2  }
0x2e8: {  	p4 =	slt.s32 @p2 s10, $0x63;
	p5 =	por !p5, !p2;
	s9 =	simm.s32 @p3 $0x63  }
0x2e9: {  	p4 =	por !p4, !p2;
	s11 =	simm.s32 @p5 $0x63;
	s18 =	smul.u32 @p2 $0x50, s9  }
0x2ea: {  	s10 =	simm.s32 @p4 $0x63;
	p3 =	slt.s32 @p2 s17, $0x63;
	s11 =	smul.u32 @p2 $0x50, s11  }
0x2eb: {  	s9 =	sadd.s32 @p2 $0x9, s16;
	s10 =	smul.u32 @p2 $0x50, s10;
	p3 =	por !p3, !p2  }
0x2ec: {  	s17 =	simm.s32 @p3 $0x63;
	p3 =	slt.s32 @p2 s9, $0x63;
	s11 =	sadd.s32 @p2 s6, s11  }
0x2ed: {  	s16 =	sadd.s32 @p2 s6, s18;
	s10 =	sadd.s32 @p2 s6, s10;
	s11 =	sshll.u32 @p2 s11, $0x4  }
0x2ee: {  	s18 =	simm.s32 @p2 $0x7;
	p3 =	por !p3, !p2;
	s11 =	sadd.s32 @p2 s1, s11  }
0x2ef: {  	[tilespmem:s21], [sflag:$0x1] =	stream.linear.gather @p2 [hbm4b:s11+s21], $0x2800, $0x38;
	[tilespmem:$0x1B200] =	vst v63  }
0x2f0: {  	s16 =	sshll.u32 @p2 s16, $0x4;
	s10 =	sshll.u32 @p2 s10, $0x4;
	_ =	swait.ge @p2 [sflag:s18], $0x2800  }
0x2f1: {  	s16 =	sadd.s32 @p2 s1, s16;
	s11 =	smul.u32 @p2 $0x50, s17;
	[sflag:s18] =	ssyncset.done @p2 $0x0  }
.Ltmp7:
0x2f2: {  	s17 =	simm.s32 @p2 $0x8;
	[sflag:s18] =	ssyncadd.s32 @p2 $0xFFFFD800;
	(pc) =	sbr.rel @p1 .LBB2_10-.Ltmp7, $4  }
0x2f3: {  	[tilespmem:s19], [sflag:$0x2] =	stream.linear.gather @p2 [hbm4b:s16+s21], $0x2800, $0x38;
	[tilespmem:$0x1B200] =	vst v63  }
0x2f4: {  	s9 =	simm.s32 @p3 $0x63;
	s11 =	sadd.s32 @p2 s6, s11;
	_ =	swait.ge @p2 [sflag:s17], $0x2800  }
0x2f5: {  	s10 =	sadd.s32 @p2 s1, s10;
	s11 =	sshll.u32 @p2 s11, $0x4;
	[sflag:s17] =	ssyncset.done @p2 $0x0  }
0x2f6: {  	s11 =	sadd.s32 @p2 s1, s11;
	[sflag:s17] =	ssyncadd.s32 @p2 $0xFFFFD800;
	s17 =	simm.s32 @p2 $0x5000  }
.Ltmp8:
0x2f7: {  	(pc) =	sbr.rel .LBB2_12-.Ltmp8, $2  }
0x2f8: {  	_ =	sdelay $0x2  }
0x2f9: {  	s16 =	smov.u32 s15;
	s14 =	smov.u32 s13  }
.LBB2_9:
.Ltmp9:
0x2fa: {  	(pc) =	sbr.rel .LBB2_12-.Ltmp9, $2  }
0x2fb: {  	_ =	sdelay $0x2  }
0x2fc: {  	s16 =	smov.u32 s15;
	s14 =	simm.s32 $0x1  }
.LBB2_14:
0x2fd: {  	_ =	sfence.sel $0x180000  }
0x2fe: {  	[bflag:$0x0] =	sbarrier.arrive $0xFFFF  }
0x2ff: {  	_ =	strace $0x90000047  }
0x300: {  	s0 =	stileid.u32;
	[bflag:$0x2] =	sbarrier.arrive $0xFFFF  }
0x301: {  	p0 =	sne.s32 s0, $0x0;
	s0 =	rddreg [dreg:$0x4]  }
0x302: {  	s0 =	sadd.s32 @!p0 $0x100000, s0  }
0x303: {  	[sflag:s0] =	ssyncadd.tile.s32 @!p0 $0x1;
	_ =	shalt  }
.Lfunc_end2:
_tile_overlayer_lowered:
.L_overlay_start_2:
0x304: {  	(tag) =	ssettag $0x2  }
0x305: {  	s0 =	rddreg [dreg:$0x0];
	s2 =	stileid.u32  }
0x306: {  	s1 =	rddreg [dreg:$0x1];
	p0 =	sne.s32 s2, $0x0  }
0x307: {  	s3 =	rddreg [dreg:$0x2];
	[bflag:$0x3] =	sbarrier.arrive $0xFFFF;
	s2 =	simm.s32 @!p0 $0x1C0C  }
0x308: {  	[timem:s3], [sflag:s2] =	dma.local @!p0 [hbm:s0], s1  }
0x309: {  	s0 =	simm.s32 @!p0 $0xC  }
0x30a: {  	_ =	swait.ge @!p0 [sflag:s0], s1  }
0x30b: {  	s1 =	ssub.s32 @!p0 $0x0, s1;
	[sflag:s0] =	ssyncset.done @!p0 $0x0  }
0x30c: {  	[sflag:s0] =	ssyncadd.s32 @!p0 s1  }
0x30d: {  	[bflag:$0x3] =	sbarrier.arrive $0xFFFF  }
0x30e: {  	_ =	shalt  }

</sc_bundles>
